<compile_context>
chip_gen: v7x
topology: tpu7x:2x2x1
jax: 0.10.2.dev20260603
libtpu: 0.0.44.dev20260713+nightly
codegen_flags: <defaults>
</compile_context>

<pallas_src>
import functools

import jax
import jax.numpy as jnp
from jax import lax
from jax.experimental import pallas as pl
from jax.experimental.pallas import tpu as pltpu
from jax.experimental.pallas import tpu_sc as plsc

VOCAB = 1000000
EMB = 64
B = 4096
L = 200
CLS = 128

NC = 2
NS = 16
NW = NC * NS
ROWS_PER_W = B // NW
CHUNK = 100
CHUNKS_PER_ROW = L // CHUNK
NCHUNK = ROWS_PER_W * CHUNKS_PER_ROW
NLANE = EMB // 16


NSLOT = 4
UNROLL = 4


def _pool_body(seq_hbm, table_hbm, out_hbm, idx_v, buf_v, out_v, sems):
    wid = lax.axis_index("s") * NC + lax.axis_index("c")
    base = wid * NCHUNK
    pltpu.sync_copy(seq_hbm.at[pl.ds(base, NCHUNK)], idx_v)

    def issue(row, slot):
        for half in range(CHUNKS_PER_ROW):
            pltpu.async_copy(
                table_hbm.at[idx_v.at[CHUNKS_PER_ROW * row + half]],
                buf_v.at[slot, half], sems[slot])

    def drain(row, slot):
        for half in range(CHUNKS_PER_ROW):
            pltpu.make_async_copy(
                table_hbm.at[idx_v.at[CHUNKS_PER_ROW * row + half]],
                buf_v.at[slot, half], sems[slot]).wait()

    def compute(i, slot):
        def max_body(j, acc):
            new = list(acc)
            for jj in range(UNROLL):
                for c in range(NLANE):
                    m = new[c]
                    for half in range(CHUNKS_PER_ROW):
                        m = jnp.maximum(
                            m,
                            buf_v[slot, half, UNROLL * j + jj,
                                  pl.ds(c * 16, 16)])
                    new[c] = m
            return tuple(new)

        init = tuple(jnp.full((16,), -jnp.inf, jnp.float32)
                     for _ in range(NLANE))
        acc = lax.fori_loop(0, CHUNK // UNROLL, max_body, init)
        for c in range(NLANE):
            out_v[i, pl.ds(c * 16, 16)] = acc[c]

    for s in range(NSLOT):
        issue(s, s)

    def group_body(g, carry):
        r0 = NSLOT * g
        for s in range(NSLOT):
            drain(r0 + s, s)
            compute(r0 + s, s)

            @pl.when(r0 + s + NSLOT < ROWS_PER_W)
            def _():
                issue(r0 + s + NSLOT, s)
        return carry

    lax.fori_loop(0, ROWS_PER_W // NSLOT, group_body, 0)
    pltpu.sync_copy(out_v, out_hbm.at[pl.ds(wid * ROWS_PER_W, ROWS_PER_W)])


@functools.partial(
    pl.kernel,
    out_type=jax.ShapeDtypeStruct((B, EMB), jnp.float32),
    mesh=plsc.VectorSubcoreMesh(core_axis_name="c", subcore_axis_name="s"),
    scratch_types=[
        pltpu.VMEM((NCHUNK, CHUNK), jnp.int32),
        pltpu.VMEM((NSLOT, CHUNKS_PER_ROW, CHUNK, EMB), jnp.float32),
        pltpu.VMEM((ROWS_PER_W, EMB), jnp.float32),
    ] + [pltpu.SemaphoreType.DMA] * NSLOT,
    compiler_params=pltpu.CompilerParams(use_tc_tiling_on_sc=False),
)
def _pool_sc(seq_hbm, table_hbm, out_hbm, idx_v, buf_v, out_v, *sems):
    _pool_body(seq_hbm, table_hbm, out_hbm, idx_v, buf_v, out_v, sems)


def _mlp_body(x_ref, w_ref, b_ref, o_ref):
    o_ref[...] = (
        jnp.dot(x_ref[...], w_ref[...], preferred_element_type=jnp.float32)
        + b_ref[...]
    )


def _mlp(x, w, b2):
    return pl.pallas_call(
        _mlp_body,
        out_shape=jax.ShapeDtypeStruct((B, CLS), jnp.float32),
    )(x, w, b2)


def kernel(tokenizedSeqArr, table, W, b):
    seq2 = tokenizedSeqArr.reshape(B * CHUNKS_PER_ROW, CHUNK)
    pooled = _pool_sc(seq2, table)
    return _mlp(pooled, W, b.reshape(1, CLS))

# --- scband reference (transcript-rebuilt; emitter-appended) ---
"""Pipeline reference for scband-fast-text-67920612819672 (READ-ONLY COPY).

The authoritative reference and input builder live on the scoring server;
editing this copy changes nothing except your own understanding.
"""

import jax, jax.numpy as jnp
import numpy as np

VOCAB = 1000000
EMB = 64
B = 4096
L = 200
CLS = 128
PAD_IDX = 0


def setup_inputs(seed: int = 0) -> dict:
    key = jax.random.key(seed)
    k1, k2, k3 = jax.random.split(key, 3)
    tokenizedSeqArr = jax.random.randint(k1, (B, L), 0, VOCAB, dtype=jnp.int32)
    table = jax.random.normal(k2, (VOCAB, EMB), dtype=jnp.float32) * 0.02
    table = table.at[PAD_IDX].set(0.0)  # padding_idx row zeroed
    W = jax.random.normal(k3, (EMB, CLS), dtype=jnp.float32) * 0.05
    b = jnp.zeros((CLS,), dtype=jnp.float32)
    return {"tokenizedSeqArr": tokenizedSeqArr, "table": table, "W": W, "b": b}


def reference(tokenizedSeqArr, table, W, b):
    # embedding lookup (gather)
    x = jnp.take(table, tokenizedSeqArr, axis=0)  # [B, L, EMB]
    # dropout p=0.0 / eval mode -> identity
    # max-pool over sequence dimension
    x = jnp.max(x, axis=1)  # [B, EMB]
    # fcLinear MLP: single linear layer embSize -> classNum
    y_logit = x @ W + b  # [B, CLS]
    return y_logit

if __name__ == "__main__":
    import jax
    _d = setup_inputs()
    print(jax.jit(kernel)(*tuple(_d.values())))

</pallas_src>

<mosaic_0001>
#map = affine_map<(d0, d1) -> (0, 0)>
module attributes {stable_mosaic.version = 14 : i64} {
  func.func @_pool_sc(%arg0: i32, %arg1: i32, %arg2: memref<8192x100xi32, #tpu.memory_space<hbm>>, %arg3: memref<1000000x64xf32, #tpu.memory_space<hbm>>, %arg4: memref<4096x64xf32, #tpu.memory_space<hbm>>, %arg5: memref<256x100xi32, #tpu.memory_space<vmem>>, %arg6: memref<4x2x100x64xf32, #tpu.memory_space<vmem>>, %arg7: memref<128x64xf32, #tpu.memory_space<vmem>>, %arg8: memref<!tpu.dma_semaphore, #tpu.memory_space<semaphore_mem>>, %arg9: memref<!tpu.dma_semaphore, #tpu.memory_space<semaphore_mem>>, %arg10: memref<!tpu.dma_semaphore, #tpu.memory_space<semaphore_mem>>, %arg11: memref<!tpu.dma_semaphore, #tpu.memory_space<semaphore_mem>>) attributes {dimension_semantics = [#tpu.dimension_semantics<core_parallel>, #tpu.dimension_semantics<subcore_parallel>], iteration_bounds = array<i64: 2, 16>, scalar_prefetch = 0 : i64, scratch_operands = 7 : i64, tpu.core_type = #tpu.core_type<sc_vector_subcore>, window_params = [{transform_indices = #map}, {transform_indices = #map}, {transform_indices = #map}]} {
    %mul3A = arith.constant 2 : i32
    %mul3A_0 = arith.muli %arg1, %mul3A : i32
    %add3A = arith.addi %mul3A_0, %arg0 : i32
    %mul3A_1 = arith.constant 256 : i32
    %mul3A_2 = arith.muli %add3A, %mul3A_1 : i32
    "tpu.region"() ({
      %run_scoped3A = tpu.sem_alloc : memref<!tpu.dma_semaphore, #tpu.memory_space<semaphore_mem>>
      %dma_start3A_113 = arith.constant 0 : i32
      %dma_start3A_114 = tpu.memref_slice %arg2[%mul3A_2, %dma_start3A_113] : memref<8192x100xi32, #tpu.memory_space<hbm>> -> memref<256x100xi32, #tpu.memory_space<hbm>>
      %dma_start3A_115 = arith.constant 0 : i32
      %dma_start3A_116 = tpu.memref_slice %arg2[%mul3A_2, %dma_start3A_115] : memref<8192x100xi32, #tpu.memory_space<hbm>> -> memref<256x100xi32, #tpu.memory_space<hbm>>
      tpu.enqueue_dma source(%dma_start3A_116 : memref<256x100xi32, #tpu.memory_space<hbm>>) target(%arg5 : memref<256x100xi32, #tpu.memory_space<vmem>>) target_semaphore(%run_scoped3A : memref<!tpu.dma_semaphore, #tpu.memory_space<semaphore_mem>>)
      %dma_wait3A = arith.constant 0 : i32
      %dma_wait3A_117 = tpu.memref_slice %arg2[%mul3A_2, %dma_wait3A] : memref<8192x100xi32, #tpu.memory_space<hbm>> -> memref<256x100xi32, #tpu.memory_space<hbm>>
      %dma_wait3A_118 = arith.constant 0 : i32
      %dma_wait3A_119 = tpu.memref_slice %arg2[%mul3A_2, %dma_wait3A_118] : memref<8192x100xi32, #tpu.memory_space<hbm>> -> memref<256x100xi32, #tpu.memory_space<hbm>>
      tpu.wait_dma2 semaphore(%run_scoped3A : memref<!tpu.dma_semaphore, #tpu.memory_space<semaphore_mem>>) src(%dma_wait3A_119 : memref<256x100xi32, #tpu.memory_space<hbm>>) dst(%arg5 : memref<256x100xi32, #tpu.memory_space<vmem>>)
      tpu.yield
    }) : () -> ()
    %dma_start3A = arith.constant 0 : i32
    %dma_start3A_3 = arith.constant 0 : i32
    %dma_start3A_4 = arith.constant 0 : i32
    %dma_start3A_5 = arith.constant 0 : i32
    %dma_start3A_6 = arith.constant 0 : i32
    %dma_start3A_7 = tpu.memref_slice %arg6[%dma_start3A_3, %dma_start3A_4, %dma_start3A_5, %dma_start3A_6] : memref<4x2x100x64xf32, #tpu.memory_space<vmem>> -> memref<1x1x100x64xf32, #tpu.memory_space<vmem>>
    %dma_start3A_8 = tpu.memref_squeeze %dma_start3A_7 : memref<1x1x100x64xf32, #tpu.memory_space<vmem>> -> memref<100x64xf32, #tpu.memory_space<vmem>>
    %dma_start3A_9 = arith.constant 0 : i32
    %dma_start3A_10 = tpu.memref_slice %arg5[%dma_start3A, %dma_start3A_9] : memref<256x100xi32, #tpu.memory_space<vmem>> -> memref<1x100xi32, #tpu.memory_space<vmem>>
    %dma_start3A_11 = tpu.memref_squeeze %dma_start3A_10 : memref<1x100xi32, #tpu.memory_space<vmem>> -> memref<100xi32, #tpu.memory_space<vmem>>
    %dma_start3A_12 = arith.constant 0 : i32
    %dma_start3A_13 = arith.constant 0 : i32
    %dma_start3A_14 = tpu.memref_slice %arg3[%dma_start3A_12, %dma_start3A_13] : memref<1000000x64xf32, #tpu.memory_space<hbm>> -> memref<1000000x64xf32, #tpu.memory_space<hbm>>
    tpu.enqueue_indirect_dma source(%dma_start3A_14 : memref<1000000x64xf32, #tpu.memory_space<hbm>>) target(%dma_start3A_8 : memref<100x64xf32, #tpu.memory_space<vmem>>) offsets(%dma_start3A_11 : memref<100xi32, #tpu.memory_space<vmem>>) semaphore(%arg8 : memref<!tpu.dma_semaphore, #tpu.memory_space<semaphore_mem>>)
    %dma_start3A_15 = arith.constant 1 : i32
    %dma_start3A_16 = arith.constant 0 : i32
    %dma_start3A_17 = arith.constant 1 : i32
    %dma_start3A_18 = arith.constant 0 : i32
    %dma_start3A_19 = arith.constant 0 : i32
    %dma_start3A_20 = tpu.memref_slice %arg6[%dma_start3A_16, %dma_start3A_17, %dma_start3A_18, %dma_start3A_19] : memref<4x2x100x64xf32, #tpu.memory_space<vmem>> -> memref<1x1x100x64xf32, #tpu.memory_space<vmem>>
    %dma_start3A_21 = tpu.memref_squeeze %dma_start3A_20 : memref<1x1x100x64xf32, #tpu.memory_space<vmem>> -> memref<100x64xf32, #tpu.memory_space<vmem>>
    %dma_start3A_22 = arith.constant 0 : i32
    %dma_start3A_23 = tpu.memref_slice %arg5[%dma_start3A_15, %dma_start3A_22] : memref<256x100xi32, #tpu.memory_space<vmem>> -> memref<1x100xi32, #tpu.memory_space<vmem>>
    %dma_start3A_24 = tpu.memref_squeeze %dma_start3A_23 : memref<1x100xi32, #tpu.memory_space<vmem>> -> memref<100xi32, #tpu.memory_space<vmem>>
    %dma_start3A_25 = arith.constant 0 : i32
    %dma_start3A_26 = arith.constant 0 : i32
    %dma_start3A_27 = tpu.memref_slice %arg3[%dma_start3A_25, %dma_start3A_26] : memref<1000000x64xf32, #tpu.memory_space<hbm>> -> memref<1000000x64xf32, #tpu.memory_space<hbm>>
    tpu.enqueue_indirect_dma source(%dma_start3A_27 : memref<1000000x64xf32, #tpu.memory_space<hbm>>) target(%dma_start3A_21 : memref<100x64xf32, #tpu.memory_space<vmem>>) offsets(%dma_start3A_24 : memref<100xi32, #tpu.memory_space<vmem>>) semaphore(%arg8 : memref<!tpu.dma_semaphore, #tpu.memory_space<semaphore_mem>>)
    %dma_start3A_28 = arith.constant 2 : i32
    %dma_start3A_29 = arith.constant 1 : i32
    %dma_start3A_30 = arith.constant 0 : i32
    %dma_start3A_31 = arith.constant 0 : i32
    %dma_start3A_32 = arith.constant 0 : i32
    %dma_start3A_33 = tpu.memref_slice %arg6[%dma_start3A_29, %dma_start3A_30, %dma_start3A_31, %dma_start3A_32] : memref<4x2x100x64xf32, #tpu.memory_space<vmem>> -> memref<1x1x100x64xf32, #tpu.memory_space<vmem>>
    %dma_start3A_34 = tpu.memref_squeeze %dma_start3A_33 : memref<1x1x100x64xf32, #tpu.memory_space<vmem>> -> memref<100x64xf32, #tpu.memory_space<vmem>>
    %dma_start3A_35 = arith.constant 0 : i32
    %dma_start3A_36 = tpu.memref_slice %arg5[%dma_start3A_28, %dma_start3A_35] : memref<256x100xi32, #tpu.memory_space<vmem>> -> memref<1x100xi32, #tpu.memory_space<vmem>>
    %dma_start3A_37 = tpu.memref_squeeze %dma_start3A_36 : memref<1x100xi32, #tpu.memory_space<vmem>> -> memref<100xi32, #tpu.memory_space<vmem>>
    %dma_start3A_38 = arith.constant 0 : i32
    %dma_start3A_39 = arith.constant 0 : i32
    %dma_start3A_40 = tpu.memref_slice %arg3[%dma_start3A_38, %dma_start3A_39] : memref<1000000x64xf32, #tpu.memory_space<hbm>> -> memref<1000000x64xf32, #tpu.memory_space<hbm>>
    tpu.enqueue_indirect_dma source(%dma_start3A_40 : memref<1000000x64xf32, #tpu.memory_space<hbm>>) target(%dma_start3A_34 : memref<100x64xf32, #tpu.memory_space<vmem>>) offsets(%dma_start3A_37 : memref<100xi32, #tpu.memory_space<vmem>>) semaphore(%arg9 : memref<!tpu.dma_semaphore, #tpu.memory_space<semaphore_mem>>)
    %dma_start3A_41 = arith.constant 3 : i32
    %dma_start3A_42 = arith.constant 1 : i32
    %dma_start3A_43 = arith.constant 1 : i32
    %dma_start3A_44 = arith.constant 0 : i32
    %dma_start3A_45 = arith.constant 0 : i32
    %dma_start3A_46 = tpu.memref_slice %arg6[%dma_start3A_42, %dma_start3A_43, %dma_start3A_44, %dma_start3A_45] : memref<4x2x100x64xf32, #tpu.memory_space<vmem>> -> memref<1x1x100x64xf32, #tpu.memory_space<vmem>>
    %dma_start3A_47 = tpu.memref_squeeze %dma_start3A_46 : memref<1x1x100x64xf32, #tpu.memory_space<vmem>> -> memref<100x64xf32, #tpu.memory_space<vmem>>
    %dma_start3A_48 = arith.constant 0 : i32
    %dma_start3A_49 = tpu.memref_slice %arg5[%dma_start3A_41, %dma_start3A_48] : memref<256x100xi32, #tpu.memory_space<vmem>> -> memref<1x100xi32, #tpu.memory_space<vmem>>
    %dma_start3A_50 = tpu.memref_squeeze %dma_start3A_49 : memref<1x100xi32, #tpu.memory_space<vmem>> -> memref<100xi32, #tpu.memory_space<vmem>>
    %dma_start3A_51 = arith.constant 0 : i32
    %dma_start3A_52 = arith.constant 0 : i32
    %dma_start3A_53 = tpu.memref_slice %arg3[%dma_start3A_51, %dma_start3A_52] : memref<1000000x64xf32, #tpu.memory_space<hbm>> -> memref<1000000x64xf32, #tpu.memory_space<hbm>>
    tpu.enqueue_indirect_dma source(%dma_start3A_53 : memref<1000000x64xf32, #tpu.memory_space<hbm>>) target(%dma_start3A_47 : memref<100x64xf32, #tpu.memory_space<vmem>>) offsets(%dma_start3A_50 : memref<100xi32, #tpu.memory_space<vmem>>) semaphore(%arg9 : memref<!tpu.dma_semaphore, #tpu.memory_space<semaphore_mem>>)
    %dma_start3A_54 = arith.constant 4 : i32
    %dma_start3A_55 = arith.constant 2 : i32
    %dma_start3A_56 = arith.constant 0 : i32
    %dma_start3A_57 = arith.constant 0 : i32
    %dma_start3A_58 = arith.constant 0 : i32
    %dma_start3A_59 = tpu.memref_slice %arg6[%dma_start3A_55, %dma_start3A_56, %dma_start3A_57, %dma_start3A_58] : memref<4x2x100x64xf32, #tpu.memory_space<vmem>> -> memref<1x1x100x64xf32, #tpu.memory_space<vmem>>
    %dma_start3A_60 = tpu.memref_squeeze %dma_start3A_59 : memref<1x1x100x64xf32, #tpu.memory_space<vmem>> -> memref<100x64xf32, #tpu.memory_space<vmem>>
    %dma_start3A_61 = arith.constant 0 : i32
    %dma_start3A_62 = tpu.memref_slice %arg5[%dma_start3A_54, %dma_start3A_61] : memref<256x100xi32, #tpu.memory_space<vmem>> -> memref<1x100xi32, #tpu.memory_space<vmem>>
    %dma_start3A_63 = tpu.memref_squeeze %dma_start3A_62 : memref<1x100xi32, #tpu.memory_space<vmem>> -> memref<100xi32, #tpu.memory_space<vmem>>
    %dma_start3A_64 = arith.constant 0 : i32
    %dma_start3A_65 = arith.constant 0 : i32
    %dma_start3A_66 = tpu.memref_slice %arg3[%dma_start3A_64, %dma_start3A_65] : memref<1000000x64xf32, #tpu.memory_space<hbm>> -> memref<1000000x64xf32, #tpu.memory_space<hbm>>
    tpu.enqueue_indirect_dma source(%dma_start3A_66 : memref<1000000x64xf32, #tpu.memory_space<hbm>>) target(%dma_start3A_60 : memref<100x64xf32, #tpu.memory_space<vmem>>) offsets(%dma_start3A_63 : memref<100xi32, #tpu.memory_space<vmem>>) semaphore(%arg10 : memref<!tpu.dma_semaphore, #tpu.memory_space<semaphore_mem>>)
    %dma_start3A_67 = arith.constant 5 : i32
    %dma_start3A_68 = arith.constant 2 : i32
    %dma_start3A_69 = arith.constant 1 : i32
    %dma_start3A_70 = arith.constant 0 : i32
    %dma_start3A_71 = arith.constant 0 : i32
    %dma_start3A_72 = tpu.memref_slice %arg6[%dma_start3A_68, %dma_start3A_69, %dma_start3A_70, %dma_start3A_71] : memref<4x2x100x64xf32, #tpu.memory_space<vmem>> -> memref<1x1x100x64xf32, #tpu.memory_space<vmem>>
    %dma_start3A_73 = tpu.memref_squeeze %dma_start3A_72 : memref<1x1x100x64xf32, #tpu.memory_space<vmem>> -> memref<100x64xf32, #tpu.memory_space<vmem>>
    %dma_start3A_74 = arith.constant 0 : i32
    %dma_start3A_75 = tpu.memref_slice %arg5[%dma_start3A_67, %dma_start3A_74] : memref<256x100xi32, #tpu.memory_space<vmem>> -> memref<1x100xi32, #tpu.memory_space<vmem>>
    %dma_start3A_76 = tpu.memref_squeeze %dma_start3A_75 : memref<1x100xi32, #tpu.memory_space<vmem>> -> memref<100xi32, #tpu.memory_space<vmem>>
    %dma_start3A_77 = arith.constant 0 : i32
    %dma_start3A_78 = arith.constant 0 : i32
    %dma_start3A_79 = tpu.memref_slice %arg3[%dma_start3A_77, %dma_start3A_78] : memref<1000000x64xf32, #tpu.memory_space<hbm>> -> memref<1000000x64xf32, #tpu.memory_space<hbm>>
    tpu.enqueue_indirect_dma source(%dma_start3A_79 : memref<1000000x64xf32, #tpu.memory_space<hbm>>) target(%dma_start3A_73 : memref<100x64xf32, #tpu.memory_space<vmem>>) offsets(%dma_start3A_76 : memref<100xi32, #tpu.memory_space<vmem>>) semaphore(%arg10 : memref<!tpu.dma_semaphore, #tpu.memory_space<semaphore_mem>>)
    %dma_start3A_80 = arith.constant 6 : i32
    %dma_start3A_81 = arith.constant 3 : i32
    %dma_start3A_82 = arith.constant 0 : i32
    %dma_start3A_83 = arith.constant 0 : i32
    %dma_start3A_84 = arith.constant 0 : i32
    %dma_start3A_85 = tpu.memref_slice %arg6[%dma_start3A_81, %dma_start3A_82, %dma_start3A_83, %dma_start3A_84] : memref<4x2x100x64xf32, #tpu.memory_space<vmem>> -> memref<1x1x100x64xf32, #tpu.memory_space<vmem>>
    %dma_start3A_86 = tpu.memref_squeeze %dma_start3A_85 : memref<1x1x100x64xf32, #tpu.memory_space<vmem>> -> memref<100x64xf32, #tpu.memory_space<vmem>>
    %dma_start3A_87 = arith.constant 0 : i32
    %dma_start3A_88 = tpu.memref_slice %arg5[%dma_start3A_80, %dma_start3A_87] : memref<256x100xi32, #tpu.memory_space<vmem>> -> memref<1x100xi32, #tpu.memory_space<vmem>>
    %dma_start3A_89 = tpu.memref_squeeze %dma_start3A_88 : memref<1x100xi32, #tpu.memory_space<vmem>> -> memref<100xi32, #tpu.memory_space<vmem>>
    %dma_start3A_90 = arith.constant 0 : i32
    %dma_start3A_91 = arith.constant 0 : i32
    %dma_start3A_92 = tpu.memref_slice %arg3[%dma_start3A_90, %dma_start3A_91] : memref<1000000x64xf32, #tpu.memory_space<hbm>> -> memref<1000000x64xf32, #tpu.memory_space<hbm>>
    tpu.enqueue_indirect_dma source(%dma_start3A_92 : memref<1000000x64xf32, #tpu.memory_space<hbm>>) target(%dma_start3A_86 : memref<100x64xf32, #tpu.memory_space<vmem>>) offsets(%dma_start3A_89 : memref<100xi32, #tpu.memory_space<vmem>>) semaphore(%arg11 : memref<!tpu.dma_semaphore, #tpu.memory_space<semaphore_mem>>)
    %dma_start3A_93 = arith.constant 7 : i32
    %dma_start3A_94 = arith.constant 3 : i32
    %dma_start3A_95 = arith.constant 1 : i32
    %dma_start3A_96 = arith.constant 0 : i32
    %dma_start3A_97 = arith.constant 0 : i32
    %dma_start3A_98 = tpu.memref_slice %arg6[%dma_start3A_94, %dma_start3A_95, %dma_start3A_96, %dma_start3A_97] : memref<4x2x100x64xf32, #tpu.memory_space<vmem>> -> memref<1x1x100x64xf32, #tpu.memory_space<vmem>>
    %dma_start3A_99 = tpu.memref_squeeze %dma_start3A_98 : memref<1x1x100x64xf32, #tpu.memory_space<vmem>> -> memref<100x64xf32, #tpu.memory_space<vmem>>
    %dma_start3A_100 = arith.constant 0 : i32
    %dma_start3A_101 = tpu.memref_slice %arg5[%dma_start3A_93, %dma_start3A_100] : memref<256x100xi32, #tpu.memory_space<vmem>> -> memref<1x100xi32, #tpu.memory_space<vmem>>
    %dma_start3A_102 = tpu.memref_squeeze %dma_start3A_101 : memref<1x100xi32, #tpu.memory_space<vmem>> -> memref<100xi32, #tpu.memory_space<vmem>>
    %dma_start3A_103 = arith.constant 0 : i32
    %dma_start3A_104 = arith.constant 0 : i32
    %dma_start3A_105 = tpu.memref_slice %arg3[%dma_start3A_103, %dma_start3A_104] : memref<1000000x64xf32, #tpu.memory_space<hbm>> -> memref<1000000x64xf32, #tpu.memory_space<hbm>>
    tpu.enqueue_indirect_dma source(%dma_start3A_105 : memref<1000000x64xf32, #tpu.memory_space<hbm>>) target(%dma_start3A_99 : memref<100x64xf32, #tpu.memory_space<vmem>>) offsets(%dma_start3A_102 : memref<100xi32, #tpu.memory_space<vmem>>) semaphore(%arg11 : memref<!tpu.dma_semaphore, #tpu.memory_space<semaphore_mem>>)
    %scan3A = arith.constant 0 : i32
    %scan3A_106 = arith.constant 0 : i32
    %scan3A_107 = arith.constant 32 : i32
    %scan3A_108 = arith.addi %scan3A_106, %scan3A_107 : i32
    %scan3A_109 = arith.constant 1 : i32
    scf.for %scan3A_113 = %scan3A_106 to %scan3A_108 step %scan3A_109  : i32 {
      %mul3A_114 = arith.constant 4 : i32
      %mul3A_115 = arith.muli %mul3A_114, %scan3A_113 : i32
      %add3A_116 = arith.constant 0 : i32
      %add3A_117 = arith.addi %mul3A_115, %add3A_116 : i32
      %mul3A_118 = arith.constant 2 : i32
      %mul3A_119 = arith.muli %mul3A_118, %add3A_117 : i32
      %add3A_120 = arith.constant 0 : i32
      %add3A_121 = arith.addi %mul3A_119, %add3A_120 : i32
      %dma_wait3A = arith.constant 0 : i32
      %dma_wait3A_122 = arith.constant 0 : i32
      %dma_wait3A_123 = arith.constant 0 : i32
      %dma_wait3A_124 = arith.constant 0 : i32
      %dma_wait3A_125 = tpu.memref_slice %arg6[%dma_wait3A, %dma_wait3A_122, %dma_wait3A_123, %dma_wait3A_124] : memref<4x2x100x64xf32, #tpu.memory_space<vmem>> -> memref<1x1x100x64xf32, #tpu.memory_space<vmem>>
      %dma_wait3A_126 = tpu.memref_squeeze %dma_wait3A_125 : memref<1x1x100x64xf32, #tpu.memory_space<vmem>> -> memref<100x64xf32, #tpu.memory_space<vmem>>
      %dma_wait3A_127 = arith.constant 0 : i32
      %dma_wait3A_128 = tpu.memref_slice %arg5[%add3A_121, %dma_wait3A_127] : memref<256x100xi32, #tpu.memory_space<vmem>> -> memref<1x100xi32, #tpu.memory_space<vmem>>
      %dma_wait3A_129 = tpu.memref_squeeze %dma_wait3A_128 : memref<1x100xi32, #tpu.memory_space<vmem>> -> memref<100xi32, #tpu.memory_space<vmem>>
      %dma_wait3A_130 = arith.constant 0 : i32
      %dma_wait3A_131 = arith.constant 0 : i32
      %dma_wait3A_132 = tpu.memref_slice %arg3[%dma_wait3A_130, %dma_wait3A_131] : memref<1000000x64xf32, #tpu.memory_space<hbm>> -> memref<1000000x64xf32, #tpu.memory_space<hbm>>
      tpu.wait_indirect_dma semaphore(%arg8 : memref<!tpu.dma_semaphore, #tpu.memory_space<semaphore_mem>>) src(%dma_wait3A_132 : memref<1000000x64xf32, #tpu.memory_space<hbm>>) dst(%dma_wait3A_126 : memref<100x64xf32, #tpu.memory_space<vmem>>)
      %mul3A_133 = arith.constant 2 : i32
      %mul3A_134 = arith.muli %mul3A_133, %add3A_117 : i32
      %add3A_135 = arith.constant 1 : i32
      %add3A_136 = arith.addi %mul3A_134, %add3A_135 : i32
      %dma_wait3A_137 = arith.constant 0 : i32
      %dma_wait3A_138 = arith.constant 1 : i32
      %dma_wait3A_139 = arith.constant 0 : i32
      %dma_wait3A_140 = arith.constant 0 : i32
      %dma_wait3A_141 = tpu.memref_slice %arg6[%dma_wait3A_137, %dma_wait3A_138, %dma_wait3A_139, %dma_wait3A_140] : memref<4x2x100x64xf32, #tpu.memory_space<vmem>> -> memref<1x1x100x64xf32, #tpu.memory_space<vmem>>
      %dma_wait3A_142 = tpu.memref_squeeze %dma_wait3A_141 : memref<1x1x100x64xf32, #tpu.memory_space<vmem>> -> memref<100x64xf32, #tpu.memory_space<vmem>>
      %dma_wait3A_143 = arith.constant 0 : i32
      %dma_wait3A_144 = tpu.memref_slice %arg5[%add3A_136, %dma_wait3A_143] : memref<256x100xi32, #tpu.memory_space<vmem>> -> memref<1x100xi32, #tpu.memory_space<vmem>>
      %dma_wait3A_145 = tpu.memref_squeeze %dma_wait3A_144 : memref<1x100xi32, #tpu.memory_space<vmem>> -> memref<100xi32, #tpu.memory_space<vmem>>
      %dma_wait3A_146 = arith.constant 0 : i32
      %dma_wait3A_147 = arith.constant 0 : i32
      %dma_wait3A_148 = tpu.memref_slice %arg3[%dma_wait3A_146, %dma_wait3A_147] : memref<1000000x64xf32, #tpu.memory_space<hbm>> -> memref<1000000x64xf32, #tpu.memory_space<hbm>>
      tpu.wait_indirect_dma semaphore(%arg8 : memref<!tpu.dma_semaphore, #tpu.memory_space<semaphore_mem>>) src(%dma_wait3A_148 : memref<1000000x64xf32, #tpu.memory_space<hbm>>) dst(%dma_wait3A_142 : memref<100x64xf32, #tpu.memory_space<vmem>>)
      %add3A_149 = arith.constant 0 : i32
      %add3A_150 = arith.addi %mul3A_115, %add3A_149 : i32
      %broadcast_in_dim3A = arith.constant 0xFF800000 : f32
      %broadcast_in_dim3A_151 = vector.broadcast %broadcast_in_dim3A : f32 to vector<16xf32>
      %broadcast_in_dim3A_152 = arith.constant 0xFF800000 : f32
      %broadcast_in_dim3A_153 = vector.broadcast %broadcast_in_dim3A_152 : f32 to vector<16xf32>
      %broadcast_in_dim3A_154 = arith.constant 0xFF800000 : f32
      %broadcast_in_dim3A_155 = vector.broadcast %broadcast_in_dim3A_154 : f32 to vector<16xf32>
      %broadcast_in_dim3A_156 = arith.constant 0xFF800000 : f32
      %broadcast_in_dim3A_157 = vector.broadcast %broadcast_in_dim3A_156 : f32 to vector<16xf32>
      %scan3A_158 = arith.constant 0 : i32
      %scan3A_159 = arith.constant 25 : i32
      %scan3A_160 = arith.addi %scan3A_158, %scan3A_159 : i32
      %scan3A_161 = arith.constant 1 : i32
      %scan3A_162:4 = scf.for %scan3A_426 = %scan3A_158 to %scan3A_160 step %scan3A_161 iter_args(%scan3A_427 = %broadcast_in_dim3A_151, %scan3A_428 = %broadcast_in_dim3A_153, %scan3A_429 = %broadcast_in_dim3A_155, %scan3A_430 = %broadcast_in_dim3A_157) -> (vector<16xf32>, vector<16xf32>, vector<16xf32>, vector<16xf32>)  : i32 {
        %mul3A_431 = arith.constant 4 : i32
        %mul3A_432 = arith.muli %mul3A_431, %scan3A_426 : i32
        %add3A_433 = arith.constant 0 : i32
        %add3A_434 = arith.addi %mul3A_432, %add3A_433 : i32
        %get3A = arith.constant 0 : i32
        %get3A_435 = arith.constant 0 : i32
        %get3A_436 = arith.index_cast %get3A : i32 to index
        %get3A_437 = arith.index_cast %get3A_435 : i32 to index
        %get3A_438 = arith.index_cast %add3A_434 : i32 to index
        %get3A_439 = arith.constant 0 : index
        %get3A_440 = tpu.vector_load %arg6[%get3A_436, %get3A_437, %get3A_438, %get3A_439] {strides = array<i32>} : memref<4x2x100x64xf32, #tpu.memory_space<vmem>>, vector<1x1x1x16xf32>,
        %get3A_441 = vector.shape_cast %get3A_440 : vector<1x1x1x16xf32> to vector<16xf32>
        %max3A = arith.maximumf %scan3A_427, %get3A_441 : vector<16xf32>
        %mul3A_442 = arith.constant 4 : i32
        %mul3A_443 = arith.muli %mul3A_442, %scan3A_426 : i32
        %add3A_444 = arith.constant 0 : i32
        %add3A_445 = arith.addi %mul3A_443, %add3A_444 : i32
        %get3A_446 = arith.constant 0 : i32
        %get3A_447 = arith.constant 1 : i32
        %get3A_448 = arith.index_cast %get3A_446 : i32 to index
        %get3A_449 = arith.index_cast %get3A_447 : i32 to index
        %get3A_450 = arith.index_cast %add3A_445 : i32 to index
        %get3A_451 = arith.constant 0 : index
        %get3A_452 = tpu.vector_load %arg6[%get3A_448, %get3A_449, %get3A_450, %get3A_451] {strides = array<i32>} : memref<4x2x100x64xf32, #tpu.memory_space<vmem>>, vector<1x1x1x16xf32>,
        %get3A_453 = vector.shape_cast %get3A_452 : vector<1x1x1x16xf32> to vector<16xf32>
        %max3A_454 = arith.maximumf %max3A, %get3A_453 : vector<16xf32>
        %mul3A_455 = arith.constant 4 : i32
        %mul3A_456 = arith.muli %mul3A_455, %scan3A_426 : i32
        %add3A_457 = arith.constant 0 : i32
        %add3A_458 = arith.addi %mul3A_456, %add3A_457 : i32
        %get3A_459 = arith.constant 0 : i32
        %get3A_460 = arith.constant 0 : i32
        %get3A_461 = arith.index_cast %get3A_459 : i32 to index
        %get3A_462 = arith.index_cast %get3A_460 : i32 to index
        %get3A_463 = arith.index_cast %add3A_458 : i32 to index
        %get3A_464 = arith.constant 16 : index
        %get3A_465 = tpu.vector_load %arg6[%get3A_461, %get3A_462, %get3A_463, %get3A_464] {strides = array<i32>} : memref<4x2x100x64xf32, #tpu.memory_space<vmem>>, vector<1x1x1x16xf32>,
        %get3A_466 = vector.shape_cast %get3A_465 : vector<1x1x1x16xf32> to vector<16xf32>
        %max3A_467 = arith.maximumf %scan3A_428, %get3A_466 : vector<16xf32>
        %mul3A_468 = arith.constant 4 : i32
        %mul3A_469 = arith.muli %mul3A_468, %scan3A_426 : i32
        %add3A_470 = arith.constant 0 : i32
        %add3A_471 = arith.addi %mul3A_469, %add3A_470 : i32
        %get3A_472 = arith.constant 0 : i32
        %get3A_473 = arith.constant 1 : i32
        %get3A_474 = arith.index_cast %get3A_472 : i32 to index
        %get3A_475 = arith.index_cast %get3A_473 : i32 to index
        %get3A_476 = arith.index_cast %add3A_471 : i32 to index
        %get3A_477 = arith.constant 16 : index
        %get3A_478 = tpu.vector_load %arg6[%get3A_474, %get3A_475, %get3A_476, %get3A_477] {strides = array<i32>} : memref<4x2x100x64xf32, #tpu.memory_space<vmem>>, vector<1x1x1x16xf32>,
        %get3A_479 = vector.shape_cast %get3A_478 : vector<1x1x1x16xf32> to vector<16xf32>
        %max3A_480 = arith.maximumf %max3A_467, %get3A_479 : vector<16xf32>
        %mul3A_481 = arith.constant 4 : i32
        %mul3A_482 = arith.muli %mul3A_481, %scan3A_426 : i32
        %add3A_483 = arith.constant 0 : i32
        %add3A_484 = arith.addi %mul3A_482, %add3A_483 : i32
        %get3A_485 = arith.constant 0 : i32
        %get3A_486 = arith.constant 0 : i32
        %get3A_487 = arith.index_cast %get3A_485 : i32 to index
        %get3A_488 = arith.index_cast %get3A_486 : i32 to index
        %get3A_489 = arith.index_cast %add3A_484 : i32 to index
        %get3A_490 = arith.constant 32 : index
        %get3A_491 = tpu.vector_load %arg6[%get3A_487, %get3A_488, %get3A_489, %get3A_490] {strides = array<i32>} : memref<4x2x100x64xf32, #tpu.memory_space<vmem>>, vector<1x1x1x16xf32>,
        %get3A_492 = vector.shape_cast %get3A_491 : vector<1x1x1x16xf32> to vector<16xf32>
        %max3A_493 = arith.maximumf %scan3A_429, %get3A_492 : vector<16xf32>
        %mul3A_494 = arith.constant 4 : i32
        %mul3A_495 = arith.muli %mul3A_494, %scan3A_426 : i32
        %add3A_496 = arith.constant 0 : i32
        %add3A_497 = arith.addi %mul3A_495, %add3A_496 : i32
        %get3A_498 = arith.constant 0 : i32
        %get3A_499 = arith.constant 1 : i32
        %get3A_500 = arith.index_cast %get3A_498 : i32 to index
        %get3A_501 = arith.index_cast %get3A_499 : i32 to index
        %get3A_502 = arith.index_cast %add3A_497 : i32 to index
        %get3A_503 = arith.constant 32 : index
        %get3A_504 = tpu.vector_load %arg6[%get3A_500, %get3A_501, %get3A_502, %get3A_503] {strides = array<i32>} : memref<4x2x100x64xf32, #tpu.memory_space<vmem>>, vector<1x1x1x16xf32>,
        %get3A_505 = vector.shape_cast %get3A_504 : vector<1x1x1x16xf32> to vector<16xf32>
        %max3A_506 = arith.maximumf %max3A_493, %get3A_505 : vector<16xf32>
        %mul3A_507 = arith.constant 4 : i32
        %mul3A_508 = arith.muli %mul3A_507, %scan3A_426 : i32
        %add3A_509 = arith.constant 0 : i32
        %add3A_510 = arith.addi %mul3A_508, %add3A_509 : i32
        %get3A_511 = arith.constant 0 : i32
        %get3A_512 = arith.constant 0 : i32
        %get3A_513 = arith.index_cast %get3A_511 : i32 to index
        %get3A_514 = arith.index_cast %get3A_512 : i32 to index
        %get3A_515 = arith.index_cast %add3A_510 : i32 to index
        %get3A_516 = arith.constant 48 : index
        %get3A_517 = tpu.vector_load %arg6[%get3A_513, %get3A_514, %get3A_515, %get3A_516] {strides = array<i32>} : memref<4x2x100x64xf32, #tpu.memory_space<vmem>>, vector<1x1x1x16xf32>,
        %get3A_518 = vector.shape_cast %get3A_517 : vector<1x1x1x16xf32> to vector<16xf32>
        %max3A_519 = arith.maximumf %scan3A_430, %get3A_518 : vector<16xf32>
        %mul3A_520 = arith.constant 4 : i32
        %mul3A_521 = arith.muli %mul3A_520, %scan3A_426 : i32
        %add3A_522 = arith.constant 0 : i32
        %add3A_523 = arith.addi %mul3A_521, %add3A_522 : i32
        %get3A_524 = arith.constant 0 : i32
        %get3A_525 = arith.constant 1 : i32
        %get3A_526 = arith.index_cast %get3A_524 : i32 to index
        %get3A_527 = arith.index_cast %get3A_525 : i32 to index
        %get3A_528 = arith.index_cast %add3A_523 : i32 to index
        %get3A_529 = arith.constant 48 : index
        %get3A_530 = tpu.vector_load %arg6[%get3A_526, %get3A_527, %get3A_528, %get3A_529] {strides = array<i32>} : memref<4x2x100x64xf32, #tpu.memory_space<vmem>>, vector<1x1x1x16xf32>,
        %get3A_531 = vector.shape_cast %get3A_530 : vector<1x1x1x16xf32> to vector<16xf32>
        %max3A_532 = arith.maximumf %max3A_519, %get3A_531 : vector<16xf32>
        %mul3A_533 = arith.constant 4 : i32
        %mul3A_534 = arith.muli %mul3A_533, %scan3A_426 : i32
        %add3A_535 = arith.constant 1 : i32
        %add3A_536 = arith.addi %mul3A_534, %add3A_535 : i32
        %get3A_537 = arith.constant 0 : i32
        %get3A_538 = arith.constant 0 : i32
        %get3A_539 = arith.index_cast %get3A_537 : i32 to index
        %get3A_540 = arith.index_cast %get3A_538 : i32 to index
        %get3A_541 = arith.index_cast %add3A_536 : i32 to index
        %get3A_542 = arith.constant 0 : index
        %get3A_543 = tpu.vector_load %arg6[%get3A_539, %get3A_540, %get3A_541, %get3A_542] {strides = array<i32>} : memref<4x2x100x64xf32, #tpu.memory_space<vmem>>, vector<1x1x1x16xf32>,
        %get3A_544 = vector.shape_cast %get3A_543 : vector<1x1x1x16xf32> to vector<16xf32>
        %max3A_545 = arith.maximumf %max3A_454, %get3A_544 : vector<16xf32>
        %mul3A_546 = arith.constant 4 : i32
        %mul3A_547 = arith.muli %mul3A_546, %scan3A_426 : i32
        %add3A_548 = arith.constant 1 : i32
        %add3A_549 = arith.addi %mul3A_547, %add3A_548 : i32
        %get3A_550 = arith.constant 0 : i32
        %get3A_551 = arith.constant 1 : i32
        %get3A_552 = arith.index_cast %get3A_550 : i32 to index
        %get3A_553 = arith.index_cast %get3A_551 : i32 to index
        %get3A_554 = arith.index_cast %add3A_549 : i32 to index
        %get3A_555 = arith.constant 0 : index
        %get3A_556 = tpu.vector_load %arg6[%get3A_552, %get3A_553, %get3A_554, %get3A_555] {strides = array<i32>} : memref<4x2x100x64xf32, #tpu.memory_space<vmem>>, vector<1x1x1x16xf32>,
        %get3A_557 = vector.shape_cast %get3A_556 : vector<1x1x1x16xf32> to vector<16xf32>
        %max3A_558 = arith.maximumf %max3A_545, %get3A_557 : vector<16xf32>
        %mul3A_559 = arith.constant 4 : i32
        %mul3A_560 = arith.muli %mul3A_559, %scan3A_426 : i32
        %add3A_561 = arith.constant 1 : i32
        %add3A_562 = arith.addi %mul3A_560, %add3A_561 : i32
        %get3A_563 = arith.constant 0 : i32
        %get3A_564 = arith.constant 0 : i32
        %get3A_565 = arith.index_cast %get3A_563 : i32 to index
        %get3A_566 = arith.index_cast %get3A_564 : i32 to index
        %get3A_567 = arith.index_cast %add3A_562 : i32 to index
        %get3A_568 = arith.constant 16 : index
        %get3A_569 = tpu.vector_load %arg6[%get3A_565, %get3A_566, %get3A_567, %get3A_568] {strides = array<i32>} : memref<4x2x100x64xf32, #tpu.memory_space<vmem>>, vector<1x1x1x16xf32>,
        %get3A_570 = vector.shape_cast %get3A_569 : vector<1x1x1x16xf32> to vector<16xf32>
        %max3A_571 = arith.maximumf %max3A_480, %get3A_570 : vector<16xf32>
        %mul3A_572 = arith.constant 4 : i32
        %mul3A_573 = arith.muli %mul3A_572, %scan3A_426 : i32
        %add3A_574 = arith.constant 1 : i32
        %add3A_575 = arith.addi %mul3A_573, %add3A_574 : i32
        %get3A_576 = arith.constant 0 : i32
        %get3A_577 = arith.constant 1 : i32
        %get3A_578 = arith.index_cast %get3A_576 : i32 to index
        %get3A_579 = arith.index_cast %get3A_577 : i32 to index
        %get3A_580 = arith.index_cast %add3A_575 : i32 to index
        %get3A_581 = arith.constant 16 : index
        %get3A_582 = tpu.vector_load %arg6[%get3A_578, %get3A_579, %get3A_580, %get3A_581] {strides = array<i32>} : memref<4x2x100x64xf32, #tpu.memory_space<vmem>>, vector<1x1x1x16xf32>,
        %get3A_583 = vector.shape_cast %get3A_582 : vector<1x1x1x16xf32> to vector<16xf32>
        %max3A_584 = arith.maximumf %max3A_571, %get3A_583 : vector<16xf32>
        %mul3A_585 = arith.constant 4 : i32
        %mul3A_586 = arith.muli %mul3A_585, %scan3A_426 : i32
        %add3A_587 = arith.constant 1 : i32
        %add3A_588 = arith.addi %mul3A_586, %add3A_587 : i32
        %get3A_589 = arith.constant 0 : i32
        %get3A_590 = arith.constant 0 : i32
        %get3A_591 = arith.index_cast %get3A_589 : i32 to index
        %get3A_592 = arith.index_cast %get3A_590 : i32 to index
        %get3A_593 = arith.index_cast %add3A_588 : i32 to index
        %get3A_594 = arith.constant 32 : index
        %get3A_595 = tpu.vector_load %arg6[%get3A_591, %get3A_592, %get3A_593, %get3A_594] {strides = array<i32>} : memref<4x2x100x64xf32, #tpu.memory_space<vmem>>, vector<1x1x1x16xf32>,
        %get3A_596 = vector.shape_cast %get3A_595 : vector<1x1x1x16xf32> to vector<16xf32>
        %max3A_597 = arith.maximumf %max3A_506, %get3A_596 : vector<16xf32>
        %mul3A_598 = arith.constant 4 : i32
        %mul3A_599 = arith.muli %mul3A_598, %scan3A_426 : i32
        %add3A_600 = arith.constant 1 : i32
        %add3A_601 = arith.addi %mul3A_599, %add3A_600 : i32
        %get3A_602 = arith.constant 0 : i32
        %get3A_603 = arith.constant 1 : i32
        %get3A_604 = arith.index_cast %get3A_602 : i32 to index
        %get3A_605 = arith.index_cast %get3A_603 : i32 to index
        %get3A_606 = arith.index_cast %add3A_601 : i32 to index
        %get3A_607 = arith.constant 32 : index
        %get3A_608 = tpu.vector_load %arg6[%get3A_604, %get3A_605, %get3A_606, %get3A_607] {strides = array<i32>} : memref<4x2x100x64xf32, #tpu.memory_space<vmem>>, vector<1x1x1x16xf32>,
        %get3A_609 = vector.shape_cast %get3A_608 : vector<1x1x1x16xf32> to vector<16xf32>
        %max3A_610 = arith.maximumf %max3A_597, %get3A_609 : vector<16xf32>
        %mul3A_611 = arith.constant 4 : i32
        %mul3A_612 = arith.muli %mul3A_611, %scan3A_426 : i32
        %add3A_613 = arith.constant 1 : i32
        %add3A_614 = arith.addi %mul3A_612, %add3A_613 : i32
        %get3A_615 = arith.constant 0 : i32
        %get3A_616 = arith.constant 0 : i32
        %get3A_617 = arith.index_cast %get3A_615 : i32 to index
        %get3A_618 = arith.index_cast %get3A_616 : i32 to index
        %get3A_619 = arith.index_cast %add3A_614 : i32 to index
        %get3A_620 = arith.constant 48 : index
        %get3A_621 = tpu.vector_load %arg6[%get3A_617, %get3A_618, %get3A_619, %get3A_620] {strides = array<i32>} : memref<4x2x100x64xf32, #tpu.memory_space<vmem>>, vector<1x1x1x16xf32>,
        %get3A_622 = vector.shape_cast %get3A_621 : vector<1x1x1x16xf32> to vector<16xf32>
        %max3A_623 = arith.maximumf %max3A_532, %get3A_622 : vector<16xf32>
        %mul3A_624 = arith.constant 4 : i32
        %mul3A_625 = arith.muli %mul3A_624, %scan3A_426 : i32
        %add3A_626 = arith.constant 1 : i32
        %add3A_627 = arith.addi %mul3A_625, %add3A_626 : i32
        %get3A_628 = arith.constant 0 : i32
        %get3A_629 = arith.constant 1 : i32
        %get3A_630 = arith.index_cast %get3A_628 : i32 to index
        %get3A_631 = arith.index_cast %get3A_629 : i32 to index
        %get3A_632 = arith.index_cast %add3A_627 : i32 to index
        %get3A_633 = arith.constant 48 : index
        %get3A_634 = tpu.vector_load %arg6[%get3A_630, %get3A_631, %get3A_632, %get3A_633] {strides = array<i32>} : memref<4x2x100x64xf32, #tpu.memory_space<vmem>>, vector<1x1x1x16xf32>,
        %get3A_635 = vector.shape_cast %get3A_634 : vector<1x1x1x16xf32> to vector<16xf32>
        %max3A_636 = arith.maximumf %max3A_623, %get3A_635 : vector<16xf32>
        %mul3A_637 = arith.constant 4 : i32
        %mul3A_638 = arith.muli %mul3A_637, %scan3A_426 : i32
        %add3A_639 = arith.constant 2 : i32
        %add3A_640 = arith.addi %mul3A_638, %add3A_639 : i32
        %get3A_641 = arith.constant 0 : i32
        %get3A_642 = arith.constant 0 : i32
        %get3A_643 = arith.index_cast %get3A_641 : i32 to index
        %get3A_644 = arith.index_cast %get3A_642 : i32 to index
        %get3A_645 = arith.index_cast %add3A_640 : i32 to index
        %get3A_646 = arith.constant 0 : index
        %get3A_647 = tpu.vector_load %arg6[%get3A_643, %get3A_644, %get3A_645, %get3A_646] {strides = array<i32>} : memref<4x2x100x64xf32, #tpu.memory_space<vmem>>, vector<1x1x1x16xf32>,
        %get3A_648 = vector.shape_cast %get3A_647 : vector<1x1x1x16xf32> to vector<16xf32>
        %max3A_649 = arith.maximumf %max3A_558, %get3A_648 : vector<16xf32>
        %mul3A_650 = arith.constant 4 : i32
        %mul3A_651 = arith.muli %mul3A_650, %scan3A_426 : i32
        %add3A_652 = arith.constant 2 : i32
        %add3A_653 = arith.addi %mul3A_651, %add3A_652 : i32
        %get3A_654 = arith.constant 0 : i32
        %get3A_655 = arith.constant 1 : i32
        %get3A_656 = arith.index_cast %get3A_654 : i32 to index
        %get3A_657 = arith.index_cast %get3A_655 : i32 to index
        %get3A_658 = arith.index_cast %add3A_653 : i32 to index
        %get3A_659 = arith.constant 0 : index
        %get3A_660 = tpu.vector_load %arg6[%get3A_656, %get3A_657, %get3A_658, %get3A_659] {strides = array<i32>} : memref<4x2x100x64xf32, #tpu.memory_space<vmem>>, vector<1x1x1x16xf32>,
        %get3A_661 = vector.shape_cast %get3A_660 : vector<1x1x1x16xf32> to vector<16xf32>
        %max3A_662 = arith.maximumf %max3A_649, %get3A_661 : vector<16xf32>
        %mul3A_663 = arith.constant 4 : i32
        %mul3A_664 = arith.muli %mul3A_663, %scan3A_426 : i32
        %add3A_665 = arith.constant 2 : i32
        %add3A_666 = arith.addi %mul3A_664, %add3A_665 : i32
        %get3A_667 = arith.constant 0 : i32
        %get3A_668 = arith.constant 0 : i32
        %get3A_669 = arith.index_cast %get3A_667 : i32 to index
        %get3A_670 = arith.index_cast %get3A_668 : i32 to index
        %get3A_671 = arith.index_cast %add3A_666 : i32 to index
        %get3A_672 = arith.constant 16 : index
        %get3A_673 = tpu.vector_load %arg6[%get3A_669, %get3A_670, %get3A_671, %get3A_672] {strides = array<i32>} : memref<4x2x100x64xf32, #tpu.memory_space<vmem>>, vector<1x1x1x16xf32>,
        %get3A_674 = vector.shape_cast %get3A_673 : vector<1x1x1x16xf32> to vector<16xf32>
        %max3A_675 = arith.maximumf %max3A_584, %get3A_674 : vector<16xf32>
        %mul3A_676 = arith.constant 4 : i32
        %mul3A_677 = arith.muli %mul3A_676, %scan3A_426 : i32
        %add3A_678 = arith.constant 2 : i32
        %add3A_679 = arith.addi %mul3A_677, %add3A_678 : i32
        %get3A_680 = arith.constant 0 : i32
        %get3A_681 = arith.constant 1 : i32
        %get3A_682 = arith.index_cast %get3A_680 : i32 to index
        %get3A_683 = arith.index_cast %get3A_681 : i32 to index
        %get3A_684 = arith.index_cast %add3A_679 : i32 to index
        %get3A_685 = arith.constant 16 : index
        %get3A_686 = tpu.vector_load %arg6[%get3A_682, %get3A_683, %get3A_684, %get3A_685] {strides = array<i32>} : memref<4x2x100x64xf32, #tpu.memory_space<vmem>>, vector<1x1x1x16xf32>,
        %get3A_687 = vector.shape_cast %get3A_686 : vector<1x1x1x16xf32> to vector<16xf32>
        %max3A_688 = arith.maximumf %max3A_675, %get3A_687 : vector<16xf32>
        %mul3A_689 = arith.constant 4 : i32
        %mul3A_690 = arith.muli %mul3A_689, %scan3A_426 : i32
        %add3A_691 = arith.constant 2 : i32
        %add3A_692 = arith.addi %mul3A_690, %add3A_691 : i32
        %get3A_693 = arith.constant 0 : i32
        %get3A_694 = arith.constant 0 : i32
        %get3A_695 = arith.index_cast %get3A_693 : i32 to index
        %get3A_696 = arith.index_cast %get3A_694 : i32 to index
        %get3A_697 = arith.index_cast %add3A_692 : i32 to index
        %get3A_698 = arith.constant 32 : index
        %get3A_699 = tpu.vector_load %arg6[%get3A_695, %get3A_696, %get3A_697, %get3A_698] {strides = array<i32>} : memref<4x2x100x64xf32, #tpu.memory_space<vmem>>, vector<1x1x1x16xf32>,
        %get3A_700 = vector.shape_cast %get3A_699 : vector<1x1x1x16xf32> to vector<16xf32>
        %max3A_701 = arith.maximumf %max3A_610, %get3A_700 : vector<16xf32>
        %mul3A_702 = arith.constant 4 : i32
        %mul3A_703 = arith.muli %mul3A_702, %scan3A_426 : i32
        %add3A_704 = arith.constant 2 : i32
        %add3A_705 = arith.addi %mul3A_703, %add3A_704 : i32
        %get3A_706 = arith.constant 0 : i32
        %get3A_707 = arith.constant 1 : i32
        %get3A_708 = arith.index_cast %get3A_706 : i32 to index
        %get3A_709 = arith.index_cast %get3A_707 : i32 to index
        %get3A_710 = arith.index_cast %add3A_705 : i32 to index
        %get3A_711 = arith.constant 32 : index
        %get3A_712 = tpu.vector_load %arg6[%get3A_708, %get3A_709, %get3A_710, %get3A_711] {strides = array<i32>} : memref<4x2x100x64xf32, #tpu.memory_space<vmem>>, vector<1x1x1x16xf32>,
        %get3A_713 = vector.shape_cast %get3A_712 : vector<1x1x1x16xf32> to vector<16xf32>
        %max3A_714 = arith.maximumf %max3A_701, %get3A_713 : vector<16xf32>
        %mul3A_715 = arith.constant 4 : i32
        %mul3A_716 = arith.muli %mul3A_715, %scan3A_426 : i32
        %add3A_717 = arith.constant 2 : i32
        %add3A_718 = arith.addi %mul3A_716, %add3A_717 : i32
        %get3A_719 = arith.constant 0 : i32
        %get3A_720 = arith.constant 0 : i32
        %get3A_721 = arith.index_cast %get3A_719 : i32 to index
        %get3A_722 = arith.index_cast %get3A_720 : i32 to index
        %get3A_723 = arith.index_cast %add3A_718 : i32 to index
        %get3A_724 = arith.constant 48 : index
        %get3A_725 = tpu.vector_load %arg6[%get3A_721, %get3A_722, %get3A_723, %get3A_724] {strides = array<i32>} : memref<4x2x100x64xf32, #tpu.memory_space<vmem>>, vector<1x1x1x16xf32>,
        %get3A_726 = vector.shape_cast %get3A_725 : vector<1x1x1x16xf32> to vector<16xf32>
        %max3A_727 = arith.maximumf %max3A_636, %get3A_726 : vector<16xf32>
        %mul3A_728 = arith.constant 4 : i32
        %mul3A_729 = arith.muli %mul3A_728, %scan3A_426 : i32
        %add3A_730 = arith.constant 2 : i32
        %add3A_731 = arith.addi %mul3A_729, %add3A_730 : i32
        %get3A_732 = arith.constant 0 : i32
        %get3A_733 = arith.constant 1 : i32
        %get3A_734 = arith.index_cast %get3A_732 : i32 to index
        %get3A_735 = arith.index_cast %get3A_733 : i32 to index
        %get3A_736 = arith.index_cast %add3A_731 : i32 to index
        %get3A_737 = arith.constant 48 : index
        %get3A_738 = tpu.vector_load %arg6[%get3A_734, %get3A_735, %get3A_736, %get3A_737] {strides = array<i32>} : memref<4x2x100x64xf32, #tpu.memory_space<vmem>>, vector<1x1x1x16xf32>,
        %get3A_739 = vector.shape_cast %get3A_738 : vector<1x1x1x16xf32> to vector<16xf32>
        %max3A_740 = arith.maximumf %max3A_727, %get3A_739 : vector<16xf32>
        %mul3A_741 = arith.constant 4 : i32
        %mul3A_742 = arith.muli %mul3A_741, %scan3A_426 : i32
        %add3A_743 = arith.constant 3 : i32
        %add3A_744 = arith.addi %mul3A_742, %add3A_743 : i32
        %get3A_745 = arith.constant 0 : i32
        %get3A_746 = arith.constant 0 : i32
        %get3A_747 = arith.index_cast %get3A_745 : i32 to index
        %get3A_748 = arith.index_cast %get3A_746 : i32 to index
        %get3A_749 = arith.index_cast %add3A_744 : i32 to index
        %get3A_750 = arith.constant 0 : index
        %get3A_751 = tpu.vector_load %arg6[%get3A_747, %get3A_748, %get3A_749, %get3A_750] {strides = array<i32>} : memref<4x2x100x64xf32, #tpu.memory_space<vmem>>, vector<1x1x1x16xf32>,
        %get3A_752 = vector.shape_cast %get3A_751 : vector<1x1x1x16xf32> to vector<16xf32>
        %max3A_753 = arith.maximumf %max3A_662, %get3A_752 : vector<16xf32>
        %mul3A_754 = arith.constant 4 : i32
        %mul3A_755 = arith.muli %mul3A_754, %scan3A_426 : i32
        %add3A_756 = arith.constant 3 : i32
        %add3A_757 = arith.addi %mul3A_755, %add3A_756 : i32
        %get3A_758 = arith.constant 0 : i32
        %get3A_759 = arith.constant 1 : i32
        %get3A_760 = arith.index_cast %get3A_758 : i32 to index
        %get3A_761 = arith.index_cast %get3A_759 : i32 to index
        %get3A_762 = arith.index_cast %add3A_757 : i32 to index
        %get3A_763 = arith.constant 0 : index
        %get3A_764 = tpu.vector_load %arg6[%get3A_760, %get3A_761, %get3A_762, %get3A_763] {strides = array<i32>} : memref<4x2x100x64xf32, #tpu.memory_space<vmem>>, vector<1x1x1x16xf32>,
        %get3A_765 = vector.shape_cast %get3A_764 : vector<1x1x1x16xf32> to vector<16xf32>
        %max3A_766 = arith.maximumf %max3A_753, %get3A_765 : vector<16xf32>
        %mul3A_767 = arith.constant 4 : i32
        %mul3A_768 = arith.muli %mul3A_767, %scan3A_426 : i32
        %add3A_769 = arith.constant 3 : i32
        %add3A_770 = arith.addi %mul3A_768, %add3A_769 : i32
        %get3A_771 = arith.constant 0 : i32
        %get3A_772 = arith.constant 0 : i32
        %get3A_773 = arith.index_cast %get3A_771 : i32 to index
        %get3A_774 = arith.index_cast %get3A_772 : i32 to index
        %get3A_775 = arith.index_cast %add3A_770 : i32 to index
        %get3A_776 = arith.constant 16 : index
        %get3A_777 = tpu.vector_load %arg6[%get3A_773, %get3A_774, %get3A_775, %get3A_776] {strides = array<i32>} : memref<4x2x100x64xf32, #tpu.memory_space<vmem>>, vector<1x1x1x16xf32>,
        %get3A_778 = vector.shape_cast %get3A_777 : vector<1x1x1x16xf32> to vector<16xf32>
        %max3A_779 = arith.maximumf %max3A_688, %get3A_778 : vector<16xf32>
        %mul3A_780 = arith.constant 4 : i32
        %mul3A_781 = arith.muli %mul3A_780, %scan3A_426 : i32
        %add3A_782 = arith.constant 3 : i32
        %add3A_783 = arith.addi %mul3A_781, %add3A_782 : i32
        %get3A_784 = arith.constant 0 : i32
        %get3A_785 = arith.constant 1 : i32
        %get3A_786 = arith.index_cast %get3A_784 : i32 to index
        %get3A_787 = arith.index_cast %get3A_785 : i32 to index
        %get3A_788 = arith.index_cast %add3A_783 : i32 to index
        %get3A_789 = arith.constant 16 : index
        %get3A_790 = tpu.vector_load %arg6[%get3A_786, %get3A_787, %get3A_788, %get3A_789] {strides = array<i32>} : memref<4x2x100x64xf32, #tpu.memory_space<vmem>>, vector<1x1x1x16xf32>,
        %get3A_791 = vector.shape_cast %get3A_790 : vector<1x1x1x16xf32> to vector<16xf32>
        %max3A_792 = arith.maximumf %max3A_779, %get3A_791 : vector<16xf32>
        %mul3A_793 = arith.constant 4 : i32
        %mul3A_794 = arith.muli %mul3A_793, %scan3A_426 : i32
        %add3A_795 = arith.constant 3 : i32
        %add3A_796 = arith.addi %mul3A_794, %add3A_795 : i32
        %get3A_797 = arith.constant 0 : i32
        %get3A_798 = arith.constant 0 : i32
        %get3A_799 = arith.index_cast %get3A_797 : i32 to index
        %get3A_800 = arith.index_cast %get3A_798 : i32 to index
        %get3A_801 = arith.index_cast %add3A_796 : i32 to index
        %get3A_802 = arith.constant 32 : index
        %get3A_803 = tpu.vector_load %arg6[%get3A_799, %get3A_800, %get3A_801, %get3A_802] {strides = array<i32>} : memref<4x2x100x64xf32, #tpu.memory_space<vmem>>, vector<1x1x1x16xf32>,
        %get3A_804 = vector.shape_cast %get3A_803 : vector<1x1x1x16xf32> to vector<16xf32>
        %max3A_805 = arith.maximumf %max3A_714, %get3A_804 : vector<16xf32>
        %mul3A_806 = arith.constant 4 : i32
        %mul3A_807 = arith.muli %mul3A_806, %scan3A_426 : i32
        %add3A_808 = arith.constant 3 : i32
        %add3A_809 = arith.addi %mul3A_807, %add3A_808 : i32
        %get3A_810 = arith.constant 0 : i32
        %get3A_811 = arith.constant 1 : i32
        %get3A_812 = arith.index_cast %get3A_810 : i32 to index
        %get3A_813 = arith.index_cast %get3A_811 : i32 to index
        %get3A_814 = arith.index_cast %add3A_809 : i32 to index
        %get3A_815 = arith.constant 32 : index
        %get3A_816 = tpu.vector_load %arg6[%get3A_812, %get3A_813, %get3A_814, %get3A_815] {strides = array<i32>} : memref<4x2x100x64xf32, #tpu.memory_space<vmem>>, vector<1x1x1x16xf32>,
        %get3A_817 = vector.shape_cast %get3A_816 : vector<1x1x1x16xf32> to vector<16xf32>
        %max3A_818 = arith.maximumf %max3A_805, %get3A_817 : vector<16xf32>
        %mul3A_819 = arith.constant 4 : i32
        %mul3A_820 = arith.muli %mul3A_819, %scan3A_426 : i32
        %add3A_821 = arith.constant 3 : i32
        %add3A_822 = arith.addi %mul3A_820, %add3A_821 : i32
        %get3A_823 = arith.constant 0 : i32
        %get3A_824 = arith.constant 0 : i32
        %get3A_825 = arith.index_cast %get3A_823 : i32 to index
        %get3A_826 = arith.index_cast %get3A_824 : i32 to index
        %get3A_827 = arith.index_cast %add3A_822 : i32 to index
        %get3A_828 = arith.constant 48 : index
        %get3A_829 = tpu.vector_load %arg6[%get3A_825, %get3A_826, %get3A_827, %get3A_828] {strides = array<i32>} : memref<4x2x100x64xf32, #tpu.memory_space<vmem>>, vector<1x1x1x16xf32>,
        %get3A_830 = vector.shape_cast %get3A_829 : vector<1x1x1x16xf32> to vector<16xf32>
        %max3A_831 = arith.maximumf %max3A_740, %get3A_830 : vector<16xf32>
        %mul3A_832 = arith.constant 4 : i32
        %mul3A_833 = arith.muli %mul3A_832, %scan3A_426 : i32
        %add3A_834 = arith.constant 3 : i32
        %add3A_835 = arith.addi %mul3A_833, %add3A_834 : i32
        %get3A_836 = arith.constant 0 : i32
        %get3A_837 = arith.constant 1 : i32
        %get3A_838 = arith.index_cast %get3A_836 : i32 to index
        %get3A_839 = arith.index_cast %get3A_837 : i32 to index
        %get3A_840 = arith.index_cast %add3A_835 : i32 to index
        %get3A_841 = arith.constant 48 : index
        %get3A_842 = tpu.vector_load %arg6[%get3A_838, %get3A_839, %get3A_840, %get3A_841] {strides = array<i32>} : memref<4x2x100x64xf32, #tpu.memory_space<vmem>>, vector<1x1x1x16xf32>,
        %get3A_843 = vector.shape_cast %get3A_842 : vector<1x1x1x16xf32> to vector<16xf32>
        %max3A_844 = arith.maximumf %max3A_831, %get3A_843 : vector<16xf32>
        scf.yield %max3A_766, %max3A_792, %max3A_818, %max3A_844 : vector<16xf32>, vector<16xf32>, vector<16xf32>, vector<16xf32>
      }
      %scan3A_163 = arith.constant 25 : i32
      %swap3A = arith.index_cast %add3A_150 : i32 to index
      %swap3A_164 = arith.constant 0 : index
      %swap3A_165 = tpu.vector_load %arg7[%swap3A, %swap3A_164] {strides = array<i32>} : memref<128x64xf32, #tpu.memory_space<vmem>>, vector<1x16xf32>,
      %swap3A_166 = vector.shape_cast %swap3A_165 : vector<1x16xf32> to vector<16xf32>
      %swap3A_167 = vector.shape_cast %scan3A_162#0 : vector<16xf32> to vector<1x16xf32>
      tpu.vector_store %arg7[%swap3A, %swap3A_164], %swap3A_167 {strides = array<i32>} : memref<128x64xf32, #tpu.memory_space<vmem>>, vector<1x16xf32>,
      %swap3A_168 = arith.index_cast %add3A_150 : i32 to index
      %swap3A_169 = arith.constant 16 : index
      %swap3A_170 = tpu.vector_load %arg7[%swap3A_168, %swap3A_169] {strides = array<i32>} : memref<128x64xf32, #tpu.memory_space<vmem>>, vector<1x16xf32>,
      %swap3A_171 = vector.shape_cast %swap3A_170 : vector<1x16xf32> to vector<16xf32>
      %swap3A_172 = vector.shape_cast %scan3A_162#1 : vector<16xf32> to vector<1x16xf32>
      tpu.vector_store %arg7[%swap3A_168, %swap3A_169], %swap3A_172 {strides = array<i32>} : memref<128x64xf32, #tpu.memory_space<vmem>>, vector<1x16xf32>,
      %swap3A_173 = arith.index_cast %add3A_150 : i32 to index
      %swap3A_174 = arith.constant 32 : index
      %swap3A_175 = tpu.vector_load %arg7[%swap3A_173, %swap3A_174] {strides = array<i32>} : memref<128x64xf32, #tpu.memory_space<vmem>>, vector<1x16xf32>,
      %swap3A_176 = vector.shape_cast %swap3A_175 : vector<1x16xf32> to vector<16xf32>
      %swap3A_177 = vector.shape_cast %scan3A_162#2 : vector<16xf32> to vector<1x16xf32>
      tpu.vector_store %arg7[%swap3A_173, %swap3A_174], %swap3A_177 {strides = array<i32>} : memref<128x64xf32, #tpu.memory_space<vmem>>, vector<1x16xf32>,
      %swap3A_178 = arith.index_cast %add3A_150 : i32 to index
      %swap3A_179 = arith.constant 48 : index
      %swap3A_180 = tpu.vector_load %arg7[%swap3A_178, %swap3A_179] {strides = array<i32>} : memref<128x64xf32, #tpu.memory_space<vmem>>, vector<1x16xf32>,
      %swap3A_181 = vector.shape_cast %swap3A_180 : vector<1x16xf32> to vector<16xf32>
      %swap3A_182 = vector.shape_cast %scan3A_162#3 : vector<16xf32> to vector<1x16xf32>
      tpu.vector_store %arg7[%swap3A_178, %swap3A_179], %swap3A_182 {strides = array<i32>} : memref<128x64xf32, #tpu.memory_space<vmem>>, vector<1x16xf32>,
      %add3A_183 = arith.constant 0 : i32
      %add3A_184 = arith.addi %mul3A_115, %add3A_183 : i32
      %add3A_185 = arith.constant 4 : i32
      %add3A_186 = arith.addi %add3A_184, %add3A_185 : i32
      %lt3A = arith.constant 128 : i32
      %lt3A_187 = arith.cmpi slt, %add3A_186, %lt3A : i32
      %convert_element_type3A = arith.extui %lt3A_187 : i1 to i32
      %cond3A = arith.constant 0 : i32
      %cond3A_188 = arith.cmpi ne, %convert_element_type3A, %cond3A : i32
      scf.if %cond3A_188 {
        %add3A_426 = arith.constant 0 : i32
        %add3A_427 = arith.addi %mul3A_115, %add3A_426 : i32
        %add3A_428 = arith.constant 4 : i32
        %add3A_429 = arith.addi %add3A_427, %add3A_428 : i32
        %mul3A_430 = arith.constant 2 : i32
        %mul3A_431 = arith.muli %mul3A_430, %add3A_429 : i32
        %add3A_432 = arith.constant 0 : i32
        %add3A_433 = arith.addi %mul3A_431, %add3A_432 : i32
        %dma_start3A_434 = arith.constant 0 : i32
        %dma_start3A_435 = arith.constant 0 : i32
        %dma_start3A_436 = arith.constant 0 : i32
        %dma_start3A_437 = arith.constant 0 : i32
        %dma_start3A_438 = tpu.memref_slice %arg6[%dma_start3A_434, %dma_start3A_435, %dma_start3A_436, %dma_start3A_437] : memref<4x2x100x64xf32, #tpu.memory_space<vmem>> -> memref<1x1x100x64xf32, #tpu.memory_space<vmem>>
        %dma_start3A_439 = tpu.memref_squeeze %dma_start3A_438 : memref<1x1x100x64xf32, #tpu.memory_space<vmem>> -> memref<100x64xf32, #tpu.memory_space<vmem>>
        %dma_start3A_440 = arith.constant 0 : i32
        %dma_start3A_441 = tpu.memref_slice %arg5[%add3A_433, %dma_start3A_440] : memref<256x100xi32, #tpu.memory_space<vmem>> -> memref<1x100xi32, #tpu.memory_space<vmem>>
        %dma_start3A_442 = tpu.memref_squeeze %dma_start3A_441 : memref<1x100xi32, #tpu.memory_space<vmem>> -> memref<100xi32, #tpu.memory_space<vmem>>
        %dma_start3A_443 = arith.constant 0 : i32
        %dma_start3A_444 = arith.constant 0 : i32
        %dma_start3A_445 = tpu.memref_slice %arg3[%dma_start3A_443, %dma_start3A_444] : memref<1000000x64xf32, #tpu.memory_space<hbm>> -> memref<1000000x64xf32, #tpu.memory_space<hbm>>
        tpu.enqueue_indirect_dma source(%dma_start3A_445 : memref<1000000x64xf32, #tpu.memory_space<hbm>>) target(%dma_start3A_439 : memref<100x64xf32, #tpu.memory_space<vmem>>) offsets(%dma_start3A_442 : memref<100xi32, #tpu.memory_space<vmem>>) semaphore(%arg8 : memref<!tpu.dma_semaphore, #tpu.memory_space<semaphore_mem>>)
        %mul3A_446 = arith.constant 2 : i32
        %mul3A_447 = arith.muli %mul3A_446, %add3A_429 : i32
        %add3A_448 = arith.constant 1 : i32
        %add3A_449 = arith.addi %mul3A_447, %add3A_448 : i32
        %dma_start3A_450 = arith.constant 0 : i32
        %dma_start3A_451 = arith.constant 1 : i32
        %dma_start3A_452 = arith.constant 0 : i32
        %dma_start3A_453 = arith.constant 0 : i32
        %dma_start3A_454 = tpu.memref_slice %arg6[%dma_start3A_450, %dma_start3A_451, %dma_start3A_452, %dma_start3A_453] : memref<4x2x100x64xf32, #tpu.memory_space<vmem>> -> memref<1x1x100x64xf32, #tpu.memory_space<vmem>>
        %dma_start3A_455 = tpu.memref_squeeze %dma_start3A_454 : memref<1x1x100x64xf32, #tpu.memory_space<vmem>> -> memref<100x64xf32, #tpu.memory_space<vmem>>
        %dma_start3A_456 = arith.constant 0 : i32
        %dma_start3A_457 = tpu.memref_slice %arg5[%add3A_449, %dma_start3A_456] : memref<256x100xi32, #tpu.memory_space<vmem>> -> memref<1x100xi32, #tpu.memory_space<vmem>>
        %dma_start3A_458 = tpu.memref_squeeze %dma_start3A_457 : memref<1x100xi32, #tpu.memory_space<vmem>> -> memref<100xi32, #tpu.memory_space<vmem>>
        %dma_start3A_459 = arith.constant 0 : i32
        %dma_start3A_460 = arith.constant 0 : i32
        %dma_start3A_461 = tpu.memref_slice %arg3[%dma_start3A_459, %dma_start3A_460] : memref<1000000x64xf32, #tpu.memory_space<hbm>> -> memref<1000000x64xf32, #tpu.memory_space<hbm>>
        tpu.enqueue_indirect_dma source(%dma_start3A_461 : memref<1000000x64xf32, #tpu.memory_space<hbm>>) target(%dma_start3A_455 : memref<100x64xf32, #tpu.memory_space<vmem>>) offsets(%dma_start3A_458 : memref<100xi32, #tpu.memory_space<vmem>>) semaphore(%arg8 : memref<!tpu.dma_semaphore, #tpu.memory_space<semaphore_mem>>)
      } else {
      }
      %add3A_189 = arith.constant 1 : i32
      %add3A_190 = arith.addi %mul3A_115, %add3A_189 : i32
      %mul3A_191 = arith.constant 2 : i32
      %mul3A_192 = arith.muli %mul3A_191, %add3A_190 : i32
      %add3A_193 = arith.constant 0 : i32
      %add3A_194 = arith.addi %mul3A_192, %add3A_193 : i32
      %dma_wait3A_195 = arith.constant 1 : i32
      %dma_wait3A_196 = arith.constant 0 : i32
      %dma_wait3A_197 = arith.constant 0 : i32
      %dma_wait3A_198 = arith.constant 0 : i32
      %dma_wait3A_199 = tpu.memref_slice %arg6[%dma_wait3A_195, %dma_wait3A_196, %dma_wait3A_197, %dma_wait3A_198] : memref<4x2x100x64xf32, #tpu.memory_space<vmem>> -> memref<1x1x100x64xf32, #tpu.memory_space<vmem>>
      %dma_wait3A_200 = tpu.memref_squeeze %dma_wait3A_199 : memref<1x1x100x64xf32, #tpu.memory_space<vmem>> -> memref<100x64xf32, #tpu.memory_space<vmem>>
      %dma_wait3A_201 = arith.constant 0 : i32
      %dma_wait3A_202 = tpu.memref_slice %arg5[%add3A_194, %dma_wait3A_201] : memref<256x100xi32, #tpu.memory_space<vmem>> -> memref<1x100xi32, #tpu.memory_space<vmem>>
      %dma_wait3A_203 = tpu.memref_squeeze %dma_wait3A_202 : memref<1x100xi32, #tpu.memory_space<vmem>> -> memref<100xi32, #tpu.memory_space<vmem>>
      %dma_wait3A_204 = arith.constant 0 : i32
      %dma_wait3A_205 = arith.constant 0 : i32
      %dma_wait3A_206 = tpu.memref_slice %arg3[%dma_wait3A_204, %dma_wait3A_205] : memref<1000000x64xf32, #tpu.memory_space<hbm>> -> memref<1000000x64xf32, #tpu.memory_space<hbm>>
      tpu.wait_indirect_dma semaphore(%arg9 : memref<!tpu.dma_semaphore, #tpu.memory_space<semaphore_mem>>) src(%dma_wait3A_206 : memref<1000000x64xf32, #tpu.memory_space<hbm>>) dst(%dma_wait3A_200 : memref<100x64xf32, #tpu.memory_space<vmem>>)
      %mul3A_207 = arith.constant 2 : i32
      %mul3A_208 = arith.muli %mul3A_207, %add3A_190 : i32
      %add3A_209 = arith.constant 1 : i32
      %add3A_210 = arith.addi %mul3A_208, %add3A_209 : i32
      %dma_wait3A_211 = arith.constant 1 : i32
      %dma_wait3A_212 = arith.constant 1 : i32
      %dma_wait3A_213 = arith.constant 0 : i32
      %dma_wait3A_214 = arith.constant 0 : i32
      %dma_wait3A_215 = tpu.memref_slice %arg6[%dma_wait3A_211, %dma_wait3A_212, %dma_wait3A_213, %dma_wait3A_214] : memref<4x2x100x64xf32, #tpu.memory_space<vmem>> -> memref<1x1x100x64xf32, #tpu.memory_space<vmem>>
      %dma_wait3A_216 = tpu.memref_squeeze %dma_wait3A_215 : memref<1x1x100x64xf32, #tpu.memory_space<vmem>> -> memref<100x64xf32, #tpu.memory_space<vmem>>
      %dma_wait3A_217 = arith.constant 0 : i32
      %dma_wait3A_218 = tpu.memref_slice %arg5[%add3A_210, %dma_wait3A_217] : memref<256x100xi32, #tpu.memory_space<vmem>> -> memref<1x100xi32, #tpu.memory_space<vmem>>
      %dma_wait3A_219 = tpu.memref_squeeze %dma_wait3A_218 : memref<1x100xi32, #tpu.memory_space<vmem>> -> memref<100xi32, #tpu.memory_space<vmem>>
      %dma_wait3A_220 = arith.constant 0 : i32
      %dma_wait3A_221 = arith.constant 0 : i32
      %dma_wait3A_222 = tpu.memref_slice %arg3[%dma_wait3A_220, %dma_wait3A_221] : memref<1000000x64xf32, #tpu.memory_space<hbm>> -> memref<1000000x64xf32, #tpu.memory_space<hbm>>
      tpu.wait_indirect_dma semaphore(%arg9 : memref<!tpu.dma_semaphore, #tpu.memory_space<semaphore_mem>>) src(%dma_wait3A_222 : memref<1000000x64xf32, #tpu.memory_space<hbm>>) dst(%dma_wait3A_216 : memref<100x64xf32, #tpu.memory_space<vmem>>)
      %add3A_223 = arith.constant 1 : i32
      %add3A_224 = arith.addi %mul3A_115, %add3A_223 : i32
      %broadcast_in_dim3A_225 = arith.constant 0xFF800000 : f32
      %broadcast_in_dim3A_226 = vector.broadcast %broadcast_in_dim3A_225 : f32 to vector<16xf32>
      %broadcast_in_dim3A_227 = arith.constant 0xFF800000 : f32
      %broadcast_in_dim3A_228 = vector.broadcast %broadcast_in_dim3A_227 : f32 to vector<16xf32>
      %broadcast_in_dim3A_229 = arith.constant 0xFF800000 : f32
      %broadcast_in_dim3A_230 = vector.broadcast %broadcast_in_dim3A_229 : f32 to vector<16xf32>
      %broadcast_in_dim3A_231 = arith.constant 0xFF800000 : f32
      %broadcast_in_dim3A_232 = vector.broadcast %broadcast_in_dim3A_231 : f32 to vector<16xf32>
      %scan3A_233 = arith.constant 0 : i32
      %scan3A_234 = arith.constant 25 : i32
      %scan3A_235 = arith.addi %scan3A_233, %scan3A_234 : i32
      %scan3A_236 = arith.constant 1 : i32
      %scan3A_237:4 = scf.for %scan3A_426 = %scan3A_233 to %scan3A_235 step %scan3A_236 iter_args(%scan3A_427 = %broadcast_in_dim3A_226, %scan3A_428 = %broadcast_in_dim3A_228, %scan3A_429 = %broadcast_in_dim3A_230, %scan3A_430 = %broadcast_in_dim3A_232) -> (vector<16xf32>, vector<16xf32>, vector<16xf32>, vector<16xf32>)  : i32 {
        %mul3A_431 = arith.constant 4 : i32
        %mul3A_432 = arith.muli %mul3A_431, %scan3A_426 : i32
        %add3A_433 = arith.constant 0 : i32
        %add3A_434 = arith.addi %mul3A_432, %add3A_433 : i32
        %get3A = arith.constant 1 : i32
        %get3A_435 = arith.constant 0 : i32
        %get3A_436 = arith.index_cast %get3A : i32 to index
        %get3A_437 = arith.index_cast %get3A_435 : i32 to index
        %get3A_438 = arith.index_cast %add3A_434 : i32 to index
        %get3A_439 = arith.constant 0 : index
        %get3A_440 = tpu.vector_load %arg6[%get3A_436, %get3A_437, %get3A_438, %get3A_439] {strides = array<i32>} : memref<4x2x100x64xf32, #tpu.memory_space<vmem>>, vector<1x1x1x16xf32>,
        %get3A_441 = vector.shape_cast %get3A_440 : vector<1x1x1x16xf32> to vector<16xf32>
        %max3A = arith.maximumf %scan3A_427, %get3A_441 : vector<16xf32>
        %mul3A_442 = arith.constant 4 : i32
        %mul3A_443 = arith.muli %mul3A_442, %scan3A_426 : i32
        %add3A_444 = arith.constant 0 : i32
        %add3A_445 = arith.addi %mul3A_443, %add3A_444 : i32
        %get3A_446 = arith.constant 1 : i32
        %get3A_447 = arith.constant 1 : i32
        %get3A_448 = arith.index_cast %get3A_446 : i32 to index
        %get3A_449 = arith.index_cast %get3A_447 : i32 to index
        %get3A_450 = arith.index_cast %add3A_445 : i32 to index
        %get3A_451 = arith.constant 0 : index
        %get3A_452 = tpu.vector_load %arg6[%get3A_448, %get3A_449, %get3A_450, %get3A_451] {strides = array<i32>} : memref<4x2x100x64xf32, #tpu.memory_space<vmem>>, vector<1x1x1x16xf32>,
        %get3A_453 = vector.shape_cast %get3A_452 : vector<1x1x1x16xf32> to vector<16xf32>
        %max3A_454 = arith.maximumf %max3A, %get3A_453 : vector<16xf32>
        %mul3A_455 = arith.constant 4 : i32
        %mul3A_456 = arith.muli %mul3A_455, %scan3A_426 : i32
        %add3A_457 = arith.constant 0 : i32
        %add3A_458 = arith.addi %mul3A_456, %add3A_457 : i32
        %get3A_459 = arith.constant 1 : i32
        %get3A_460 = arith.constant 0 : i32
        %get3A_461 = arith.index_cast %get3A_459 : i32 to index
        %get3A_462 = arith.index_cast %get3A_460 : i32 to index
        %get3A_463 = arith.index_cast %add3A_458 : i32 to index
        %get3A_464 = arith.constant 16 : index
        %get3A_465 = tpu.vector_load %arg6[%get3A_461, %get3A_462, %get3A_463, %get3A_464] {strides = array<i32>} : memref<4x2x100x64xf32, #tpu.memory_space<vmem>>, vector<1x1x1x16xf32>,
        %get3A_466 = vector.shape_cast %get3A_465 : vector<1x1x1x16xf32> to vector<16xf32>
        %max3A_467 = arith.maximumf %scan3A_428, %get3A_466 : vector<16xf32>
        %mul3A_468 = arith.constant 4 : i32
        %mul3A_469 = arith.muli %mul3A_468, %scan3A_426 : i32
        %add3A_470 = arith.constant 0 : i32
        %add3A_471 = arith.addi %mul3A_469, %add3A_470 : i32
        %get3A_472 = arith.constant 1 : i32
        %get3A_473 = arith.constant 1 : i32
        %get3A_474 = arith.index_cast %get3A_472 : i32 to index
        %get3A_475 = arith.index_cast %get3A_473 : i32 to index
        %get3A_476 = arith.index_cast %add3A_471 : i32 to index
        %get3A_477 = arith.constant 16 : index
        %get3A_478 = tpu.vector_load %arg6[%get3A_474, %get3A_475, %get3A_476, %get3A_477] {strides = array<i32>} : memref<4x2x100x64xf32, #tpu.memory_space<vmem>>, vector<1x1x1x16xf32>,
        %get3A_479 = vector.shape_cast %get3A_478 : vector<1x1x1x16xf32> to vector<16xf32>
        %max3A_480 = arith.maximumf %max3A_467, %get3A_479 : vector<16xf32>
        %mul3A_481 = arith.constant 4 : i32
        %mul3A_482 = arith.muli %mul3A_481, %scan3A_426 : i32
        %add3A_483 = arith.constant 0 : i32
        %add3A_484 = arith.addi %mul3A_482, %add3A_483 : i32
        %get3A_485 = arith.constant 1 : i32
        %get3A_486 = arith.constant 0 : i32
        %get3A_487 = arith.index_cast %get3A_485 : i32 to index
        %get3A_488 = arith.index_cast %get3A_486 : i32 to index
        %get3A_489 = arith.index_cast %add3A_484 : i32 to index
        %get3A_490 = arith.constant 32 : index
        %get3A_491 = tpu.vector_load %arg6[%get3A_487, %get3A_488, %get3A_489, %get3A_490] {strides = array<i32>} : memref<4x2x100x64xf32, #tpu.memory_space<vmem>>, vector<1x1x1x16xf32>,
        %get3A_492 = vector.shape_cast %get3A_491 : vector<1x1x1x16xf32> to vector<16xf32>
        %max3A_493 = arith.maximumf %scan3A_429, %get3A_492 : vector<16xf32>
        %mul3A_494 = arith.constant 4 : i32
        %mul3A_495 = arith.muli %mul3A_494, %scan3A_426 : i32
        %add3A_496 = arith.constant 0 : i32
        %add3A_497 = arith.addi %mul3A_495, %add3A_496 : i32
        %get3A_498 = arith.constant 1 : i32
        %get3A_499 = arith.constant 1 : i32
        %get3A_500 = arith.index_cast %get3A_498 : i32 to index
        %get3A_501 = arith.index_cast %get3A_499 : i32 to index
        %get3A_502 = arith.index_cast %add3A_497 : i32 to index
        %get3A_503 = arith.constant 32 : index
        %get3A_504 = tpu.vector_load %arg6[%get3A_500, %get3A_501, %get3A_502, %get3A_503] {strides = array<i32>} : memref<4x2x100x64xf32, #tpu.memory_space<vmem>>, vector<1x1x1x16xf32>,
        %get3A_505 = vector.shape_cast %get3A_504 : vector<1x1x1x16xf32> to vector<16xf32>
        %max3A_506 = arith.maximumf %max3A_493, %get3A_505 : vector<16xf32>
        %mul3A_507 = arith.constant 4 : i32
        %mul3A_508 = arith.muli %mul3A_507, %scan3A_426 : i32
        %add3A_509 = arith.constant 0 : i32
        %add3A_510 = arith.addi %mul3A_508, %add3A_509 : i32
        %get3A_511 = arith.constant 1 : i32
        %get3A_512 = arith.constant 0 : i32
        %get3A_513 = arith.index_cast %get3A_511 : i32 to index
        %get3A_514 = arith.index_cast %get3A_512 : i32 to index
        %get3A_515 = arith.index_cast %add3A_510 : i32 to index
        %get3A_516 = arith.constant 48 : index
        %get3A_517 = tpu.vector_load %arg6[%get3A_513, %get3A_514, %get3A_515, %get3A_516] {strides = array<i32>} : memref<4x2x100x64xf32, #tpu.memory_space<vmem>>, vector<1x1x1x16xf32>,
        %get3A_518 = vector.shape_cast %get3A_517 : vector<1x1x1x16xf32> to vector<16xf32>
        %max3A_519 = arith.maximumf %scan3A_430, %get3A_518 : vector<16xf32>
        %mul3A_520 = arith.constant 4 : i32
        %mul3A_521 = arith.muli %mul3A_520, %scan3A_426 : i32
        %add3A_522 = arith.constant 0 : i32
        %add3A_523 = arith.addi %mul3A_521, %add3A_522 : i32
        %get3A_524 = arith.constant 1 : i32
        %get3A_525 = arith.constant 1 : i32
        %get3A_526 = arith.index_cast %get3A_524 : i32 to index
        %get3A_527 = arith.index_cast %get3A_525 : i32 to index
        %get3A_528 = arith.index_cast %add3A_523 : i32 to index
        %get3A_529 = arith.constant 48 : index
        %get3A_530 = tpu.vector_load %arg6[%get3A_526, %get3A_527, %get3A_528, %get3A_529] {strides = array<i32>} : memref<4x2x100x64xf32, #tpu.memory_space<vmem>>, vector<1x1x1x16xf32>,
        %get3A_531 = vector.shape_cast %get3A_530 : vector<1x1x1x16xf32> to vector<16xf32>
        %max3A_532 = arith.maximumf %max3A_519, %get3A_531 : vector<16xf32>
        %mul3A_533 = arith.constant 4 : i32
        %mul3A_534 = arith.muli %mul3A_533, %scan3A_426 : i32
        %add3A_535 = arith.constant 1 : i32
        %add3A_536 = arith.addi %mul3A_534, %add3A_535 : i32
        %get3A_537 = arith.constant 1 : i32
        %get3A_538 = arith.constant 0 : i32
        %get3A_539 = arith.index_cast %get3A_537 : i32 to index
        %get3A_540 = arith.index_cast %get3A_538 : i32 to index
        %get3A_541 = arith.index_cast %add3A_536 : i32 to index
        %get3A_542 = arith.constant 0 : index
        %get3A_543 = tpu.vector_load %arg6[%get3A_539, %get3A_540, %get3A_541, %get3A_542] {strides = array<i32>} : memref<4x2x100x64xf32, #tpu.memory_space<vmem>>, vector<1x1x1x16xf32>,
        %get3A_544 = vector.shape_cast %get3A_543 : vector<1x1x1x16xf32> to vector<16xf32>
        %max3A_545 = arith.maximumf %max3A_454, %get3A_544 : vector<16xf32>
        %mul3A_546 = arith.constant 4 : i32
        %mul3A_547 = arith.muli %mul3A_546, %scan3A_426 : i32
        %add3A_548 = arith.constant 1 : i32
        %add3A_549 = arith.addi %mul3A_547, %add3A_548 : i32
        %get3A_550 = arith.constant 1 : i32
        %get3A_551 = arith.constant 1 : i32
        %get3A_552 = arith.index_cast %get3A_550 : i32 to index
        %get3A_553 = arith.index_cast %get3A_551 : i32 to index
        %get3A_554 = arith.index_cast %add3A_549 : i32 to index
        %get3A_555 = arith.constant 0 : index
        %get3A_556 = tpu.vector_load %arg6[%get3A_552, %get3A_553, %get3A_554, %get3A_555] {strides = array<i32>} : memref<4x2x100x64xf32, #tpu.memory_space<vmem>>, vector<1x1x1x16xf32>,
        %get3A_557 = vector.shape_cast %get3A_556 : vector<1x1x1x16xf32> to vector<16xf32>
        %max3A_558 = arith.maximumf %max3A_545, %get3A_557 : vector<16xf32>
        %mul3A_559 = arith.constant 4 : i32
        %mul3A_560 = arith.muli %mul3A_559, %scan3A_426 : i32
        %add3A_561 = arith.constant 1 : i32
        %add3A_562 = arith.addi %mul3A_560, %add3A_561 : i32
        %get3A_563 = arith.constant 1 : i32
        %get3A_564 = arith.constant 0 : i32
        %get3A_565 = arith.index_cast %get3A_563 : i32 to index
        %get3A_566 = arith.index_cast %get3A_564 : i32 to index
        %get3A_567 = arith.index_cast %add3A_562 : i32 to index
        %get3A_568 = arith.constant 16 : index
        %get3A_569 = tpu.vector_load %arg6[%get3A_565, %get3A_566, %get3A_567, %get3A_568] {strides = array<i32>} : memref<4x2x100x64xf32, #tpu.memory_space<vmem>>, vector<1x1x1x16xf32>,
        %get3A_570 = vector.shape_cast %get3A_569 : vector<1x1x1x16xf32> to vector<16xf32>
        %max3A_571 = arith.maximumf %max3A_480, %get3A_570 : vector<16xf32>
        %mul3A_572 = arith.constant 4 : i32
        %mul3A_573 = arith.muli %mul3A_572, %scan3A_426 : i32
        %add3A_574 = arith.constant 1 : i32
        %add3A_575 = arith.addi %mul3A_573, %add3A_574 : i32
        %get3A_576 = arith.constant 1 : i32
        %get3A_577 = arith.constant 1 : i32
        %get3A_578 = arith.index_cast %get3A_576 : i32 to index
        %get3A_579 = arith.index_cast %get3A_577 : i32 to index
        %get3A_580 = arith.index_cast %add3A_575 : i32 to index
        %get3A_581 = arith.constant 16 : index
        %get3A_582 = tpu.vector_load %arg6[%get3A_578, %get3A_579, %get3A_580, %get3A_581] {strides = array<i32>} : memref<4x2x100x64xf32, #tpu.memory_space<vmem>>, vector<1x1x1x16xf32>,
        %get3A_583 = vector.shape_cast %get3A_582 : vector<1x1x1x16xf32> to vector<16xf32>
        %max3A_584 = arith.maximumf %max3A_571, %get3A_583 : vector<16xf32>
        %mul3A_585 = arith.constant 4 : i32
        %mul3A_586 = arith.muli %mul3A_585, %scan3A_426 : i32
        %add3A_587 = arith.constant 1 : i32
        %add3A_588 = arith.addi %mul3A_586, %add3A_587 : i32
        %get3A_589 = arith.constant 1 : i32
        %get3A_590 = arith.constant 0 : i32
        %get3A_591 = arith.index_cast %get3A_589 : i32 to index
        %get3A_592 = arith.index_cast %get3A_590 : i32 to index
        %get3A_593 = arith.index_cast %add3A_588 : i32 to index
        %get3A_594 = arith.constant 32 : index
        %get3A_595 = tpu.vector_load %arg6[%get3A_591, %get3A_592, %get3A_593, %get3A_594] {strides = array<i32>} : memref<4x2x100x64xf32, #tpu.memory_space<vmem>>, vector<1x1x1x16xf32>,
        %get3A_596 = vector.shape_cast %get3A_595 : vector<1x1x1x16xf32> to vector<16xf32>
        %max3A_597 = arith.maximumf %max3A_506, %get3A_596 : vector<16xf32>
        %mul3A_598 = arith.constant 4 : i32
        %mul3A_599 = arith.muli %mul3A_598, %scan3A_426 : i32
        %add3A_600 = arith.constant 1 : i32
        %add3A_601 = arith.addi %mul3A_599, %add3A_600 : i32
        %get3A_602 = arith.constant 1 : i32
        %get3A_603 = arith.constant 1 : i32
        %get3A_604 = arith.index_cast %get3A_602 : i32 to index
        %get3A_605 = arith.index_cast %get3A_603 : i32 to index
        %get3A_606 = arith.index_cast %add3A_601 : i32 to index
        %get3A_607 = arith.constant 32 : index
        %get3A_608 = tpu.vector_load %arg6[%get3A_604, %get3A_605, %get3A_606, %get3A_607] {strides = array<i32>} : memref<4x2x100x64xf32, #tpu.memory_space<vmem>>, vector<1x1x1x16xf32>,
        %get3A_609 = vector.shape_cast %get3A_608 : vector<1x1x1x16xf32> to vector<16xf32>
        %max3A_610 = arith.maximumf %max3A_597, %get3A_609 : vector<16xf32>
        %mul3A_611 = arith.constant 4 : i32
        %mul3A_612 = arith.muli %mul3A_611, %scan3A_426 : i32
        %add3A_613 = arith.constant 1 : i32
        %add3A_614 = arith.addi %mul3A_612, %add3A_613 : i32
        %get3A_615 = arith.constant 1 : i32
        %get3A_616 = arith.constant 0 : i32
        %get3A_617 = arith.index_cast %get3A_615 : i32 to index
        %get3A_618 = arith.index_cast %get3A_616 : i32 to index
        %get3A_619 = arith.index_cast %add3A_614 : i32 to index
        %get3A_620 = arith.constant 48 : index
        %get3A_621 = tpu.vector_load %arg6[%get3A_617, %get3A_618, %get3A_619, %get3A_620] {strides = array<i32>} : memref<4x2x100x64xf32, #tpu.memory_space<vmem>>, vector<1x1x1x16xf32>,
        %get3A_622 = vector.shape_cast %get3A_621 : vector<1x1x1x16xf32> to vector<16xf32>
        %max3A_623 = arith.maximumf %max3A_532, %get3A_622 : vector<16xf32>
        %mul3A_624 = arith.constant 4 : i32
        %mul3A_625 = arith.muli %mul3A_624, %scan3A_426 : i32
        %add3A_626 = arith.constant 1 : i32
        %add3A_627 = arith.addi %mul3A_625, %add3A_626 : i32
        %get3A_628 = arith.constant 1 : i32
        %get3A_629 = arith.constant 1 : i32
        %get3A_630 = arith.index_cast %get3A_628 : i32 to index
        %get3A_631 = arith.index_cast %get3A_629 : i32 to index
        %get3A_632 = arith.index_cast %add3A_627 : i32 to index
        %get3A_633 = arith.constant 48 : index
        %get3A_634 = tpu.vector_load %arg6[%get3A_630, %get3A_631, %get3A_632, %get3A_633] {strides = array<i32>} : memref<4x2x100x64xf32, #tpu.memory_space<vmem>>, vector<1x1x1x16xf32>,
        %get3A_635 = vector.shape_cast %get3A_634 : vector<1x1x1x16xf32> to vector<16xf32>
        %max3A_636 = arith.maximumf %max3A_623, %get3A_635 : vector<16xf32>
        %mul3A_637 = arith.constant 4 : i32
        %mul3A_638 = arith.muli %mul3A_637, %scan3A_426 : i32
        %add3A_639 = arith.constant 2 : i32
        %add3A_640 = arith.addi %mul3A_638, %add3A_639 : i32
        %get3A_641 = arith.constant 1 : i32
        %get3A_642 = arith.constant 0 : i32
        %get3A_643 = arith.index_cast %get3A_641 : i32 to index
        %get3A_644 = arith.index_cast %get3A_642 : i32 to index
        %get3A_645 = arith.index_cast %add3A_640 : i32 to index
        %get3A_646 = arith.constant 0 : index
        %get3A_647 = tpu.vector_load %arg6[%get3A_643, %get3A_644, %get3A_645, %get3A_646] {strides = array<i32>} : memref<4x2x100x64xf32, #tpu.memory_space<vmem>>, vector<1x1x1x16xf32>,
        %get3A_648 = vector.shape_cast %get3A_647 : vector<1x1x1x16xf32> to vector<16xf32>
        %max3A_649 = arith.maximumf %max3A_558, %get3A_648 : vector<16xf32>
        %mul3A_650 = arith.constant 4 : i32
        %mul3A_651 = arith.muli %mul3A_650, %scan3A_426 : i32
        %add3A_652 = arith.constant 2 : i32
        %add3A_653 = arith.addi %mul3A_651, %add3A_652 : i32
        %get3A_654 = arith.constant 1 : i32
        %get3A_655 = arith.constant 1 : i32
        %get3A_656 = arith.index_cast %get3A_654 : i32 to index
        %get3A_657 = arith.index_cast %get3A_655 : i32 to index
        %get3A_658 = arith.index_cast %add3A_653 : i32 to index
        %get3A_659 = arith.constant 0 : index
        %get3A_660 = tpu.vector_load %arg6[%get3A_656, %get3A_657, %get3A_658, %get3A_659] {strides = array<i32>} : memref<4x2x100x64xf32, #tpu.memory_space<vmem>>, vector<1x1x1x16xf32>,
        %get3A_661 = vector.shape_cast %get3A_660 : vector<1x1x1x16xf32> to vector<16xf32>
        %max3A_662 = arith.maximumf %max3A_649, %get3A_661 : vector<16xf32>
        %mul3A_663 = arith.constant 4 : i32
        %mul3A_664 = arith.muli %mul3A_663, %scan3A_426 : i32
        %add3A_665 = arith.constant 2 : i32
        %add3A_666 = arith.addi %mul3A_664, %add3A_665 : i32
        %get3A_667 = arith.constant 1 : i32
        %get3A_668 = arith.constant 0 : i32
        %get3A_669 = arith.index_cast %get3A_667 : i32 to index
        %get3A_670 = arith.index_cast %get3A_668 : i32 to index
        %get3A_671 = arith.index_cast %add3A_666 : i32 to index
        %get3A_672 = arith.constant 16 : index
        %get3A_673 = tpu.vector_load %arg6[%get3A_669, %get3A_670, %get3A_671, %get3A_672] {strides = array<i32>} : memref<4x2x100x64xf32, #tpu.memory_space<vmem>>, vector<1x1x1x16xf32>,
        %get3A_674 = vector.shape_cast %get3A_673 : vector<1x1x1x16xf32> to vector<16xf32>
        %max3A_675 = arith.maximumf %max3A_584, %get3A_674 : vector<16xf32>
        %mul3A_676 = arith.constant 4 : i32
        %mul3A_677 = arith.muli %mul3A_676, %scan3A_426 : i32
        %add3A_678 = arith.constant 2 : i32
        %add3A_679 = arith.addi %mul3A_677, %add3A_678 : i32
        %get3A_680 = arith.constant 1 : i32
        %get3A_681 = arith.constant 1 : i32
        %get3A_682 = arith.index_cast %get3A_680 : i32 to index
        %get3A_683 = arith.index_cast %get3A_681 : i32 to index
        %get3A_684 = arith.index_cast %add3A_679 : i32 to index
        %get3A_685 = arith.constant 16 : index
        %get3A_686 = tpu.vector_load %arg6[%get3A_682, %get3A_683, %get3A_684, %get3A_685] {strides = array<i32>} : memref<4x2x100x64xf32, #tpu.memory_space<vmem>>, vector<1x1x1x16xf32>,
        %get3A_687 = vector.shape_cast %get3A_686 : vector<1x1x1x16xf32> to vector<16xf32>
        %max3A_688 = arith.maximumf %max3A_675, %get3A_687 : vector<16xf32>
        %mul3A_689 = arith.constant 4 : i32
        %mul3A_690 = arith.muli %mul3A_689, %scan3A_426 : i32
        %add3A_691 = arith.constant 2 : i32
        %add3A_692 = arith.addi %mul3A_690, %add3A_691 : i32
        %get3A_693 = arith.constant 1 : i32
        %get3A_694 = arith.constant 0 : i32
        %get3A_695 = arith.index_cast %get3A_693 : i32 to index
        %get3A_696 = arith.index_cast %get3A_694 : i32 to index
        %get3A_697 = arith.index_cast %add3A_692 : i32 to index
        %get3A_698 = arith.constant 32 : index
        %get3A_699 = tpu.vector_load %arg6[%get3A_695, %get3A_696, %get3A_697, %get3A_698] {strides = array<i32>} : memref<4x2x100x64xf32, #tpu.memory_space<vmem>>, vector<1x1x1x16xf32>,
        %get3A_700 = vector.shape_cast %get3A_699 : vector<1x1x1x16xf32> to vector<16xf32>
        %max3A_701 = arith.maximumf %max3A_610, %get3A_700 : vector<16xf32>
        %mul3A_702 = arith.constant 4 : i32
        %mul3A_703 = arith.muli %mul3A_702, %scan3A_426 : i32
        %add3A_704 = arith.constant 2 : i32
        %add3A_705 = arith.addi %mul3A_703, %add3A_704 : i32
        %get3A_706 = arith.constant 1 : i32
        %get3A_707 = arith.constant 1 : i32
        %get3A_708 = arith.index_cast %get3A_706 : i32 to index
        %get3A_709 = arith.index_cast %get3A_707 : i32 to index
        %get3A_710 = arith.index_cast %add3A_705 : i32 to index
        %get3A_711 = arith.constant 32 : index
        %get3A_712 = tpu.vector_load %arg6[%get3A_708, %get3A_709, %get3A_710, %get3A_711] {strides = array<i32>} : memref<4x2x100x64xf32, #tpu.memory_space<vmem>>, vector<1x1x1x16xf32>,
        %get3A_713 = vector.shape_cast %get3A_712 : vector<1x1x1x16xf32> to vector<16xf32>
        %max3A_714 = arith.maximumf %max3A_701, %get3A_713 : vector<16xf32>
        %mul3A_715 = arith.constant 4 : i32
        %mul3A_716 = arith.muli %mul3A_715, %scan3A_426 : i32
        %add3A_717 = arith.constant 2 : i32
        %add3A_718 = arith.addi %mul3A_716, %add3A_717 : i32
        %get3A_719 = arith.constant 1 : i32
        %get3A_720 = arith.constant 0 : i32
        %get3A_721 = arith.index_cast %get3A_719 : i32 to index
        %get3A_722 = arith.index_cast %get3A_720 : i32 to index
        %get3A_723 = arith.index_cast %add3A_718 : i32 to index
        %get3A_724 = arith.constant 48 : index
        %get3A_725 = tpu.vector_load %arg6[%get3A_721, %get3A_722, %get3A_723, %get3A_724] {strides = array<i32>} : memref<4x2x100x64xf32, #tpu.memory_space<vmem>>, vector<1x1x1x16xf32>,
        %get3A_726 = vector.shape_cast %get3A_725 : vector<1x1x1x16xf32> to vector<16xf32>
        %max3A_727 = arith.maximumf %max3A_636, %get3A_726 : vector<16xf32>
        %mul3A_728 = arith.constant 4 : i32
        %mul3A_729 = arith.muli %mul3A_728, %scan3A_426 : i32
        %add3A_730 = arith.constant 2 : i32
        %add3A_731 = arith.addi %mul3A_729, %add3A_730 : i32
        %get3A_732 = arith.constant 1 : i32
        %get3A_733 = arith.constant 1 : i32
        %get3A_734 = arith.index_cast %get3A_732 : i32 to index
        %get3A_735 = arith.index_cast %get3A_733 : i32 to index
        %get3A_736 = arith.index_cast %add3A_731 : i32 to index
        %get3A_737 = arith.constant 48 : index
        %get3A_738 = tpu.vector_load %arg6[%get3A_734, %get3A_735, %get3A_736, %get3A_737] {strides = array<i32>} : memref<4x2x100x64xf32, #tpu.memory_space<vmem>>, vector<1x1x1x16xf32>,
        %get3A_739 = vector.shape_cast %get3A_738 : vector<1x1x1x16xf32> to vector<16xf32>
        %max3A_740 = arith.maximumf %max3A_727, %get3A_739 : vector<16xf32>
        %mul3A_741 = arith.constant 4 : i32
        %mul3A_742 = arith.muli %mul3A_741, %scan3A_426 : i32
        %add3A_743 = arith.constant 3 : i32
        %add3A_744 = arith.addi %mul3A_742, %add3A_743 : i32
        %get3A_745 = arith.constant 1 : i32
        %get3A_746 = arith.constant 0 : i32
        %get3A_747 = arith.index_cast %get3A_745 : i32 to index
        %get3A_748 = arith.index_cast %get3A_746 : i32 to index
        %get3A_749 = arith.index_cast %add3A_744 : i32 to index
        %get3A_750 = arith.constant 0 : index
        %get3A_751 = tpu.vector_load %arg6[%get3A_747, %get3A_748, %get3A_749, %get3A_750] {strides = array<i32>} : memref<4x2x100x64xf32, #tpu.memory_space<vmem>>, vector<1x1x1x16xf32>,
        %get3A_752 = vector.shape_cast %get3A_751 : vector<1x1x1x16xf32> to vector<16xf32>
        %max3A_753 = arith.maximumf %max3A_662, %get3A_752 : vector<16xf32>
        %mul3A_754 = arith.constant 4 : i32
        %mul3A_755 = arith.muli %mul3A_754, %scan3A_426 : i32
        %add3A_756 = arith.constant 3 : i32
        %add3A_757 = arith.addi %mul3A_755, %add3A_756 : i32
        %get3A_758 = arith.constant 1 : i32
        %get3A_759 = arith.constant 1 : i32
        %get3A_760 = arith.index_cast %get3A_758 : i32 to index
        %get3A_761 = arith.index_cast %get3A_759 : i32 to index
        %get3A_762 = arith.index_cast %add3A_757 : i32 to index
        %get3A_763 = arith.constant 0 : index
        %get3A_764 = tpu.vector_load %arg6[%get3A_760, %get3A_761, %get3A_762, %get3A_763] {strides = array<i32>} : memref<4x2x100x64xf32, #tpu.memory_space<vmem>>, vector<1x1x1x16xf32>,
        %get3A_765 = vector.shape_cast %get3A_764 : vector<1x1x1x16xf32> to vector<16xf32>
        %max3A_766 = arith.maximumf %max3A_753, %get3A_765 : vector<16xf32>
        %mul3A_767 = arith.constant 4 : i32
        %mul3A_768 = arith.muli %mul3A_767, %scan3A_426 : i32
        %add3A_769 = arith.constant 3 : i32
        %add3A_770 = arith.addi %mul3A_768, %add3A_769 : i32
        %get3A_771 = arith.constant 1 : i32
        %get3A_772 = arith.constant 0 : i32
        %get3A_773 = arith.index_cast %get3A_771 : i32 to index
        %get3A_774 = arith.index_cast %get3A_772 : i32 to index
        %get3A_775 = arith.index_cast %add3A_770 : i32 to index
        %get3A_776 = arith.constant 16 : index
        %get3A_777 = tpu.vector_load %arg6[%get3A_773, %get3A_774, %get3A_775, %get3A_776] {strides = array<i32>} : memref<4x2x100x64xf32, #tpu.memory_space<vmem>>, vector<1x1x1x16xf32>,
        %get3A_778 = vector.shape_cast %get3A_777 : vector<1x1x1x16xf32> to vector<16xf32>
        %max3A_779 = arith.maximumf %max3A_688, %get3A_778 : vector<16xf32>
        %mul3A_780 = arith.constant 4 : i32
        %mul3A_781 = arith.muli %mul3A_780, %scan3A_426 : i32
        %add3A_782 = arith.constant 3 : i32
        %add3A_783 = arith.addi %mul3A_781, %add3A_782 : i32
        %get3A_784 = arith.constant 1 : i32
        %get3A_785 = arith.constant 1 : i32
        %get3A_786 = arith.index_cast %get3A_784 : i32 to index
        %get3A_787 = arith.index_cast %get3A_785 : i32 to index
        %get3A_788 = arith.index_cast %add3A_783 : i32 to index
        %get3A_789 = arith.constant 16 : index
        %get3A_790 = tpu.vector_load %arg6[%get3A_786, %get3A_787, %get3A_788, %get3A_789] {strides = array<i32>} : memref<4x2x100x64xf32, #tpu.memory_space<vmem>>, vector<1x1x1x16xf32>,
        %get3A_791 = vector.shape_cast %get3A_790 : vector<1x1x1x16xf32> to vector<16xf32>
        %max3A_792 = arith.maximumf %max3A_779, %get3A_791 : vector<16xf32>
        %mul3A_793 = arith.constant 4 : i32
        %mul3A_794 = arith.muli %mul3A_793, %scan3A_426 : i32
        %add3A_795 = arith.constant 3 : i32
        %add3A_796 = arith.addi %mul3A_794, %add3A_795 : i32
        %get3A_797 = arith.constant 1 : i32
        %get3A_798 = arith.constant 0 : i32
        %get3A_799 = arith.index_cast %get3A_797 : i32 to index
        %get3A_800 = arith.index_cast %get3A_798 : i32 to index
        %get3A_801 = arith.index_cast %add3A_796 : i32 to index
        %get3A_802 = arith.constant 32 : index
        %get3A_803 = tpu.vector_load %arg6[%get3A_799, %get3A_800, %get3A_801, %get3A_802] {strides = array<i32>} : memref<4x2x100x64xf32, #tpu.memory_space<vmem>>, vector<1x1x1x16xf32>,
        %get3A_804 = vector.shape_cast %get3A_803 : vector<1x1x1x16xf32> to vector<16xf32>
        %max3A_805 = arith.maximumf %max3A_714, %get3A_804 : vector<16xf32>
        %mul3A_806 = arith.constant 4 : i32
        %mul3A_807 = arith.muli %mul3A_806, %scan3A_426 : i32
        %add3A_808 = arith.constant 3 : i32
        %add3A_809 = arith.addi %mul3A_807, %add3A_808 : i32
        %get3A_810 = arith.constant 1 : i32
        %get3A_811 = arith.constant 1 : i32
        %get3A_812 = arith.index_cast %get3A_810 : i32 to index
        %get3A_813 = arith.index_cast %get3A_811 : i32 to index
        %get3A_814 = arith.index_cast %add3A_809 : i32 to index
        %get3A_815 = arith.constant 32 : index
        %get3A_816 = tpu.vector_load %arg6[%get3A_812, %get3A_813, %get3A_814, %get3A_815] {strides = array<i32>} : memref<4x2x100x64xf32, #tpu.memory_space<vmem>>, vector<1x1x1x16xf32>,
        %get3A_817 = vector.shape_cast %get3A_816 : vector<1x1x1x16xf32> to vector<16xf32>
        %max3A_818 = arith.maximumf %max3A_805, %get3A_817 : vector<16xf32>
        %mul3A_819 = arith.constant 4 : i32
        %mul3A_820 = arith.muli %mul3A_819, %scan3A_426 : i32
        %add3A_821 = arith.constant 3 : i32
        %add3A_822 = arith.addi %mul3A_820, %add3A_821 : i32
        %get3A_823 = arith.constant 1 : i32
        %get3A_824 = arith.constant 0 : i32
        %get3A_825 = arith.index_cast %get3A_823 : i32 to index
        %get3A_826 = arith.index_cast %get3A_824 : i32 to index
        %get3A_827 = arith.index_cast %add3A_822 : i32 to index
        %get3A_828 = arith.constant 48 : index
        %get3A_829 = tpu.vector_load %arg6[%get3A_825, %get3A_826, %get3A_827, %get3A_828] {strides = array<i32>} : memref<4x2x100x64xf32, #tpu.memory_space<vmem>>, vector<1x1x1x16xf32>,
        %get3A_830 = vector.shape_cast %get3A_829 : vector<1x1x1x16xf32> to vector<16xf32>
        %max3A_831 = arith.maximumf %max3A_740, %get3A_830 : vector<16xf32>
        %mul3A_832 = arith.constant 4 : i32
        %mul3A_833 = arith.muli %mul3A_832, %scan3A_426 : i32
        %add3A_834 = arith.constant 3 : i32
        %add3A_835 = arith.addi %mul3A_833, %add3A_834 : i32
        %get3A_836 = arith.constant 1 : i32
        %get3A_837 = arith.constant 1 : i32
        %get3A_838 = arith.index_cast %get3A_836 : i32 to index
        %get3A_839 = arith.index_cast %get3A_837 : i32 to index
        %get3A_840 = arith.index_cast %add3A_835 : i32 to index
        %get3A_841 = arith.constant 48 : index
        %get3A_842 = tpu.vector_load %arg6[%get3A_838, %get3A_839, %get3A_840, %get3A_841] {strides = array<i32>} : memref<4x2x100x64xf32, #tpu.memory_space<vmem>>, vector<1x1x1x16xf32>,
        %get3A_843 = vector.shape_cast %get3A_842 : vector<1x1x1x16xf32> to vector<16xf32>
        %max3A_844 = arith.maximumf %max3A_831, %get3A_843 : vector<16xf32>
        scf.yield %max3A_766, %max3A_792, %max3A_818, %max3A_844 : vector<16xf32>, vector<16xf32>, vector<16xf32>, vector<16xf32>
      }
      %scan3A_238 = arith.constant 25 : i32
      %swap3A_239 = arith.index_cast %add3A_224 : i32 to index
      %swap3A_240 = arith.constant 0 : index
      %swap3A_241 = tpu.vector_load %arg7[%swap3A_239, %swap3A_240] {strides = array<i32>} : memref<128x64xf32, #tpu.memory_space<vmem>>, vector<1x16xf32>,
      %swap3A_242 = vector.shape_cast %swap3A_241 : vector<1x16xf32> to vector<16xf32>
      %swap3A_243 = vector.shape_cast %scan3A_237#0 : vector<16xf32> to vector<1x16xf32>
      tpu.vector_store %arg7[%swap3A_239, %swap3A_240], %swap3A_243 {strides = array<i32>} : memref<128x64xf32, #tpu.memory_space<vmem>>, vector<1x16xf32>,
      %swap3A_244 = arith.index_cast %add3A_224 : i32 to index
      %swap3A_245 = arith.constant 16 : index
      %swap3A_246 = tpu.vector_load %arg7[%swap3A_244, %swap3A_245] {strides = array<i32>} : memref<128x64xf32, #tpu.memory_space<vmem>>, vector<1x16xf32>,
      %swap3A_247 = vector.shape_cast %swap3A_246 : vector<1x16xf32> to vector<16xf32>
      %swap3A_248 = vector.shape_cast %scan3A_237#1 : vector<16xf32> to vector<1x16xf32>
      tpu.vector_store %arg7[%swap3A_244, %swap3A_245], %swap3A_248 {strides = array<i32>} : memref<128x64xf32, #tpu.memory_space<vmem>>, vector<1x16xf32>,
      %swap3A_249 = arith.index_cast %add3A_224 : i32 to index
      %swap3A_250 = arith.constant 32 : index
      %swap3A_251 = tpu.vector_load %arg7[%swap3A_249, %swap3A_250] {strides = array<i32>} : memref<128x64xf32, #tpu.memory_space<vmem>>, vector<1x16xf32>,
      %swap3A_252 = vector.shape_cast %swap3A_251 : vector<1x16xf32> to vector<16xf32>
      %swap3A_253 = vector.shape_cast %scan3A_237#2 : vector<16xf32> to vector<1x16xf32>
      tpu.vector_store %arg7[%swap3A_249, %swap3A_250], %swap3A_253 {strides = array<i32>} : memref<128x64xf32, #tpu.memory_space<vmem>>, vector<1x16xf32>,
      %swap3A_254 = arith.index_cast %add3A_224 : i32 to index
      %swap3A_255 = arith.constant 48 : index
      %swap3A_256 = tpu.vector_load %arg7[%swap3A_254, %swap3A_255] {strides = array<i32>} : memref<128x64xf32, #tpu.memory_space<vmem>>, vector<1x16xf32>,
      %swap3A_257 = vector.shape_cast %swap3A_256 : vector<1x16xf32> to vector<16xf32>
      %swap3A_258 = vector.shape_cast %scan3A_237#3 : vector<16xf32> to vector<1x16xf32>
      tpu.vector_store %arg7[%swap3A_254, %swap3A_255], %swap3A_258 {strides = array<i32>} : memref<128x64xf32, #tpu.memory_space<vmem>>, vector<1x16xf32>,
      %add3A_259 = arith.constant 1 : i32
      %add3A_260 = arith.addi %mul3A_115, %add3A_259 : i32
      %add3A_261 = arith.constant 4 : i32
      %add3A_262 = arith.addi %add3A_260, %add3A_261 : i32
      %lt3A_263 = arith.constant 128 : i32
      %lt3A_264 = arith.cmpi slt, %add3A_262, %lt3A_263 : i32
      %convert_element_type3A_265 = arith.extui %lt3A_264 : i1 to i32
      %cond3A_266 = arith.constant 0 : i32
      %cond3A_267 = arith.cmpi ne, %convert_element_type3A_265, %cond3A_266 : i32
      scf.if %cond3A_267 {
        %add3A_426 = arith.constant 1 : i32
        %add3A_427 = arith.addi %mul3A_115, %add3A_426 : i32
        %add3A_428 = arith.constant 4 : i32
        %add3A_429 = arith.addi %add3A_427, %add3A_428 : i32
        %mul3A_430 = arith.constant 2 : i32
        %mul3A_431 = arith.muli %mul3A_430, %add3A_429 : i32
        %add3A_432 = arith.constant 0 : i32
        %add3A_433 = arith.addi %mul3A_431, %add3A_432 : i32
        %dma_start3A_434 = arith.constant 1 : i32
        %dma_start3A_435 = arith.constant 0 : i32
        %dma_start3A_436 = arith.constant 0 : i32
        %dma_start3A_437 = arith.constant 0 : i32
        %dma_start3A_438 = tpu.memref_slice %arg6[%dma_start3A_434, %dma_start3A_435, %dma_start3A_436, %dma_start3A_437] : memref<4x2x100x64xf32, #tpu.memory_space<vmem>> -> memref<1x1x100x64xf32, #tpu.memory_space<vmem>>
        %dma_start3A_439 = tpu.memref_squeeze %dma_start3A_438 : memref<1x1x100x64xf32, #tpu.memory_space<vmem>> -> memref<100x64xf32, #tpu.memory_space<vmem>>
        %dma_start3A_440 = arith.constant 0 : i32
        %dma_start3A_441 = tpu.memref_slice %arg5[%add3A_433, %dma_start3A_440] : memref<256x100xi32, #tpu.memory_space<vmem>> -> memref<1x100xi32, #tpu.memory_space<vmem>>
        %dma_start3A_442 = tpu.memref_squeeze %dma_start3A_441 : memref<1x100xi32, #tpu.memory_space<vmem>> -> memref<100xi32, #tpu.memory_space<vmem>>
        %dma_start3A_443 = arith.constant 0 : i32
        %dma_start3A_444 = arith.constant 0 : i32
        %dma_start3A_445 = tpu.memref_slice %arg3[%dma_start3A_443, %dma_start3A_444] : memref<1000000x64xf32, #tpu.memory_space<hbm>> -> memref<1000000x64xf32, #tpu.memory_space<hbm>>
        tpu.enqueue_indirect_dma source(%dma_start3A_445 : memref<1000000x64xf32, #tpu.memory_space<hbm>>) target(%dma_start3A_439 : memref<100x64xf32, #tpu.memory_space<vmem>>) offsets(%dma_start3A_442 : memref<100xi32, #tpu.memory_space<vmem>>) semaphore(%arg9 : memref<!tpu.dma_semaphore, #tpu.memory_space<semaphore_mem>>)
        %mul3A_446 = arith.constant 2 : i32
        %mul3A_447 = arith.muli %mul3A_446, %add3A_429 : i32
        %add3A_448 = arith.constant 1 : i32
        %add3A_449 = arith.addi %mul3A_447, %add3A_448 : i32
        %dma_start3A_450 = arith.constant 1 : i32
        %dma_start3A_451 = arith.constant 1 : i32
        %dma_start3A_452 = arith.constant 0 : i32
        %dma_start3A_453 = arith.constant 0 : i32
        %dma_start3A_454 = tpu.memref_slice %arg6[%dma_start3A_450, %dma_start3A_451, %dma_start3A_452, %dma_start3A_453] : memref<4x2x100x64xf32, #tpu.memory_space<vmem>> -> memref<1x1x100x64xf32, #tpu.memory_space<vmem>>
        %dma_start3A_455 = tpu.memref_squeeze %dma_start3A_454 : memref<1x1x100x64xf32, #tpu.memory_space<vmem>> -> memref<100x64xf32, #tpu.memory_space<vmem>>
        %dma_start3A_456 = arith.constant 0 : i32
        %dma_start3A_457 = tpu.memref_slice %arg5[%add3A_449, %dma_start3A_456] : memref<256x100xi32, #tpu.memory_space<vmem>> -> memref<1x100xi32, #tpu.memory_space<vmem>>
        %dma_start3A_458 = tpu.memref_squeeze %dma_start3A_457 : memref<1x100xi32, #tpu.memory_space<vmem>> -> memref<100xi32, #tpu.memory_space<vmem>>
        %dma_start3A_459 = arith.constant 0 : i32
        %dma_start3A_460 = arith.constant 0 : i32
        %dma_start3A_461 = tpu.memref_slice %arg3[%dma_start3A_459, %dma_start3A_460] : memref<1000000x64xf32, #tpu.memory_space<hbm>> -> memref<1000000x64xf32, #tpu.memory_space<hbm>>
        tpu.enqueue_indirect_dma source(%dma_start3A_461 : memref<1000000x64xf32, #tpu.memory_space<hbm>>) target(%dma_start3A_455 : memref<100x64xf32, #tpu.memory_space<vmem>>) offsets(%dma_start3A_458 : memref<100xi32, #tpu.memory_space<vmem>>) semaphore(%arg9 : memref<!tpu.dma_semaphore, #tpu.memory_space<semaphore_mem>>)
      } else {
      }
      %add3A_268 = arith.constant 2 : i32
      %add3A_269 = arith.addi %mul3A_115, %add3A_268 : i32
      %mul3A_270 = arith.constant 2 : i32
      %mul3A_271 = arith.muli %mul3A_270, %add3A_269 : i32
      %add3A_272 = arith.constant 0 : i32
      %add3A_273 = arith.addi %mul3A_271, %add3A_272 : i32
      %dma_wait3A_274 = arith.constant 2 : i32
      %dma_wait3A_275 = arith.constant 0 : i32
      %dma_wait3A_276 = arith.constant 0 : i32
      %dma_wait3A_277 = arith.constant 0 : i32
      %dma_wait3A_278 = tpu.memref_slice %arg6[%dma_wait3A_274, %dma_wait3A_275, %dma_wait3A_276, %dma_wait3A_277] : memref<4x2x100x64xf32, #tpu.memory_space<vmem>> -> memref<1x1x100x64xf32, #tpu.memory_space<vmem>>
      %dma_wait3A_279 = tpu.memref_squeeze %dma_wait3A_278 : memref<1x1x100x64xf32, #tpu.memory_space<vmem>> -> memref<100x64xf32, #tpu.memory_space<vmem>>
      %dma_wait3A_280 = arith.constant 0 : i32
      %dma_wait3A_281 = tpu.memref_slice %arg5[%add3A_273, %dma_wait3A_280] : memref<256x100xi32, #tpu.memory_space<vmem>> -> memref<1x100xi32, #tpu.memory_space<vmem>>
      %dma_wait3A_282 = tpu.memref_squeeze %dma_wait3A_281 : memref<1x100xi32, #tpu.memory_space<vmem>> -> memref<100xi32, #tpu.memory_space<vmem>>
      %dma_wait3A_283 = arith.constant 0 : i32
      %dma_wait3A_284 = arith.constant 0 : i32
      %dma_wait3A_285 = tpu.memref_slice %arg3[%dma_wait3A_283, %dma_wait3A_284] : memref<1000000x64xf32, #tpu.memory_space<hbm>> -> memref<1000000x64xf32, #tpu.memory_space<hbm>>
      tpu.wait_indirect_dma semaphore(%arg10 : memref<!tpu.dma_semaphore, #tpu.memory_space<semaphore_mem>>) src(%dma_wait3A_285 : memref<1000000x64xf32, #tpu.memory_space<hbm>>) dst(%dma_wait3A_279 : memref<100x64xf32, #tpu.memory_space<vmem>>)
      %mul3A_286 = arith.constant 2 : i32
      %mul3A_287 = arith.muli %mul3A_286, %add3A_269 : i32
      %add3A_288 = arith.constant 1 : i32
      %add3A_289 = arith.addi %mul3A_287, %add3A_288 : i32
      %dma_wait3A_290 = arith.constant 2 : i32
      %dma_wait3A_291 = arith.constant 1 : i32
      %dma_wait3A_292 = arith.constant 0 : i32
      %dma_wait3A_293 = arith.constant 0 : i32
      %dma_wait3A_294 = tpu.memref_slice %arg6[%dma_wait3A_290, %dma_wait3A_291, %dma_wait3A_292, %dma_wait3A_293] : memref<4x2x100x64xf32, #tpu.memory_space<vmem>> -> memref<1x1x100x64xf32, #tpu.memory_space<vmem>>
      %dma_wait3A_295 = tpu.memref_squeeze %dma_wait3A_294 : memref<1x1x100x64xf32, #tpu.memory_space<vmem>> -> memref<100x64xf32, #tpu.memory_space<vmem>>
      %dma_wait3A_296 = arith.constant 0 : i32
      %dma_wait3A_297 = tpu.memref_slice %arg5[%add3A_289, %dma_wait3A_296] : memref<256x100xi32, #tpu.memory_space<vmem>> -> memref<1x100xi32, #tpu.memory_space<vmem>>
      %dma_wait3A_298 = tpu.memref_squeeze %dma_wait3A_297 : memref<1x100xi32, #tpu.memory_space<vmem>> -> memref<100xi32, #tpu.memory_space<vmem>>
      %dma_wait3A_299 = arith.constant 0 : i32
      %dma_wait3A_300 = arith.constant 0 : i32
      %dma_wait3A_301 = tpu.memref_slice %arg3[%dma_wait3A_299, %dma_wait3A_300] : memref<1000000x64xf32, #tpu.memory_space<hbm>> -> memref<1000000x64xf32, #tpu.memory_space<hbm>>
      tpu.wait_indirect_dma semaphore(%arg10 : memref<!tpu.dma_semaphore, #tpu.memory_space<semaphore_mem>>) src(%dma_wait3A_301 : memref<1000000x64xf32, #tpu.memory_space<hbm>>) dst(%dma_wait3A_295 : memref<100x64xf32, #tpu.memory_space<vmem>>)
      %add3A_302 = arith.constant 2 : i32
      %add3A_303 = arith.addi %mul3A_115, %add3A_302 : i32
      %broadcast_in_dim3A_304 = arith.constant 0xFF800000 : f32
      %broadcast_in_dim3A_305 = vector.broadcast %broadcast_in_dim3A_304 : f32 to vector<16xf32>
      %broadcast_in_dim3A_306 = arith.constant 0xFF800000 : f32
      %broadcast_in_dim3A_307 = vector.broadcast %broadcast_in_dim3A_306 : f32 to vector<16xf32>
      %broadcast_in_dim3A_308 = arith.constant 0xFF800000 : f32
      %broadcast_in_dim3A_309 = vector.broadcast %broadcast_in_dim3A_308 : f32 to vector<16xf32>
      %broadcast_in_dim3A_310 = arith.constant 0xFF800000 : f32
      %broadcast_in_dim3A_311 = vector.broadcast %broadcast_in_dim3A_310 : f32 to vector<16xf32>
      %scan3A_312 = arith.constant 0 : i32
      %scan3A_313 = arith.constant 25 : i32
      %scan3A_314 = arith.addi %scan3A_312, %scan3A_313 : i32
      %scan3A_315 = arith.constant 1 : i32
      %scan3A_316:4 = scf.for %scan3A_426 = %scan3A_312 to %scan3A_314 step %scan3A_315 iter_args(%scan3A_427 = %broadcast_in_dim3A_305, %scan3A_428 = %broadcast_in_dim3A_307, %scan3A_429 = %broadcast_in_dim3A_309, %scan3A_430 = %broadcast_in_dim3A_311) -> (vector<16xf32>, vector<16xf32>, vector<16xf32>, vector<16xf32>)  : i32 {
        %mul3A_431 = arith.constant 4 : i32
        %mul3A_432 = arith.muli %mul3A_431, %scan3A_426 : i32
        %add3A_433 = arith.constant 0 : i32
        %add3A_434 = arith.addi %mul3A_432, %add3A_433 : i32
        %get3A = arith.constant 2 : i32
        %get3A_435 = arith.constant 0 : i32
        %get3A_436 = arith.index_cast %get3A : i32 to index
        %get3A_437 = arith.index_cast %get3A_435 : i32 to index
        %get3A_438 = arith.index_cast %add3A_434 : i32 to index
        %get3A_439 = arith.constant 0 : index
        %get3A_440 = tpu.vector_load %arg6[%get3A_436, %get3A_437, %get3A_438, %get3A_439] {strides = array<i32>} : memref<4x2x100x64xf32, #tpu.memory_space<vmem>>, vector<1x1x1x16xf32>,
        %get3A_441 = vector.shape_cast %get3A_440 : vector<1x1x1x16xf32> to vector<16xf32>
        %max3A = arith.maximumf %scan3A_427, %get3A_441 : vector<16xf32>
        %mul3A_442 = arith.constant 4 : i32
        %mul3A_443 = arith.muli %mul3A_442, %scan3A_426 : i32
        %add3A_444 = arith.constant 0 : i32
        %add3A_445 = arith.addi %mul3A_443, %add3A_444 : i32
        %get3A_446 = arith.constant 2 : i32
        %get3A_447 = arith.constant 1 : i32
        %get3A_448 = arith.index_cast %get3A_446 : i32 to index
        %get3A_449 = arith.index_cast %get3A_447 : i32 to index
        %get3A_450 = arith.index_cast %add3A_445 : i32 to index
        %get3A_451 = arith.constant 0 : index
        %get3A_452 = tpu.vector_load %arg6[%get3A_448, %get3A_449, %get3A_450, %get3A_451] {strides = array<i32>} : memref<4x2x100x64xf32, #tpu.memory_space<vmem>>, vector<1x1x1x16xf32>,
        %get3A_453 = vector.shape_cast %get3A_452 : vector<1x1x1x16xf32> to vector<16xf32>
        %max3A_454 = arith.maximumf %max3A, %get3A_453 : vector<16xf32>
        %mul3A_455 = arith.constant 4 : i32
        %mul3A_456 = arith.muli %mul3A_455, %scan3A_426 : i32
        %add3A_457 = arith.constant 0 : i32
        %add3A_458 = arith.addi %mul3A_456, %add3A_457 : i32
        %get3A_459 = arith.constant 2 : i32
        %get3A_460 = arith.constant 0 : i32
        %get3A_461 = arith.index_cast %get3A_459 : i32 to index
        %get3A_462 = arith.index_cast %get3A_460 : i32 to index
        %get3A_463 = arith.index_cast %add3A_458 : i32 to index
        %get3A_464 = arith.constant 16 : index
        %get3A_465 = tpu.vector_load %arg6[%get3A_461, %get3A_462, %get3A_463, %get3A_464] {strides = array<i32>} : memref<4x2x100x64xf32, #tpu.memory_space<vmem>>, vector<1x1x1x16xf32>,
        %get3A_466 = vector.shape_cast %get3A_465 : vector<1x1x1x16xf32> to vector<16xf32>
        %max3A_467 = arith.maximumf %scan3A_428, %get3A_466 : vector<16xf32>
        %mul3A_468 = arith.constant 4 : i32
        %mul3A_469 = arith.muli %mul3A_468, %scan3A_426 : i32
        %add3A_470 = arith.constant 0 : i32
        %add3A_471 = arith.addi %mul3A_469, %add3A_470 : i32
        %get3A_472 = arith.constant 2 : i32
        %get3A_473 = arith.constant 1 : i32
        %get3A_474 = arith.index_cast %get3A_472 : i32 to index
        %get3A_475 = arith.index_cast %get3A_473 : i32 to index
        %get3A_476 = arith.index_cast %add3A_471 : i32 to index
        %get3A_477 = arith.constant 16 : index
        %get3A_478 = tpu.vector_load %arg6[%get3A_474, %get3A_475, %get3A_476, %get3A_477] {strides = array<i32>} : memref<4x2x100x64xf32, #tpu.memory_space<vmem>>, vector<1x1x1x16xf32>,
        %get3A_479 = vector.shape_cast %get3A_478 : vector<1x1x1x16xf32> to vector<16xf32>
        %max3A_480 = arith.maximumf %max3A_467, %get3A_479 : vector<16xf32>
        %mul3A_481 = arith.constant 4 : i32
        %mul3A_482 = arith.muli %mul3A_481, %scan3A_426 : i32
        %add3A_483 = arith.constant 0 : i32
        %add3A_484 = arith.addi %mul3A_482, %add3A_483 : i32
        %get3A_485 = arith.constant 2 : i32
        %get3A_486 = arith.constant 0 : i32
        %get3A_487 = arith.index_cast %get3A_485 : i32 to index
        %get3A_488 = arith.index_cast %get3A_486 : i32 to index
        %get3A_489 = arith.index_cast %add3A_484 : i32 to index
        %get3A_490 = arith.constant 32 : index
        %get3A_491 = tpu.vector_load %arg6[%get3A_487, %get3A_488, %get3A_489, %get3A_490] {strides = array<i32>} : memref<4x2x100x64xf32, #tpu.memory_space<vmem>>, vector<1x1x1x16xf32>,
        %get3A_492 = vector.shape_cast %get3A_491 : vector<1x1x1x16xf32> to vector<16xf32>
        %max3A_493 = arith.maximumf %scan3A_429, %get3A_492 : vector<16xf32>
        %mul3A_494 = arith.constant 4 : i32
        %mul3A_495 = arith.muli %mul3A_494, %scan3A_426 : i32
        %add3A_496 = arith.constant 0 : i32
        %add3A_497 = arith.addi %mul3A_495, %add3A_496 : i32
        %get3A_498 = arith.constant 2 : i32
        %get3A_499 = arith.constant 1 : i32
        %get3A_500 = arith.index_cast %get3A_498 : i32 to index
        %get3A_501 = arith.index_cast %get3A_499 : i32 to index
        %get3A_502 = arith.index_cast %add3A_497 : i32 to index
        %get3A_503 = arith.constant 32 : index
        %get3A_504 = tpu.vector_load %arg6[%get3A_500, %get3A_501, %get3A_502, %get3A_503] {strides = array<i32>} : memref<4x2x100x64xf32, #tpu.memory_space<vmem>>, vector<1x1x1x16xf32>,
        %get3A_505 = vector.shape_cast %get3A_504 : vector<1x1x1x16xf32> to vector<16xf32>
        %max3A_506 = arith.maximumf %max3A_493, %get3A_505 : vector<16xf32>
        %mul3A_507 = arith.constant 4 : i32
        %mul3A_508 = arith.muli %mul3A_507, %scan3A_426 : i32
        %add3A_509 = arith.constant 0 : i32
        %add3A_510 = arith.addi %mul3A_508, %add3A_509 : i32
        %get3A_511 = arith.constant 2 : i32
        %get3A_512 = arith.constant 0 : i32
        %get3A_513 = arith.index_cast %get3A_511 : i32 to index
        %get3A_514 = arith.index_cast %get3A_512 : i32 to index
        %get3A_515 = arith.index_cast %add3A_510 : i32 to index
        %get3A_516 = arith.constant 48 : index
        %get3A_517 = tpu.vector_load %arg6[%get3A_513, %get3A_514, %get3A_515, %get3A_516] {strides = array<i32>} : memref<4x2x100x64xf32, #tpu.memory_space<vmem>>, vector<1x1x1x16xf32>,
        %get3A_518 = vector.shape_cast %get3A_517 : vector<1x1x1x16xf32> to vector<16xf32>
        %max3A_519 = arith.maximumf %scan3A_430, %get3A_518 : vector<16xf32>
        %mul3A_520 = arith.constant 4 : i32
        %mul3A_521 = arith.muli %mul3A_520, %scan3A_426 : i32
        %add3A_522 = arith.constant 0 : i32
        %add3A_523 = arith.addi %mul3A_521, %add3A_522 : i32
        %get3A_524 = arith.constant 2 : i32
        %get3A_525 = arith.constant 1 : i32
        %get3A_526 = arith.index_cast %get3A_524 : i32 to index
        %get3A_527 = arith.index_cast %get3A_525 : i32 to index
        %get3A_528 = arith.index_cast %add3A_523 : i32 to index
        %get3A_529 = arith.constant 48 : index
        %get3A_530 = tpu.vector_load %arg6[%get3A_526, %get3A_527, %get3A_528, %get3A_529] {strides = array<i32>} : memref<4x2x100x64xf32, #tpu.memory_space<vmem>>, vector<1x1x1x16xf32>,
        %get3A_531 = vector.shape_cast %get3A_530 : vector<1x1x1x16xf32> to vector<16xf32>
        %max3A_532 = arith.maximumf %max3A_519, %get3A_531 : vector<16xf32>
        %mul3A_533 = arith.constant 4 : i32
        %mul3A_534 = arith.muli %mul3A_533, %scan3A_426 : i32
        %add3A_535 = arith.constant 1 : i32
        %add3A_536 = arith.addi %mul3A_534, %add3A_535 : i32
        %get3A_537 = arith.constant 2 : i32
        %get3A_538 = arith.constant 0 : i32
        %get3A_539 = arith.index_cast %get3A_537 : i32 to index
        %get3A_540 = arith.index_cast %get3A_538 : i32 to index
        %get3A_541 = arith.index_cast %add3A_536 : i32 to index
        %get3A_542 = arith.constant 0 : index
        %get3A_543 = tpu.vector_load %arg6[%get3A_539, %get3A_540, %get3A_541, %get3A_542] {strides = array<i32>} : memref<4x2x100x64xf32, #tpu.memory_space<vmem>>, vector<1x1x1x16xf32>,
        %get3A_544 = vector.shape_cast %get3A_543 : vector<1x1x1x16xf32> to vector<16xf32>
        %max3A_545 = arith.maximumf %max3A_454, %get3A_544 : vector<16xf32>
        %mul3A_546 = arith.constant 4 : i32
        %mul3A_547 = arith.muli %mul3A_546, %scan3A_426 : i32
        %add3A_548 = arith.constant 1 : i32
        %add3A_549 = arith.addi %mul3A_547, %add3A_548 : i32
        %get3A_550 = arith.constant 2 : i32
        %get3A_551 = arith.constant 1 : i32
        %get3A_552 = arith.index_cast %get3A_550 : i32 to index
        %get3A_553 = arith.index_cast %get3A_551 : i32 to index
        %get3A_554 = arith.index_cast %add3A_549 : i32 to index
        %get3A_555 = arith.constant 0 : index
        %get3A_556 = tpu.vector_load %arg6[%get3A_552, %get3A_553, %get3A_554, %get3A_555] {strides = array<i32>} : memref<4x2x100x64xf32, #tpu.memory_space<vmem>>, vector<1x1x1x16xf32>,
        %get3A_557 = vector.shape_cast %get3A_556 : vector<1x1x1x16xf32> to vector<16xf32>
        %max3A_558 = arith.maximumf %max3A_545, %get3A_557 : vector<16xf32>
        %mul3A_559 = arith.constant 4 : i32
        %mul3A_560 = arith.muli %mul3A_559, %scan3A_426 : i32
        %add3A_561 = arith.constant 1 : i32
        %add3A_562 = arith.addi %mul3A_560, %add3A_561 : i32
        %get3A_563 = arith.constant 2 : i32
        %get3A_564 = arith.constant 0 : i32
        %get3A_565 = arith.index_cast %get3A_563 : i32 to index
        %get3A_566 = arith.index_cast %get3A_564 : i32 to index
        %get3A_567 = arith.index_cast %add3A_562 : i32 to index
        %get3A_568 = arith.constant 16 : index
        %get3A_569 = tpu.vector_load %arg6[%get3A_565, %get3A_566, %get3A_567, %get3A_568] {strides = array<i32>} : memref<4x2x100x64xf32, #tpu.memory_space<vmem>>, vector<1x1x1x16xf32>,
        %get3A_570 = vector.shape_cast %get3A_569 : vector<1x1x1x16xf32> to vector<16xf32>
        %max3A_571 = arith.maximumf %max3A_480, %get3A_570 : vector<16xf32>
        %mul3A_572 = arith.constant 4 : i32
        %mul3A_573 = arith.muli %mul3A_572, %scan3A_426 : i32
        %add3A_574 = arith.constant 1 : i32
        %add3A_575 = arith.addi %mul3A_573, %add3A_574 : i32
        %get3A_576 = arith.constant 2 : i32
        %get3A_577 = arith.constant 1 : i32
        %get3A_578 = arith.index_cast %get3A_576 : i32 to index
        %get3A_579 = arith.index_cast %get3A_577 : i32 to index
        %get3A_580 = arith.index_cast %add3A_575 : i32 to index
        %get3A_581 = arith.constant 16 : index
        %get3A_582 = tpu.vector_load %arg6[%get3A_578, %get3A_579, %get3A_580, %get3A_581] {strides = array<i32>} : memref<4x2x100x64xf32, #tpu.memory_space<vmem>>, vector<1x1x1x16xf32>,
        %get3A_583 = vector.shape_cast %get3A_582 : vector<1x1x1x16xf32> to vector<16xf32>
        %max3A_584 = arith.maximumf %max3A_571, %get3A_583 : vector<16xf32>
        %mul3A_585 = arith.constant 4 : i32
        %mul3A_586 = arith.muli %mul3A_585, %scan3A_426 : i32
        %add3A_587 = arith.constant 1 : i32
        %add3A_588 = arith.addi %mul3A_586, %add3A_587 : i32
        %get3A_589 = arith.constant 2 : i32
        %get3A_590 = arith.constant 0 : i32
        %get3A_591 = arith.index_cast %get3A_589 : i32 to index
        %get3A_592 = arith.index_cast %get3A_590 : i32 to index
        %get3A_593 = arith.index_cast %add3A_588 : i32 to index
        %get3A_594 = arith.constant 32 : index
        %get3A_595 = tpu.vector_load %arg6[%get3A_591, %get3A_592, %get3A_593, %get3A_594] {strides = array<i32>} : memref<4x2x100x64xf32, #tpu.memory_space<vmem>>, vector<1x1x1x16xf32>,
        %get3A_596 = vector.shape_cast %get3A_595 : vector<1x1x1x16xf32> to vector<16xf32>
        %max3A_597 = arith.maximumf %max3A_506, %get3A_596 : vector<16xf32>
        %mul3A_598 = arith.constant 4 : i32
        %mul3A_599 = arith.muli %mul3A_598, %scan3A_426 : i32
        %add3A_600 = arith.constant 1 : i32
        %add3A_601 = arith.addi %mul3A_599, %add3A_600 : i32
        %get3A_602 = arith.constant 2 : i32
        %get3A_603 = arith.constant 1 : i32
        %get3A_604 = arith.index_cast %get3A_602 : i32 to index
        %get3A_605 = arith.index_cast %get3A_603 : i32 to index
        %get3A_606 = arith.index_cast %add3A_601 : i32 to index
        %get3A_607 = arith.constant 32 : index
        %get3A_608 = tpu.vector_load %arg6[%get3A_604, %get3A_605, %get3A_606, %get3A_607] {strides = array<i32>} : memref<4x2x100x64xf32, #tpu.memory_space<vmem>>, vector<1x1x1x16xf32>,
        %get3A_609 = vector.shape_cast %get3A_608 : vector<1x1x1x16xf32> to vector<16xf32>
        %max3A_610 = arith.maximumf %max3A_597, %get3A_609 : vector<16xf32>
        %mul3A_611 = arith.constant 4 : i32
        %mul3A_612 = arith.muli %mul3A_611, %scan3A_426 : i32
        %add3A_613 = arith.constant 1 : i32
        %add3A_614 = arith.addi %mul3A_612, %add3A_613 : i32
        %get3A_615 = arith.constant 2 : i32
        %get3A_616 = arith.constant 0 : i32
        %get3A_617 = arith.index_cast %get3A_615 : i32 to index
        %get3A_618 = arith.index_cast %get3A_616 : i32 to index
        %get3A_619 = arith.index_cast %add3A_614 : i32 to index
        %get3A_620 = arith.constant 48 : index
        %get3A_621 = tpu.vector_load %arg6[%get3A_617, %get3A_618, %get3A_619, %get3A_620] {strides = array<i32>} : memref<4x2x100x64xf32, #tpu.memory_space<vmem>>, vector<1x1x1x16xf32>,
        %get3A_622 = vector.shape_cast %get3A_621 : vector<1x1x1x16xf32> to vector<16xf32>
        %max3A_623 = arith.maximumf %max3A_532, %get3A_622 : vector<16xf32>
        %mul3A_624 = arith.constant 4 : i32
        %mul3A_625 = arith.muli %mul3A_624, %scan3A_426 : i32
        %add3A_626 = arith.constant 1 : i32
        %add3A_627 = arith.addi %mul3A_625, %add3A_626 : i32
        %get3A_628 = arith.constant 2 : i32
        %get3A_629 = arith.constant 1 : i32
        %get3A_630 = arith.index_cast %get3A_628 : i32 to index
        %get3A_631 = arith.index_cast %get3A_629 : i32 to index
        %get3A_632 = arith.index_cast %add3A_627 : i32 to index
        %get3A_633 = arith.constant 48 : index
        %get3A_634 = tpu.vector_load %arg6[%get3A_630, %get3A_631, %get3A_632, %get3A_633] {strides = array<i32>} : memref<4x2x100x64xf32, #tpu.memory_space<vmem>>, vector<1x1x1x16xf32>,
        %get3A_635 = vector.shape_cast %get3A_634 : vector<1x1x1x16xf32> to vector<16xf32>
        %max3A_636 = arith.maximumf %max3A_623, %get3A_635 : vector<16xf32>
        %mul3A_637 = arith.constant 4 : i32
        %mul3A_638 = arith.muli %mul3A_637, %scan3A_426 : i32
        %add3A_639 = arith.constant 2 : i32
        %add3A_640 = arith.addi %mul3A_638, %add3A_639 : i32
        %get3A_641 = arith.constant 2 : i32
        %get3A_642 = arith.constant 0 : i32
        %get3A_643 = arith.index_cast %get3A_641 : i32 to index
        %get3A_644 = arith.index_cast %get3A_642 : i32 to index
        %get3A_645 = arith.index_cast %add3A_640 : i32 to index
        %get3A_646 = arith.constant 0 : index
        %get3A_647 = tpu.vector_load %arg6[%get3A_643, %get3A_644, %get3A_645, %get3A_646] {strides = array<i32>} : memref<4x2x100x64xf32, #tpu.memory_space<vmem>>, vector<1x1x1x16xf32>,
        %get3A_648 = vector.shape_cast %get3A_647 : vector<1x1x1x16xf32> to vector<16xf32>
        %max3A_649 = arith.maximumf %max3A_558, %get3A_648 : vector<16xf32>
        %mul3A_650 = arith.constant 4 : i32
        %mul3A_651 = arith.muli %mul3A_650, %scan3A_426 : i32
        %add3A_652 = arith.constant 2 : i32
        %add3A_653 = arith.addi %mul3A_651, %add3A_652 : i32
        %get3A_654 = arith.constant 2 : i32
        %get3A_655 = arith.constant 1 : i32
        %get3A_656 = arith.index_cast %get3A_654 : i32 to index
        %get3A_657 = arith.index_cast %get3A_655 : i32 to index
        %get3A_658 = arith.index_cast %add3A_653 : i32 to index
        %get3A_659 = arith.constant 0 : index
        %get3A_660 = tpu.vector_load %arg6[%get3A_656, %get3A_657, %get3A_658, %get3A_659] {strides = array<i32>} : memref<4x2x100x64xf32, #tpu.memory_space<vmem>>, vector<1x1x1x16xf32>,
        %get3A_661 = vector.shape_cast %get3A_660 : vector<1x1x1x16xf32> to vector<16xf32>
        %max3A_662 = arith.maximumf %max3A_649, %get3A_661 : vector<16xf32>
        %mul3A_663 = arith.constant 4 : i32
        %mul3A_664 = arith.muli %mul3A_663, %scan3A_426 : i32
        %add3A_665 = arith.constant 2 : i32
        %add3A_666 = arith.addi %mul3A_664, %add3A_665 : i32
        %get3A_667 = arith.constant 2 : i32
        %get3A_668 = arith.constant 0 : i32
        %get3A_669 = arith.index_cast %get3A_667 : i32 to index
        %get3A_670 = arith.index_cast %get3A_668 : i32 to index
        %get3A_671 = arith.index_cast %add3A_666 : i32 to index
        %get3A_672 = arith.constant 16 : index
        %get3A_673 = tpu.vector_load %arg6[%get3A_669, %get3A_670, %get3A_671, %get3A_672] {strides = array<i32>} : memref<4x2x100x64xf32, #tpu.memory_space<vmem>>, vector<1x1x1x16xf32>,
        %get3A_674 = vector.shape_cast %get3A_673 : vector<1x1x1x16xf32> to vector<16xf32>
        %max3A_675 = arith.maximumf %max3A_584, %get3A_674 : vector<16xf32>
        %mul3A_676 = arith.constant 4 : i32
        %mul3A_677 = arith.muli %mul3A_676, %scan3A_426 : i32
        %add3A_678 = arith.constant 2 : i32
        %add3A_679 = arith.addi %mul3A_677, %add3A_678 : i32
        %get3A_680 = arith.constant 2 : i32
        %get3A_681 = arith.constant 1 : i32
        %get3A_682 = arith.index_cast %get3A_680 : i32 to index
        %get3A_683 = arith.index_cast %get3A_681 : i32 to index
        %get3A_684 = arith.index_cast %add3A_679 : i32 to index
        %get3A_685 = arith.constant 16 : index
        %get3A_686 = tpu.vector_load %arg6[%get3A_682, %get3A_683, %get3A_684, %get3A_685] {strides = array<i32>} : memref<4x2x100x64xf32, #tpu.memory_space<vmem>>, vector<1x1x1x16xf32>,
        %get3A_687 = vector.shape_cast %get3A_686 : vector<1x1x1x16xf32> to vector<16xf32>
        %max3A_688 = arith.maximumf %max3A_675, %get3A_687 : vector<16xf32>
        %mul3A_689 = arith.constant 4 : i32
        %mul3A_690 = arith.muli %mul3A_689, %scan3A_426 : i32
        %add3A_691 = arith.constant 2 : i32
        %add3A_692 = arith.addi %mul3A_690, %add3A_691 : i32
        %get3A_693 = arith.constant 2 : i32
        %get3A_694 = arith.constant 0 : i32
        %get3A_695 = arith.index_cast %get3A_693 : i32 to index
        %get3A_696 = arith.index_cast %get3A_694 : i32 to index
        %get3A_697 = arith.index_cast %add3A_692 : i32 to index
        %get3A_698 = arith.constant 32 : index
        %get3A_699 = tpu.vector_load %arg6[%get3A_695, %get3A_696, %get3A_697, %get3A_698] {strides = array<i32>} : memref<4x2x100x64xf32, #tpu.memory_space<vmem>>, vector<1x1x1x16xf32>,
        %get3A_700 = vector.shape_cast %get3A_699 : vector<1x1x1x16xf32> to vector<16xf32>
        %max3A_701 = arith.maximumf %max3A_610, %get3A_700 : vector<16xf32>
        %mul3A_702 = arith.constant 4 : i32
        %mul3A_703 = arith.muli %mul3A_702, %scan3A_426 : i32
        %add3A_704 = arith.constant 2 : i32
        %add3A_705 = arith.addi %mul3A_703, %add3A_704 : i32
        %get3A_706 = arith.constant 2 : i32
        %get3A_707 = arith.constant 1 : i32
        %get3A_708 = arith.index_cast %get3A_706 : i32 to index
        %get3A_709 = arith.index_cast %get3A_707 : i32 to index
        %get3A_710 = arith.index_cast %add3A_705 : i32 to index
        %get3A_711 = arith.constant 32 : index
        %get3A_712 = tpu.vector_load %arg6[%get3A_708, %get3A_709, %get3A_710, %get3A_711] {strides = array<i32>} : memref<4x2x100x64xf32, #tpu.memory_space<vmem>>, vector<1x1x1x16xf32>,
        %get3A_713 = vector.shape_cast %get3A_712 : vector<1x1x1x16xf32> to vector<16xf32>
        %max3A_714 = arith.maximumf %max3A_701, %get3A_713 : vector<16xf32>
        %mul3A_715 = arith.constant 4 : i32
        %mul3A_716 = arith.muli %mul3A_715, %scan3A_426 : i32
        %add3A_717 = arith.constant 2 : i32
        %add3A_718 = arith.addi %mul3A_716, %add3A_717 : i32
        %get3A_719 = arith.constant 2 : i32
        %get3A_720 = arith.constant 0 : i32
        %get3A_721 = arith.index_cast %get3A_719 : i32 to index
        %get3A_722 = arith.index_cast %get3A_720 : i32 to index
        %get3A_723 = arith.index_cast %add3A_718 : i32 to index
        %get3A_724 = arith.constant 48 : index
        %get3A_725 = tpu.vector_load %arg6[%get3A_721, %get3A_722, %get3A_723, %get3A_724] {strides = array<i32>} : memref<4x2x100x64xf32, #tpu.memory_space<vmem>>, vector<1x1x1x16xf32>,
        %get3A_726 = vector.shape_cast %get3A_725 : vector<1x1x1x16xf32> to vector<16xf32>
        %max3A_727 = arith.maximumf %max3A_636, %get3A_726 : vector<16xf32>
        %mul3A_728 = arith.constant 4 : i32
        %mul3A_729 = arith.muli %mul3A_728, %scan3A_426 : i32
        %add3A_730 = arith.constant 2 : i32
        %add3A_731 = arith.addi %mul3A_729, %add3A_730 : i32
        %get3A_732 = arith.constant 2 : i32
        %get3A_733 = arith.constant 1 : i32
        %get3A_734 = arith.index_cast %get3A_732 : i32 to index
        %get3A_735 = arith.index_cast %get3A_733 : i32 to index
        %get3A_736 = arith.index_cast %add3A_731 : i32 to index
        %get3A_737 = arith.constant 48 : index
        %get3A_738 = tpu.vector_load %arg6[%get3A_734, %get3A_735, %get3A_736, %get3A_737] {strides = array<i32>} : memref<4x2x100x64xf32, #tpu.memory_space<vmem>>, vector<1x1x1x16xf32>,
        %get3A_739 = vector.shape_cast %get3A_738 : vector<1x1x1x16xf32> to vector<16xf32>
        %max3A_740 = arith.maximumf %max3A_727, %get3A_739 : vector<16xf32>
        %mul3A_741 = arith.constant 4 : i32
        %mul3A_742 = arith.muli %mul3A_741, %scan3A_426 : i32
        %add3A_743 = arith.constant 3 : i32
        %add3A_744 = arith.addi %mul3A_742, %add3A_743 : i32
        %get3A_745 = arith.constant 2 : i32
        %get3A_746 = arith.constant 0 : i32
        %get3A_747 = arith.index_cast %get3A_745 : i32 to index
        %get3A_748 = arith.index_cast %get3A_746 : i32 to index
        %get3A_749 = arith.index_cast %add3A_744 : i32 to index
        %get3A_750 = arith.constant 0 : index
        %get3A_751 = tpu.vector_load %arg6[%get3A_747, %get3A_748, %get3A_749, %get3A_750] {strides = array<i32>} : memref<4x2x100x64xf32, #tpu.memory_space<vmem>>, vector<1x1x1x16xf32>,
        %get3A_752 = vector.shape_cast %get3A_751 : vector<1x1x1x16xf32> to vector<16xf32>
        %max3A_753 = arith.maximumf %max3A_662, %get3A_752 : vector<16xf32>
        %mul3A_754 = arith.constant 4 : i32
        %mul3A_755 = arith.muli %mul3A_754, %scan3A_426 : i32
        %add3A_756 = arith.constant 3 : i32
        %add3A_757 = arith.addi %mul3A_755, %add3A_756 : i32
        %get3A_758 = arith.constant 2 : i32
        %get3A_759 = arith.constant 1 : i32
        %get3A_760 = arith.index_cast %get3A_758 : i32 to index
        %get3A_761 = arith.index_cast %get3A_759 : i32 to index
        %get3A_762 = arith.index_cast %add3A_757 : i32 to index
        %get3A_763 = arith.constant 0 : index
        %get3A_764 = tpu.vector_load %arg6[%get3A_760, %get3A_761, %get3A_762, %get3A_763] {strides = array<i32>} : memref<4x2x100x64xf32, #tpu.memory_space<vmem>>, vector<1x1x1x16xf32>,
        %get3A_765 = vector.shape_cast %get3A_764 : vector<1x1x1x16xf32> to vector<16xf32>
        %max3A_766 = arith.maximumf %max3A_753, %get3A_765 : vector<16xf32>
        %mul3A_767 = arith.constant 4 : i32
        %mul3A_768 = arith.muli %mul3A_767, %scan3A_426 : i32
        %add3A_769 = arith.constant 3 : i32
        %add3A_770 = arith.addi %mul3A_768, %add3A_769 : i32
        %get3A_771 = arith.constant 2 : i32
        %get3A_772 = arith.constant 0 : i32
        %get3A_773 = arith.index_cast %get3A_771 : i32 to index
        %get3A_774 = arith.index_cast %get3A_772 : i32 to index
        %get3A_775 = arith.index_cast %add3A_770 : i32 to index
        %get3A_776 = arith.constant 16 : index
        %get3A_777 = tpu.vector_load %arg6[%get3A_773, %get3A_774, %get3A_775, %get3A_776] {strides = array<i32>} : memref<4x2x100x64xf32, #tpu.memory_space<vmem>>, vector<1x1x1x16xf32>,
        %get3A_778 = vector.shape_cast %get3A_777 : vector<1x1x1x16xf32> to vector<16xf32>
        %max3A_779 = arith.maximumf %max3A_688, %get3A_778 : vector<16xf32>
        %mul3A_780 = arith.constant 4 : i32
        %mul3A_781 = arith.muli %mul3A_780, %scan3A_426 : i32
        %add3A_782 = arith.constant 3 : i32
        %add3A_783 = arith.addi %mul3A_781, %add3A_782 : i32
        %get3A_784 = arith.constant 2 : i32
        %get3A_785 = arith.constant 1 : i32
        %get3A_786 = arith.index_cast %get3A_784 : i32 to index
        %get3A_787 = arith.index_cast %get3A_785 : i32 to index
        %get3A_788 = arith.index_cast %add3A_783 : i32 to index
        %get3A_789 = arith.constant 16 : index
        %get3A_790 = tpu.vector_load %arg6[%get3A_786, %get3A_787, %get3A_788, %get3A_789] {strides = array<i32>} : memref<4x2x100x64xf32, #tpu.memory_space<vmem>>, vector<1x1x1x16xf32>,
        %get3A_791 = vector.shape_cast %get3A_790 : vector<1x1x1x16xf32> to vector<16xf32>
        %max3A_792 = arith.maximumf %max3A_779, %get3A_791 : vector<16xf32>
        %mul3A_793 = arith.constant 4 : i32
        %mul3A_794 = arith.muli %mul3A_793, %scan3A_426 : i32
        %add3A_795 = arith.constant 3 : i32
        %add3A_796 = arith.addi %mul3A_794, %add3A_795 : i32
        %get3A_797 = arith.constant 2 : i32
        %get3A_798 = arith.constant 0 : i32
        %get3A_799 = arith.index_cast %get3A_797 : i32 to index
        %get3A_800 = arith.index_cast %get3A_798 : i32 to index
        %get3A_801 = arith.index_cast %add3A_796 : i32 to index
        %get3A_802 = arith.constant 32 : index
        %get3A_803 = tpu.vector_load %arg6[%get3A_799, %get3A_800, %get3A_801, %get3A_802] {strides = array<i32>} : memref<4x2x100x64xf32, #tpu.memory_space<vmem>>, vector<1x1x1x16xf32>,
        %get3A_804 = vector.shape_cast %get3A_803 : vector<1x1x1x16xf32> to vector<16xf32>
        %max3A_805 = arith.maximumf %max3A_714, %get3A_804 : vector<16xf32>
        %mul3A_806 = arith.constant 4 : i32
        %mul3A_807 = arith.muli %mul3A_806, %scan3A_426 : i32
        %add3A_808 = arith.constant 3 : i32
        %add3A_809 = arith.addi %mul3A_807, %add3A_808 : i32
        %get3A_810 = arith.constant 2 : i32
        %get3A_811 = arith.constant 1 : i32
        %get3A_812 = arith.index_cast %get3A_810 : i32 to index
        %get3A_813 = arith.index_cast %get3A_811 : i32 to index
        %get3A_814 = arith.index_cast %add3A_809 : i32 to index
        %get3A_815 = arith.constant 32 : index
        %get3A_816 = tpu.vector_load %arg6[%get3A_812, %get3A_813, %get3A_814, %get3A_815] {strides = array<i32>} : memref<4x2x100x64xf32, #tpu.memory_space<vmem>>, vector<1x1x1x16xf32>,
        %get3A_817 = vector.shape_cast %get3A_816 : vector<1x1x1x16xf32> to vector<16xf32>
        %max3A_818 = arith.maximumf %max3A_805, %get3A_817 : vector<16xf32>
        %mul3A_819 = arith.constant 4 : i32
        %mul3A_820 = arith.muli %mul3A_819, %scan3A_426 : i32
        %add3A_821 = arith.constant 3 : i32
        %add3A_822 = arith.addi %mul3A_820, %add3A_821 : i32
        %get3A_823 = arith.constant 2 : i32
        %get3A_824 = arith.constant 0 : i32
        %get3A_825 = arith.index_cast %get3A_823 : i32 to index
        %get3A_826 = arith.index_cast %get3A_824 : i32 to index
        %get3A_827 = arith.index_cast %add3A_822 : i32 to index
        %get3A_828 = arith.constant 48 : index
        %get3A_829 = tpu.vector_load %arg6[%get3A_825, %get3A_826, %get3A_827, %get3A_828] {strides = array<i32>} : memref<4x2x100x64xf32, #tpu.memory_space<vmem>>, vector<1x1x1x16xf32>,
        %get3A_830 = vector.shape_cast %get3A_829 : vector<1x1x1x16xf32> to vector<16xf32>
        %max3A_831 = arith.maximumf %max3A_740, %get3A_830 : vector<16xf32>
        %mul3A_832 = arith.constant 4 : i32
        %mul3A_833 = arith.muli %mul3A_832, %scan3A_426 : i32
        %add3A_834 = arith.constant 3 : i32
        %add3A_835 = arith.addi %mul3A_833, %add3A_834 : i32
        %get3A_836 = arith.constant 2 : i32
        %get3A_837 = arith.constant 1 : i32
        %get3A_838 = arith.index_cast %get3A_836 : i32 to index
        %get3A_839 = arith.index_cast %get3A_837 : i32 to index
        %get3A_840 = arith.index_cast %add3A_835 : i32 to index
        %get3A_841 = arith.constant 48 : index
        %get3A_842 = tpu.vector_load %arg6[%get3A_838, %get3A_839, %get3A_840, %get3A_841] {strides = array<i32>} : memref<4x2x100x64xf32, #tpu.memory_space<vmem>>, vector<1x1x1x16xf32>,
        %get3A_843 = vector.shape_cast %get3A_842 : vector<1x1x1x16xf32> to vector<16xf32>
        %max3A_844 = arith.maximumf %max3A_831, %get3A_843 : vector<16xf32>
        scf.yield %max3A_766, %max3A_792, %max3A_818, %max3A_844 : vector<16xf32>, vector<16xf32>, vector<16xf32>, vector<16xf32>
      }
      %scan3A_317 = arith.constant 25 : i32
      %swap3A_318 = arith.index_cast %add3A_303 : i32 to index
      %swap3A_319 = arith.constant 0 : index
      %swap3A_320 = tpu.vector_load %arg7[%swap3A_318, %swap3A_319] {strides = array<i32>} : memref<128x64xf32, #tpu.memory_space<vmem>>, vector<1x16xf32>,
      %swap3A_321 = vector.shape_cast %swap3A_320 : vector<1x16xf32> to vector<16xf32>
      %swap3A_322 = vector.shape_cast %scan3A_316#0 : vector<16xf32> to vector<1x16xf32>
      tpu.vector_store %arg7[%swap3A_318, %swap3A_319], %swap3A_322 {strides = array<i32>} : memref<128x64xf32, #tpu.memory_space<vmem>>, vector<1x16xf32>,
      %swap3A_323 = arith.index_cast %add3A_303 : i32 to index
      %swap3A_324 = arith.constant 16 : index
      %swap3A_325 = tpu.vector_load %arg7[%swap3A_323, %swap3A_324] {strides = array<i32>} : memref<128x64xf32, #tpu.memory_space<vmem>>, vector<1x16xf32>,
      %swap3A_326 = vector.shape_cast %swap3A_325 : vector<1x16xf32> to vector<16xf32>
      %swap3A_327 = vector.shape_cast %scan3A_316#1 : vector<16xf32> to vector<1x16xf32>
      tpu.vector_store %arg7[%swap3A_323, %swap3A_324], %swap3A_327 {strides = array<i32>} : memref<128x64xf32, #tpu.memory_space<vmem>>, vector<1x16xf32>,
      %swap3A_328 = arith.index_cast %add3A_303 : i32 to index
      %swap3A_329 = arith.constant 32 : index
      %swap3A_330 = tpu.vector_load %arg7[%swap3A_328, %swap3A_329] {strides = array<i32>} : memref<128x64xf32, #tpu.memory_space<vmem>>, vector<1x16xf32>,
      %swap3A_331 = vector.shape_cast %swap3A_330 : vector<1x16xf32> to vector<16xf32>
      %swap3A_332 = vector.shape_cast %scan3A_316#2 : vector<16xf32> to vector<1x16xf32>
      tpu.vector_store %arg7[%swap3A_328, %swap3A_329], %swap3A_332 {strides = array<i32>} : memref<128x64xf32, #tpu.memory_space<vmem>>, vector<1x16xf32>,
      %swap3A_333 = arith.index_cast %add3A_303 : i32 to index
      %swap3A_334 = arith.constant 48 : index
      %swap3A_335 = tpu.vector_load %arg7[%swap3A_333, %swap3A_334] {strides = array<i32>} : memref<128x64xf32, #tpu.memory_space<vmem>>, vector<1x16xf32>,
      %swap3A_336 = vector.shape_cast %swap3A_335 : vector<1x16xf32> to vector<16xf32>
      %swap3A_337 = vector.shape_cast %scan3A_316#3 : vector<16xf32> to vector<1x16xf32>
      tpu.vector_store %arg7[%swap3A_333, %swap3A_334], %swap3A_337 {strides = array<i32>} : memref<128x64xf32, #tpu.memory_space<vmem>>, vector<1x16xf32>,
      %add3A_338 = arith.constant 2 : i32
      %add3A_339 = arith.addi %mul3A_115, %add3A_338 : i32
      %add3A_340 = arith.constant 4 : i32
      %add3A_341 = arith.addi %add3A_339, %add3A_340 : i32
      %lt3A_342 = arith.constant 128 : i32
      %lt3A_343 = arith.cmpi slt, %add3A_341, %lt3A_342 : i32
      %convert_element_type3A_344 = arith.extui %lt3A_343 : i1 to i32
      %cond3A_345 = arith.constant 0 : i32
      %cond3A_346 = arith.cmpi ne, %convert_element_type3A_344, %cond3A_345 : i32
      scf.if %cond3A_346 {
        %add3A_426 = arith.constant 2 : i32
        %add3A_427 = arith.addi %mul3A_115, %add3A_426 : i32
        %add3A_428 = arith.constant 4 : i32
        %add3A_429 = arith.addi %add3A_427, %add3A_428 : i32
        %mul3A_430 = arith.constant 2 : i32
        %mul3A_431 = arith.muli %mul3A_430, %add3A_429 : i32
        %add3A_432 = arith.constant 0 : i32
        %add3A_433 = arith.addi %mul3A_431, %add3A_432 : i32
        %dma_start3A_434 = arith.constant 2 : i32
        %dma_start3A_435 = arith.constant 0 : i32
        %dma_start3A_436 = arith.constant 0 : i32
        %dma_start3A_437 = arith.constant 0 : i32
        %dma_start3A_438 = tpu.memref_slice %arg6[%dma_start3A_434, %dma_start3A_435, %dma_start3A_436, %dma_start3A_437] : memref<4x2x100x64xf32, #tpu.memory_space<vmem>> -> memref<1x1x100x64xf32, #tpu.memory_space<vmem>>
        %dma_start3A_439 = tpu.memref_squeeze %dma_start3A_438 : memref<1x1x100x64xf32, #tpu.memory_space<vmem>> -> memref<100x64xf32, #tpu.memory_space<vmem>>
        %dma_start3A_440 = arith.constant 0 : i32
        %dma_start3A_441 = tpu.memref_slice %arg5[%add3A_433, %dma_start3A_440] : memref<256x100xi32, #tpu.memory_space<vmem>> -> memref<1x100xi32, #tpu.memory_space<vmem>>
        %dma_start3A_442 = tpu.memref_squeeze %dma_start3A_441 : memref<1x100xi32, #tpu.memory_space<vmem>> -> memref<100xi32, #tpu.memory_space<vmem>>
        %dma_start3A_443 = arith.constant 0 : i32
        %dma_start3A_444 = arith.constant 0 : i32
        %dma_start3A_445 = tpu.memref_slice %arg3[%dma_start3A_443, %dma_start3A_444] : memref<1000000x64xf32, #tpu.memory_space<hbm>> -> memref<1000000x64xf32, #tpu.memory_space<hbm>>
        tpu.enqueue_indirect_dma source(%dma_start3A_445 : memref<1000000x64xf32, #tpu.memory_space<hbm>>) target(%dma_start3A_439 : memref<100x64xf32, #tpu.memory_space<vmem>>) offsets(%dma_start3A_442 : memref<100xi32, #tpu.memory_space<vmem>>) semaphore(%arg10 : memref<!tpu.dma_semaphore, #tpu.memory_space<semaphore_mem>>)
        %mul3A_446 = arith.constant 2 : i32
        %mul3A_447 = arith.muli %mul3A_446, %add3A_429 : i32
        %add3A_448 = arith.constant 1 : i32
        %add3A_449 = arith.addi %mul3A_447, %add3A_448 : i32
        %dma_start3A_450 = arith.constant 2 : i32
        %dma_start3A_451 = arith.constant 1 : i32
        %dma_start3A_452 = arith.constant 0 : i32
        %dma_start3A_453 = arith.constant 0 : i32
        %dma_start3A_454 = tpu.memref_slice %arg6[%dma_start3A_450, %dma_start3A_451, %dma_start3A_452, %dma_start3A_453] : memref<4x2x100x64xf32, #tpu.memory_space<vmem>> -> memref<1x1x100x64xf32, #tpu.memory_space<vmem>>
        %dma_start3A_455 = tpu.memref_squeeze %dma_start3A_454 : memref<1x1x100x64xf32, #tpu.memory_space<vmem>> -> memref<100x64xf32, #tpu.memory_space<vmem>>
        %dma_start3A_456 = arith.constant 0 : i32
        %dma_start3A_457 = tpu.memref_slice %arg5[%add3A_449, %dma_start3A_456] : memref<256x100xi32, #tpu.memory_space<vmem>> -> memref<1x100xi32, #tpu.memory_space<vmem>>
        %dma_start3A_458 = tpu.memref_squeeze %dma_start3A_457 : memref<1x100xi32, #tpu.memory_space<vmem>> -> memref<100xi32, #tpu.memory_space<vmem>>
        %dma_start3A_459 = arith.constant 0 : i32
        %dma_start3A_460 = arith.constant 0 : i32
        %dma_start3A_461 = tpu.memref_slice %arg3[%dma_start3A_459, %dma_start3A_460] : memref<1000000x64xf32, #tpu.memory_space<hbm>> -> memref<1000000x64xf32, #tpu.memory_space<hbm>>
        tpu.enqueue_indirect_dma source(%dma_start3A_461 : memref<1000000x64xf32, #tpu.memory_space<hbm>>) target(%dma_start3A_455 : memref<100x64xf32, #tpu.memory_space<vmem>>) offsets(%dma_start3A_458 : memref<100xi32, #tpu.memory_space<vmem>>) semaphore(%arg10 : memref<!tpu.dma_semaphore, #tpu.memory_space<semaphore_mem>>)
      } else {
      }
      %add3A_347 = arith.constant 3 : i32
      %add3A_348 = arith.addi %mul3A_115, %add3A_347 : i32
      %mul3A_349 = arith.constant 2 : i32
      %mul3A_350 = arith.muli %mul3A_349, %add3A_348 : i32
      %add3A_351 = arith.constant 0 : i32
      %add3A_352 = arith.addi %mul3A_350, %add3A_351 : i32
      %dma_wait3A_353 = arith.constant 3 : i32
      %dma_wait3A_354 = arith.constant 0 : i32
      %dma_wait3A_355 = arith.constant 0 : i32
      %dma_wait3A_356 = arith.constant 0 : i32
      %dma_wait3A_357 = tpu.memref_slice %arg6[%dma_wait3A_353, %dma_wait3A_354, %dma_wait3A_355, %dma_wait3A_356] : memref<4x2x100x64xf32, #tpu.memory_space<vmem>> -> memref<1x1x100x64xf32, #tpu.memory_space<vmem>>
      %dma_wait3A_358 = tpu.memref_squeeze %dma_wait3A_357 : memref<1x1x100x64xf32, #tpu.memory_space<vmem>> -> memref<100x64xf32, #tpu.memory_space<vmem>>
      %dma_wait3A_359 = arith.constant 0 : i32
      %dma_wait3A_360 = tpu.memref_slice %arg5[%add3A_352, %dma_wait3A_359] : memref<256x100xi32, #tpu.memory_space<vmem>> -> memref<1x100xi32, #tpu.memory_space<vmem>>
      %dma_wait3A_361 = tpu.memref_squeeze %dma_wait3A_360 : memref<1x100xi32, #tpu.memory_space<vmem>> -> memref<100xi32, #tpu.memory_space<vmem>>
      %dma_wait3A_362 = arith.constant 0 : i32
      %dma_wait3A_363 = arith.constant 0 : i32
      %dma_wait3A_364 = tpu.memref_slice %arg3[%dma_wait3A_362, %dma_wait3A_363] : memref<1000000x64xf32, #tpu.memory_space<hbm>> -> memref<1000000x64xf32, #tpu.memory_space<hbm>>
      tpu.wait_indirect_dma semaphore(%arg11 : memref<!tpu.dma_semaphore, #tpu.memory_space<semaphore_mem>>) src(%dma_wait3A_364 : memref<1000000x64xf32, #tpu.memory_space<hbm>>) dst(%dma_wait3A_358 : memref<100x64xf32, #tpu.memory_space<vmem>>)
      %mul3A_365 = arith.constant 2 : i32
      %mul3A_366 = arith.muli %mul3A_365, %add3A_348 : i32
      %add3A_367 = arith.constant 1 : i32
      %add3A_368 = arith.addi %mul3A_366, %add3A_367 : i32
      %dma_wait3A_369 = arith.constant 3 : i32
      %dma_wait3A_370 = arith.constant 1 : i32
      %dma_wait3A_371 = arith.constant 0 : i32
      %dma_wait3A_372 = arith.constant 0 : i32
      %dma_wait3A_373 = tpu.memref_slice %arg6[%dma_wait3A_369, %dma_wait3A_370, %dma_wait3A_371, %dma_wait3A_372] : memref<4x2x100x64xf32, #tpu.memory_space<vmem>> -> memref<1x1x100x64xf32, #tpu.memory_space<vmem>>
      %dma_wait3A_374 = tpu.memref_squeeze %dma_wait3A_373 : memref<1x1x100x64xf32, #tpu.memory_space<vmem>> -> memref<100x64xf32, #tpu.memory_space<vmem>>
      %dma_wait3A_375 = arith.constant 0 : i32
      %dma_wait3A_376 = tpu.memref_slice %arg5[%add3A_368, %dma_wait3A_375] : memref<256x100xi32, #tpu.memory_space<vmem>> -> memref<1x100xi32, #tpu.memory_space<vmem>>
      %dma_wait3A_377 = tpu.memref_squeeze %dma_wait3A_376 : memref<1x100xi32, #tpu.memory_space<vmem>> -> memref<100xi32, #tpu.memory_space<vmem>>
      %dma_wait3A_378 = arith.constant 0 : i32
      %dma_wait3A_379 = arith.constant 0 : i32
      %dma_wait3A_380 = tpu.memref_slice %arg3[%dma_wait3A_378, %dma_wait3A_379] : memref<1000000x64xf32, #tpu.memory_space<hbm>> -> memref<1000000x64xf32, #tpu.memory_space<hbm>>
      tpu.wait_indirect_dma semaphore(%arg11 : memref<!tpu.dma_semaphore, #tpu.memory_space<semaphore_mem>>) src(%dma_wait3A_380 : memref<1000000x64xf32, #tpu.memory_space<hbm>>) dst(%dma_wait3A_374 : memref<100x64xf32, #tpu.memory_space<vmem>>)
      %add3A_381 = arith.constant 3 : i32
      %add3A_382 = arith.addi %mul3A_115, %add3A_381 : i32
      %broadcast_in_dim3A_383 = arith.constant 0xFF800000 : f32
      %broadcast_in_dim3A_384 = vector.broadcast %broadcast_in_dim3A_383 : f32 to vector<16xf32>
      %broadcast_in_dim3A_385 = arith.constant 0xFF800000 : f32
      %broadcast_in_dim3A_386 = vector.broadcast %broadcast_in_dim3A_385 : f32 to vector<16xf32>
      %broadcast_in_dim3A_387 = arith.constant 0xFF800000 : f32
      %broadcast_in_dim3A_388 = vector.broadcast %broadcast_in_dim3A_387 : f32 to vector<16xf32>
      %broadcast_in_dim3A_389 = arith.constant 0xFF800000 : f32
      %broadcast_in_dim3A_390 = vector.broadcast %broadcast_in_dim3A_389 : f32 to vector<16xf32>
      %scan3A_391 = arith.constant 0 : i32
      %scan3A_392 = arith.constant 25 : i32
      %scan3A_393 = arith.addi %scan3A_391, %scan3A_392 : i32
      %scan3A_394 = arith.constant 1 : i32
      %scan3A_395:4 = scf.for %scan3A_426 = %scan3A_391 to %scan3A_393 step %scan3A_394 iter_args(%scan3A_427 = %broadcast_in_dim3A_384, %scan3A_428 = %broadcast_in_dim3A_386, %scan3A_429 = %broadcast_in_dim3A_388, %scan3A_430 = %broadcast_in_dim3A_390) -> (vector<16xf32>, vector<16xf32>, vector<16xf32>, vector<16xf32>)  : i32 {
        %mul3A_431 = arith.constant 4 : i32
        %mul3A_432 = arith.muli %mul3A_431, %scan3A_426 : i32
        %add3A_433 = arith.constant 0 : i32
        %add3A_434 = arith.addi %mul3A_432, %add3A_433 : i32
        %get3A = arith.constant 3 : i32
        %get3A_435 = arith.constant 0 : i32
        %get3A_436 = arith.index_cast %get3A : i32 to index
        %get3A_437 = arith.index_cast %get3A_435 : i32 to index
        %get3A_438 = arith.index_cast %add3A_434 : i32 to index
        %get3A_439 = arith.constant 0 : index
        %get3A_440 = tpu.vector_load %arg6[%get3A_436, %get3A_437, %get3A_438, %get3A_439] {strides = array<i32>} : memref<4x2x100x64xf32, #tpu.memory_space<vmem>>, vector<1x1x1x16xf32>,
        %get3A_441 = vector.shape_cast %get3A_440 : vector<1x1x1x16xf32> to vector<16xf32>
        %max3A = arith.maximumf %scan3A_427, %get3A_441 : vector<16xf32>
        %mul3A_442 = arith.constant 4 : i32
        %mul3A_443 = arith.muli %mul3A_442, %scan3A_426 : i32
        %add3A_444 = arith.constant 0 : i32
        %add3A_445 = arith.addi %mul3A_443, %add3A_444 : i32
        %get3A_446 = arith.constant 3 : i32
        %get3A_447 = arith.constant 1 : i32
        %get3A_448 = arith.index_cast %get3A_446 : i32 to index
        %get3A_449 = arith.index_cast %get3A_447 : i32 to index
        %get3A_450 = arith.index_cast %add3A_445 : i32 to index
        %get3A_451 = arith.constant 0 : index
        %get3A_452 = tpu.vector_load %arg6[%get3A_448, %get3A_449, %get3A_450, %get3A_451] {strides = array<i32>} : memref<4x2x100x64xf32, #tpu.memory_space<vmem>>, vector<1x1x1x16xf32>,
        %get3A_453 = vector.shape_cast %get3A_452 : vector<1x1x1x16xf32> to vector<16xf32>
        %max3A_454 = arith.maximumf %max3A, %get3A_453 : vector<16xf32>
        %mul3A_455 = arith.constant 4 : i32
        %mul3A_456 = arith.muli %mul3A_455, %scan3A_426 : i32
        %add3A_457 = arith.constant 0 : i32
        %add3A_458 = arith.addi %mul3A_456, %add3A_457 : i32
        %get3A_459 = arith.constant 3 : i32
        %get3A_460 = arith.constant 0 : i32
        %get3A_461 = arith.index_cast %get3A_459 : i32 to index
        %get3A_462 = arith.index_cast %get3A_460 : i32 to index
        %get3A_463 = arith.index_cast %add3A_458 : i32 to index
        %get3A_464 = arith.constant 16 : index
        %get3A_465 = tpu.vector_load %arg6[%get3A_461, %get3A_462, %get3A_463, %get3A_464] {strides = array<i32>} : memref<4x2x100x64xf32, #tpu.memory_space<vmem>>, vector<1x1x1x16xf32>,
        %get3A_466 = vector.shape_cast %get3A_465 : vector<1x1x1x16xf32> to vector<16xf32>
        %max3A_467 = arith.maximumf %scan3A_428, %get3A_466 : vector<16xf32>
        %mul3A_468 = arith.constant 4 : i32
        %mul3A_469 = arith.muli %mul3A_468, %scan3A_426 : i32
        %add3A_470 = arith.constant 0 : i32
        %add3A_471 = arith.addi %mul3A_469, %add3A_470 : i32
        %get3A_472 = arith.constant 3 : i32
        %get3A_473 = arith.constant 1 : i32
        %get3A_474 = arith.index_cast %get3A_472 : i32 to index
        %get3A_475 = arith.index_cast %get3A_473 : i32 to index
        %get3A_476 = arith.index_cast %add3A_471 : i32 to index
        %get3A_477 = arith.constant 16 : index
        %get3A_478 = tpu.vector_load %arg6[%get3A_474, %get3A_475, %get3A_476, %get3A_477] {strides = array<i32>} : memref<4x2x100x64xf32, #tpu.memory_space<vmem>>, vector<1x1x1x16xf32>,
        %get3A_479 = vector.shape_cast %get3A_478 : vector<1x1x1x16xf32> to vector<16xf32>
        %max3A_480 = arith.maximumf %max3A_467, %get3A_479 : vector<16xf32>
        %mul3A_481 = arith.constant 4 : i32
        %mul3A_482 = arith.muli %mul3A_481, %scan3A_426 : i32
        %add3A_483 = arith.constant 0 : i32
        %add3A_484 = arith.addi %mul3A_482, %add3A_483 : i32
        %get3A_485 = arith.constant 3 : i32
        %get3A_486 = arith.constant 0 : i32
        %get3A_487 = arith.index_cast %get3A_485 : i32 to index
        %get3A_488 = arith.index_cast %get3A_486 : i32 to index
        %get3A_489 = arith.index_cast %add3A_484 : i32 to index
        %get3A_490 = arith.constant 32 : index
        %get3A_491 = tpu.vector_load %arg6[%get3A_487, %get3A_488, %get3A_489, %get3A_490] {strides = array<i32>} : memref<4x2x100x64xf32, #tpu.memory_space<vmem>>, vector<1x1x1x16xf32>,
        %get3A_492 = vector.shape_cast %get3A_491 : vector<1x1x1x16xf32> to vector<16xf32>
        %max3A_493 = arith.maximumf %scan3A_429, %get3A_492 : vector<16xf32>
        %mul3A_494 = arith.constant 4 : i32
        %mul3A_495 = arith.muli %mul3A_494, %scan3A_426 : i32
        %add3A_496 = arith.constant 0 : i32
        %add3A_497 = arith.addi %mul3A_495, %add3A_496 : i32
        %get3A_498 = arith.constant 3 : i32
        %get3A_499 = arith.constant 1 : i32
        %get3A_500 = arith.index_cast %get3A_498 : i32 to index
        %get3A_501 = arith.index_cast %get3A_499 : i32 to index
        %get3A_502 = arith.index_cast %add3A_497 : i32 to index
        %get3A_503 = arith.constant 32 : index
        %get3A_504 = tpu.vector_load %arg6[%get3A_500, %get3A_501, %get3A_502, %get3A_503] {strides = array<i32>} : memref<4x2x100x64xf32, #tpu.memory_space<vmem>>, vector<1x1x1x16xf32>,
        %get3A_505 = vector.shape_cast %get3A_504 : vector<1x1x1x16xf32> to vector<16xf32>
        %max3A_506 = arith.maximumf %max3A_493, %get3A_505 : vector<16xf32>
        %mul3A_507 = arith.constant 4 : i32
        %mul3A_508 = arith.muli %mul3A_507, %scan3A_426 : i32
        %add3A_509 = arith.constant 0 : i32
        %add3A_510 = arith.addi %mul3A_508, %add3A_509 : i32
        %get3A_511 = arith.constant 3 : i32
        %get3A_512 = arith.constant 0 : i32
        %get3A_513 = arith.index_cast %get3A_511 : i32 to index
        %get3A_514 = arith.index_cast %get3A_512 : i32 to index
        %get3A_515 = arith.index_cast %add3A_510 : i32 to index
        %get3A_516 = arith.constant 48 : index
        %get3A_517 = tpu.vector_load %arg6[%get3A_513, %get3A_514, %get3A_515, %get3A_516] {strides = array<i32>} : memref<4x2x100x64xf32, #tpu.memory_space<vmem>>, vector<1x1x1x16xf32>,
        %get3A_518 = vector.shape_cast %get3A_517 : vector<1x1x1x16xf32> to vector<16xf32>
        %max3A_519 = arith.maximumf %scan3A_430, %get3A_518 : vector<16xf32>
        %mul3A_520 = arith.constant 4 : i32
        %mul3A_521 = arith.muli %mul3A_520, %scan3A_426 : i32
        %add3A_522 = arith.constant 0 : i32
        %add3A_523 = arith.addi %mul3A_521, %add3A_522 : i32
        %get3A_524 = arith.constant 3 : i32
        %get3A_525 = arith.constant 1 : i32
        %get3A_526 = arith.index_cast %get3A_524 : i32 to index
        %get3A_527 = arith.index_cast %get3A_525 : i32 to index
        %get3A_528 = arith.index_cast %add3A_523 : i32 to index
        %get3A_529 = arith.constant 48 : index
        %get3A_530 = tpu.vector_load %arg6[%get3A_526, %get3A_527, %get3A_528, %get3A_529] {strides = array<i32>} : memref<4x2x100x64xf32, #tpu.memory_space<vmem>>, vector<1x1x1x16xf32>,
        %get3A_531 = vector.shape_cast %get3A_530 : vector<1x1x1x16xf32> to vector<16xf32>
        %max3A_532 = arith.maximumf %max3A_519, %get3A_531 : vector<16xf32>
        %mul3A_533 = arith.constant 4 : i32
        %mul3A_534 = arith.muli %mul3A_533, %scan3A_426 : i32
        %add3A_535 = arith.constant 1 : i32
        %add3A_536 = arith.addi %mul3A_534, %add3A_535 : i32
        %get3A_537 = arith.constant 3 : i32
        %get3A_538 = arith.constant 0 : i32
        %get3A_539 = arith.index_cast %get3A_537 : i32 to index
        %get3A_540 = arith.index_cast %get3A_538 : i32 to index
        %get3A_541 = arith.index_cast %add3A_536 : i32 to index
        %get3A_542 = arith.constant 0 : index
        %get3A_543 = tpu.vector_load %arg6[%get3A_539, %get3A_540, %get3A_541, %get3A_542] {strides = array<i32>} : memref<4x2x100x64xf32, #tpu.memory_space<vmem>>, vector<1x1x1x16xf32>,
        %get3A_544 = vector.shape_cast %get3A_543 : vector<1x1x1x16xf32> to vector<16xf32>
        %max3A_545 = arith.maximumf %max3A_454, %get3A_544 : vector<16xf32>
        %mul3A_546 = arith.constant 4 : i32
        %mul3A_547 = arith.muli %mul3A_546, %scan3A_426 : i32
        %add3A_548 = arith.constant 1 : i32
        %add3A_549 = arith.addi %mul3A_547, %add3A_548 : i32
        %get3A_550 = arith.constant 3 : i32
        %get3A_551 = arith.constant 1 : i32
        %get3A_552 = arith.index_cast %get3A_550 : i32 to index
        %get3A_553 = arith.index_cast %get3A_551 : i32 to index
        %get3A_554 = arith.index_cast %add3A_549 : i32 to index
        %get3A_555 = arith.constant 0 : index
        %get3A_556 = tpu.vector_load %arg6[%get3A_552, %get3A_553, %get3A_554, %get3A_555] {strides = array<i32>} : memref<4x2x100x64xf32, #tpu.memory_space<vmem>>, vector<1x1x1x16xf32>,
        %get3A_557 = vector.shape_cast %get3A_556 : vector<1x1x1x16xf32> to vector<16xf32>
        %max3A_558 = arith.maximumf %max3A_545, %get3A_557 : vector<16xf32>
        %mul3A_559 = arith.constant 4 : i32
        %mul3A_560 = arith.muli %mul3A_559, %scan3A_426 : i32
        %add3A_561 = arith.constant 1 : i32
        %add3A_562 = arith.addi %mul3A_560, %add3A_561 : i32
        %get3A_563 = arith.constant 3 : i32
        %get3A_564 = arith.constant 0 : i32
        %get3A_565 = arith.index_cast %get3A_563 : i32 to index
        %get3A_566 = arith.index_cast %get3A_564 : i32 to index
        %get3A_567 = arith.index_cast %add3A_562 : i32 to index
        %get3A_568 = arith.constant 16 : index
        %get3A_569 = tpu.vector_load %arg6[%get3A_565, %get3A_566, %get3A_567, %get3A_568] {strides = array<i32>} : memref<4x2x100x64xf32, #tpu.memory_space<vmem>>, vector<1x1x1x16xf32>,
        %get3A_570 = vector.shape_cast %get3A_569 : vector<1x1x1x16xf32> to vector<16xf32>
        %max3A_571 = arith.maximumf %max3A_480, %get3A_570 : vector<16xf32>
        %mul3A_572 = arith.constant 4 : i32
        %mul3A_573 = arith.muli %mul3A_572, %scan3A_426 : i32
        %add3A_574 = arith.constant 1 : i32
        %add3A_575 = arith.addi %mul3A_573, %add3A_574 : i32
        %get3A_576 = arith.constant 3 : i32
        %get3A_577 = arith.constant 1 : i32
        %get3A_578 = arith.index_cast %get3A_576 : i32 to index
        %get3A_579 = arith.index_cast %get3A_577 : i32 to index
        %get3A_580 = arith.index_cast %add3A_575 : i32 to index
        %get3A_581 = arith.constant 16 : index
        %get3A_582 = tpu.vector_load %arg6[%get3A_578, %get3A_579, %get3A_580, %get3A_581] {strides = array<i32>} : memref<4x2x100x64xf32, #tpu.memory_space<vmem>>, vector<1x1x1x16xf32>,
        %get3A_583 = vector.shape_cast %get3A_582 : vector<1x1x1x16xf32> to vector<16xf32>
        %max3A_584 = arith.maximumf %max3A_571, %get3A_583 : vector<16xf32>
        %mul3A_585 = arith.constant 4 : i32
        %mul3A_586 = arith.muli %mul3A_585, %scan3A_426 : i32
        %add3A_587 = arith.constant 1 : i32
        %add3A_588 = arith.addi %mul3A_586, %add3A_587 : i32
        %get3A_589 = arith.constant 3 : i32
        %get3A_590 = arith.constant 0 : i32
        %get3A_591 = arith.index_cast %get3A_589 : i32 to index
        %get3A_592 = arith.index_cast %get3A_590 : i32 to index
        %get3A_593 = arith.index_cast %add3A_588 : i32 to index
        %get3A_594 = arith.constant 32 : index
        %get3A_595 = tpu.vector_load %arg6[%get3A_591, %get3A_592, %get3A_593, %get3A_594] {strides = array<i32>} : memref<4x2x100x64xf32, #tpu.memory_space<vmem>>, vector<1x1x1x16xf32>,
        %get3A_596 = vector.shape_cast %get3A_595 : vector<1x1x1x16xf32> to vector<16xf32>
        %max3A_597 = arith.maximumf %max3A_506, %get3A_596 : vector<16xf32>
        %mul3A_598 = arith.constant 4 : i32
        %mul3A_599 = arith.muli %mul3A_598, %scan3A_426 : i32
        %add3A_600 = arith.constant 1 : i32
        %add3A_601 = arith.addi %mul3A_599, %add3A_600 : i32
        %get3A_602 = arith.constant 3 : i32
        %get3A_603 = arith.constant 1 : i32
        %get3A_604 = arith.index_cast %get3A_602 : i32 to index
        %get3A_605 = arith.index_cast %get3A_603 : i32 to index
        %get3A_606 = arith.index_cast %add3A_601 : i32 to index
        %get3A_607 = arith.constant 32 : index
        %get3A_608 = tpu.vector_load %arg6[%get3A_604, %get3A_605, %get3A_606, %get3A_607] {strides = array<i32>} : memref<4x2x100x64xf32, #tpu.memory_space<vmem>>, vector<1x1x1x16xf32>,
        %get3A_609 = vector.shape_cast %get3A_608 : vector<1x1x1x16xf32> to vector<16xf32>
        %max3A_610 = arith.maximumf %max3A_597, %get3A_609 : vector<16xf32>
        %mul3A_611 = arith.constant 4 : i32
        %mul3A_612 = arith.muli %mul3A_611, %scan3A_426 : i32
        %add3A_613 = arith.constant 1 : i32
        %add3A_614 = arith.addi %mul3A_612, %add3A_613 : i32
        %get3A_615 = arith.constant 3 : i32
        %get3A_616 = arith.constant 0 : i32
        %get3A_617 = arith.index_cast %get3A_615 : i32 to index
        %get3A_618 = arith.index_cast %get3A_616 : i32 to index
        %get3A_619 = arith.index_cast %add3A_614 : i32 to index
        %get3A_620 = arith.constant 48 : index
        %get3A_621 = tpu.vector_load %arg6[%get3A_617, %get3A_618, %get3A_619, %get3A_620] {strides = array<i32>} : memref<4x2x100x64xf32, #tpu.memory_space<vmem>>, vector<1x1x1x16xf32>,
        %get3A_622 = vector.shape_cast %get3A_621 : vector<1x1x1x16xf32> to vector<16xf32>
        %max3A_623 = arith.maximumf %max3A_532, %get3A_622 : vector<16xf32>
        %mul3A_624 = arith.constant 4 : i32
        %mul3A_625 = arith.muli %mul3A_624, %scan3A_426 : i32
        %add3A_626 = arith.constant 1 : i32
        %add3A_627 = arith.addi %mul3A_625, %add3A_626 : i32
        %get3A_628 = arith.constant 3 : i32
        %get3A_629 = arith.constant 1 : i32
        %get3A_630 = arith.index_cast %get3A_628 : i32 to index
        %get3A_631 = arith.index_cast %get3A_629 : i32 to index
        %get3A_632 = arith.index_cast %add3A_627 : i32 to index
        %get3A_633 = arith.constant 48 : index
        %get3A_634 = tpu.vector_load %arg6[%get3A_630, %get3A_631, %get3A_632, %get3A_633] {strides = array<i32>} : memref<4x2x100x64xf32, #tpu.memory_space<vmem>>, vector<1x1x1x16xf32>,
        %get3A_635 = vector.shape_cast %get3A_634 : vector<1x1x1x16xf32> to vector<16xf32>
        %max3A_636 = arith.maximumf %max3A_623, %get3A_635 : vector<16xf32>
        %mul3A_637 = arith.constant 4 : i32
        %mul3A_638 = arith.muli %mul3A_637, %scan3A_426 : i32
        %add3A_639 = arith.constant 2 : i32
        %add3A_640 = arith.addi %mul3A_638, %add3A_639 : i32
        %get3A_641 = arith.constant 3 : i32
        %get3A_642 = arith.constant 0 : i32
        %get3A_643 = arith.index_cast %get3A_641 : i32 to index
        %get3A_644 = arith.index_cast %get3A_642 : i32 to index
        %get3A_645 = arith.index_cast %add3A_640 : i32 to index
        %get3A_646 = arith.constant 0 : index
        %get3A_647 = tpu.vector_load %arg6[%get3A_643, %get3A_644, %get3A_645, %get3A_646] {strides = array<i32>} : memref<4x2x100x64xf32, #tpu.memory_space<vmem>>, vector<1x1x1x16xf32>,
        %get3A_648 = vector.shape_cast %get3A_647 : vector<1x1x1x16xf32> to vector<16xf32>
        %max3A_649 = arith.maximumf %max3A_558, %get3A_648 : vector<16xf32>
        %mul3A_650 = arith.constant 4 : i32
        %mul3A_651 = arith.muli %mul3A_650, %scan3A_426 : i32
        %add3A_652 = arith.constant 2 : i32
        %add3A_653 = arith.addi %mul3A_651, %add3A_652 : i32
        %get3A_654 = arith.constant 3 : i32
        %get3A_655 = arith.constant 1 : i32
        %get3A_656 = arith.index_cast %get3A_654 : i32 to index
        %get3A_657 = arith.index_cast %get3A_655 : i32 to index
        %get3A_658 = arith.index_cast %add3A_653 : i32 to index
        %get3A_659 = arith.constant 0 : index
        %get3A_660 = tpu.vector_load %arg6[%get3A_656, %get3A_657, %get3A_658, %get3A_659] {strides = array<i32>} : memref<4x2x100x64xf32, #tpu.memory_space<vmem>>, vector<1x1x1x16xf32>,
        %get3A_661 = vector.shape_cast %get3A_660 : vector<1x1x1x16xf32> to vector<16xf32>
        %max3A_662 = arith.maximumf %max3A_649, %get3A_661 : vector<16xf32>
        %mul3A_663 = arith.constant 4 : i32
        %mul3A_664 = arith.muli %mul3A_663, %scan3A_426 : i32
        %add3A_665 = arith.constant 2 : i32
        %add3A_666 = arith.addi %mul3A_664, %add3A_665 : i32
        %get3A_667 = arith.constant 3 : i32
        %get3A_668 = arith.constant 0 : i32
        %get3A_669 = arith.index_cast %get3A_667 : i32 to index
        %get3A_670 = arith.index_cast %get3A_668 : i32 to index
        %get3A_671 = arith.index_cast %add3A_666 : i32 to index
        %get3A_672 = arith.constant 16 : index
        %get3A_673 = tpu.vector_load %arg6[%get3A_669, %get3A_670, %get3A_671, %get3A_672] {strides = array<i32>} : memref<4x2x100x64xf32, #tpu.memory_space<vmem>>, vector<1x1x1x16xf32>,
        %get3A_674 = vector.shape_cast %get3A_673 : vector<1x1x1x16xf32> to vector<16xf32>
        %max3A_675 = arith.maximumf %max3A_584, %get3A_674 : vector<16xf32>
        %mul3A_676 = arith.constant 4 : i32
        %mul3A_677 = arith.muli %mul3A_676, %scan3A_426 : i32
        %add3A_678 = arith.constant 2 : i32
        %add3A_679 = arith.addi %mul3A_677, %add3A_678 : i32
        %get3A_680 = arith.constant 3 : i32
        %get3A_681 = arith.constant 1 : i32
        %get3A_682 = arith.index_cast %get3A_680 : i32 to index
        %get3A_683 = arith.index_cast %get3A_681 : i32 to index
        %get3A_684 = arith.index_cast %add3A_679 : i32 to index
        %get3A_685 = arith.constant 16 : index
        %get3A_686 = tpu.vector_load %arg6[%get3A_682, %get3A_683, %get3A_684, %get3A_685] {strides = array<i32>} : memref<4x2x100x64xf32, #tpu.memory_space<vmem>>, vector<1x1x1x16xf32>,
        %get3A_687 = vector.shape_cast %get3A_686 : vector<1x1x1x16xf32> to vector<16xf32>
        %max3A_688 = arith.maximumf %max3A_675, %get3A_687 : vector<16xf32>
        %mul3A_689 = arith.constant 4 : i32
        %mul3A_690 = arith.muli %mul3A_689, %scan3A_426 : i32
        %add3A_691 = arith.constant 2 : i32
        %add3A_692 = arith.addi %mul3A_690, %add3A_691 : i32
        %get3A_693 = arith.constant 3 : i32
        %get3A_694 = arith.constant 0 : i32
        %get3A_695 = arith.index_cast %get3A_693 : i32 to index
        %get3A_696 = arith.index_cast %get3A_694 : i32 to index
        %get3A_697 = arith.index_cast %add3A_692 : i32 to index
        %get3A_698 = arith.constant 32 : index
        %get3A_699 = tpu.vector_load %arg6[%get3A_695, %get3A_696, %get3A_697, %get3A_698] {strides = array<i32>} : memref<4x2x100x64xf32, #tpu.memory_space<vmem>>, vector<1x1x1x16xf32>,
        %get3A_700 = vector.shape_cast %get3A_699 : vector<1x1x1x16xf32> to vector<16xf32>
        %max3A_701 = arith.maximumf %max3A_610, %get3A_700 : vector<16xf32>
        %mul3A_702 = arith.constant 4 : i32
        %mul3A_703 = arith.muli %mul3A_702, %scan3A_426 : i32
        %add3A_704 = arith.constant 2 : i32
        %add3A_705 = arith.addi %mul3A_703, %add3A_704 : i32
        %get3A_706 = arith.constant 3 : i32
        %get3A_707 = arith.constant 1 : i32
        %get3A_708 = arith.index_cast %get3A_706 : i32 to index
        %get3A_709 = arith.index_cast %get3A_707 : i32 to index
        %get3A_710 = arith.index_cast %add3A_705 : i32 to index
        %get3A_711 = arith.constant 32 : index
        %get3A_712 = tpu.vector_load %arg6[%get3A_708, %get3A_709, %get3A_710, %get3A_711] {strides = array<i32>} : memref<4x2x100x64xf32, #tpu.memory_space<vmem>>, vector<1x1x1x16xf32>,
        %get3A_713 = vector.shape_cast %get3A_712 : vector<1x1x1x16xf32> to vector<16xf32>
        %max3A_714 = arith.maximumf %max3A_701, %get3A_713 : vector<16xf32>
        %mul3A_715 = arith.constant 4 : i32
        %mul3A_716 = arith.muli %mul3A_715, %scan3A_426 : i32
        %add3A_717 = arith.constant 2 : i32
        %add3A_718 = arith.addi %mul3A_716, %add3A_717 : i32
        %get3A_719 = arith.constant 3 : i32
        %get3A_720 = arith.constant 0 : i32
        %get3A_721 = arith.index_cast %get3A_719 : i32 to index
        %get3A_722 = arith.index_cast %get3A_720 : i32 to index
        %get3A_723 = arith.index_cast %add3A_718 : i32 to index
        %get3A_724 = arith.constant 48 : index
        %get3A_725 = tpu.vector_load %arg6[%get3A_721, %get3A_722, %get3A_723, %get3A_724] {strides = array<i32>} : memref<4x2x100x64xf32, #tpu.memory_space<vmem>>, vector<1x1x1x16xf32>,
        %get3A_726 = vector.shape_cast %get3A_725 : vector<1x1x1x16xf32> to vector<16xf32>
        %max3A_727 = arith.maximumf %max3A_636, %get3A_726 : vector<16xf32>
        %mul3A_728 = arith.constant 4 : i32
        %mul3A_729 = arith.muli %mul3A_728, %scan3A_426 : i32
        %add3A_730 = arith.constant 2 : i32
        %add3A_731 = arith.addi %mul3A_729, %add3A_730 : i32
        %get3A_732 = arith.constant 3 : i32
        %get3A_733 = arith.constant 1 : i32
        %get3A_734 = arith.index_cast %get3A_732 : i32 to index
        %get3A_735 = arith.index_cast %get3A_733 : i32 to index
        %get3A_736 = arith.index_cast %add3A_731 : i32 to index
        %get3A_737 = arith.constant 48 : index
        %get3A_738 = tpu.vector_load %arg6[%get3A_734, %get3A_735, %get3A_736, %get3A_737] {strides = array<i32>} : memref<4x2x100x64xf32, #tpu.memory_space<vmem>>, vector<1x1x1x16xf32>,
        %get3A_739 = vector.shape_cast %get3A_738 : vector<1x1x1x16xf32> to vector<16xf32>
        %max3A_740 = arith.maximumf %max3A_727, %get3A_739 : vector<16xf32>
        %mul3A_741 = arith.constant 4 : i32
        %mul3A_742 = arith.muli %mul3A_741, %scan3A_426 : i32
        %add3A_743 = arith.constant 3 : i32
        %add3A_744 = arith.addi %mul3A_742, %add3A_743 : i32
        %get3A_745 = arith.constant 3 : i32
        %get3A_746 = arith.constant 0 : i32
        %get3A_747 = arith.index_cast %get3A_745 : i32 to index
        %get3A_748 = arith.index_cast %get3A_746 : i32 to index
        %get3A_749 = arith.index_cast %add3A_744 : i32 to index
        %get3A_750 = arith.constant 0 : index
        %get3A_751 = tpu.vector_load %arg6[%get3A_747, %get3A_748, %get3A_749, %get3A_750] {strides = array<i32>} : memref<4x2x100x64xf32, #tpu.memory_space<vmem>>, vector<1x1x1x16xf32>,
        %get3A_752 = vector.shape_cast %get3A_751 : vector<1x1x1x16xf32> to vector<16xf32>
        %max3A_753 = arith.maximumf %max3A_662, %get3A_752 : vector<16xf32>
        %mul3A_754 = arith.constant 4 : i32
        %mul3A_755 = arith.muli %mul3A_754, %scan3A_426 : i32
        %add3A_756 = arith.constant 3 : i32
        %add3A_757 = arith.addi %mul3A_755, %add3A_756 : i32
        %get3A_758 = arith.constant 3 : i32
        %get3A_759 = arith.constant 1 : i32
        %get3A_760 = arith.index_cast %get3A_758 : i32 to index
        %get3A_761 = arith.index_cast %get3A_759 : i32 to index
        %get3A_762 = arith.index_cast %add3A_757 : i32 to index
        %get3A_763 = arith.constant 0 : index
        %get3A_764 = tpu.vector_load %arg6[%get3A_760, %get3A_761, %get3A_762, %get3A_763] {strides = array<i32>} : memref<4x2x100x64xf32, #tpu.memory_space<vmem>>, vector<1x1x1x16xf32>,
        %get3A_765 = vector.shape_cast %get3A_764 : vector<1x1x1x16xf32> to vector<16xf32>
        %max3A_766 = arith.maximumf %max3A_753, %get3A_765 : vector<16xf32>
        %mul3A_767 = arith.constant 4 : i32
        %mul3A_768 = arith.muli %mul3A_767, %scan3A_426 : i32
        %add3A_769 = arith.constant 3 : i32
        %add3A_770 = arith.addi %mul3A_768, %add3A_769 : i32
        %get3A_771 = arith.constant 3 : i32
        %get3A_772 = arith.constant 0 : i32
        %get3A_773 = arith.index_cast %get3A_771 : i32 to index
        %get3A_774 = arith.index_cast %get3A_772 : i32 to index
        %get3A_775 = arith.index_cast %add3A_770 : i32 to index
        %get3A_776 = arith.constant 16 : index
        %get3A_777 = tpu.vector_load %arg6[%get3A_773, %get3A_774, %get3A_775, %get3A_776] {strides = array<i32>} : memref<4x2x100x64xf32, #tpu.memory_space<vmem>>, vector<1x1x1x16xf32>,
        %get3A_778 = vector.shape_cast %get3A_777 : vector<1x1x1x16xf32> to vector<16xf32>
        %max3A_779 = arith.maximumf %max3A_688, %get3A_778 : vector<16xf32>
        %mul3A_780 = arith.constant 4 : i32
        %mul3A_781 = arith.muli %mul3A_780, %scan3A_426 : i32
        %add3A_782 = arith.constant 3 : i32
        %add3A_783 = arith.addi %mul3A_781, %add3A_782 : i32
        %get3A_784 = arith.constant 3 : i32
        %get3A_785 = arith.constant 1 : i32
        %get3A_786 = arith.index_cast %get3A_784 : i32 to index
        %get3A_787 = arith.index_cast %get3A_785 : i32 to index
        %get3A_788 = arith.index_cast %add3A_783 : i32 to index
        %get3A_789 = arith.constant 16 : index
        %get3A_790 = tpu.vector_load %arg6[%get3A_786, %get3A_787, %get3A_788, %get3A_789] {strides = array<i32>} : memref<4x2x100x64xf32, #tpu.memory_space<vmem>>, vector<1x1x1x16xf32>,
        %get3A_791 = vector.shape_cast %get3A_790 : vector<1x1x1x16xf32> to vector<16xf32>
        %max3A_792 = arith.maximumf %max3A_779, %get3A_791 : vector<16xf32>
        %mul3A_793 = arith.constant 4 : i32
        %mul3A_794 = arith.muli %mul3A_793, %scan3A_426 : i32
        %add3A_795 = arith.constant 3 : i32
        %add3A_796 = arith.addi %mul3A_794, %add3A_795 : i32
        %get3A_797 = arith.constant 3 : i32
        %get3A_798 = arith.constant 0 : i32
        %get3A_799 = arith.index_cast %get3A_797 : i32 to index
        %get3A_800 = arith.index_cast %get3A_798 : i32 to index
        %get3A_801 = arith.index_cast %add3A_796 : i32 to index
        %get3A_802 = arith.constant 32 : index
        %get3A_803 = tpu.vector_load %arg6[%get3A_799, %get3A_800, %get3A_801, %get3A_802] {strides = array<i32>} : memref<4x2x100x64xf32, #tpu.memory_space<vmem>>, vector<1x1x1x16xf32>,
        %get3A_804 = vector.shape_cast %get3A_803 : vector<1x1x1x16xf32> to vector<16xf32>
        %max3A_805 = arith.maximumf %max3A_714, %get3A_804 : vector<16xf32>
        %mul3A_806 = arith.constant 4 : i32
        %mul3A_807 = arith.muli %mul3A_806, %scan3A_426 : i32
        %add3A_808 = arith.constant 3 : i32
        %add3A_809 = arith.addi %mul3A_807, %add3A_808 : i32
        %get3A_810 = arith.constant 3 : i32
        %get3A_811 = arith.constant 1 : i32
        %get3A_812 = arith.index_cast %get3A_810 : i32 to index
        %get3A_813 = arith.index_cast %get3A_811 : i32 to index
        %get3A_814 = arith.index_cast %add3A_809 : i32 to index
        %get3A_815 = arith.constant 32 : index
        %get3A_816 = tpu.vector_load %arg6[%get3A_812, %get3A_813, %get3A_814, %get3A_815] {strides = array<i32>} : memref<4x2x100x64xf32, #tpu.memory_space<vmem>>, vector<1x1x1x16xf32>,
        %get3A_817 = vector.shape_cast %get3A_816 : vector<1x1x1x16xf32> to vector<16xf32>
        %max3A_818 = arith.maximumf %max3A_805, %get3A_817 : vector<16xf32>
        %mul3A_819 = arith.constant 4 : i32
        %mul3A_820 = arith.muli %mul3A_819, %scan3A_426 : i32
        %add3A_821 = arith.constant 3 : i32
        %add3A_822 = arith.addi %mul3A_820, %add3A_821 : i32
        %get3A_823 = arith.constant 3 : i32
        %get3A_824 = arith.constant 0 : i32
        %get3A_825 = arith.index_cast %get3A_823 : i32 to index
        %get3A_826 = arith.index_cast %get3A_824 : i32 to index
        %get3A_827 = arith.index_cast %add3A_822 : i32 to index
        %get3A_828 = arith.constant 48 : index
        %get3A_829 = tpu.vector_load %arg6[%get3A_825, %get3A_826, %get3A_827, %get3A_828] {strides = array<i32>} : memref<4x2x100x64xf32, #tpu.memory_space<vmem>>, vector<1x1x1x16xf32>,
        %get3A_830 = vector.shape_cast %get3A_829 : vector<1x1x1x16xf32> to vector<16xf32>
        %max3A_831 = arith.maximumf %max3A_740, %get3A_830 : vector<16xf32>
        %mul3A_832 = arith.constant 4 : i32
        %mul3A_833 = arith.muli %mul3A_832, %scan3A_426 : i32
        %add3A_834 = arith.constant 3 : i32
        %add3A_835 = arith.addi %mul3A_833, %add3A_834 : i32
        %get3A_836 = arith.constant 3 : i32
        %get3A_837 = arith.constant 1 : i32
        %get3A_838 = arith.index_cast %get3A_836 : i32 to index
        %get3A_839 = arith.index_cast %get3A_837 : i32 to index
        %get3A_840 = arith.index_cast %add3A_835 : i32 to index
        %get3A_841 = arith.constant 48 : index
        %get3A_842 = tpu.vector_load %arg6[%get3A_838, %get3A_839, %get3A_840, %get3A_841] {strides = array<i32>} : memref<4x2x100x64xf32, #tpu.memory_space<vmem>>, vector<1x1x1x16xf32>,
        %get3A_843 = vector.shape_cast %get3A_842 : vector<1x1x1x16xf32> to vector<16xf32>
        %max3A_844 = arith.maximumf %max3A_831, %get3A_843 : vector<16xf32>
        scf.yield %max3A_766, %max3A_792, %max3A_818, %max3A_844 : vector<16xf32>, vector<16xf32>, vector<16xf32>, vector<16xf32>
      }
      %scan3A_396 = arith.constant 25 : i32
      %swap3A_397 = arith.index_cast %add3A_382 : i32 to index
      %swap3A_398 = arith.constant 0 : index
      %swap3A_399 = tpu.vector_load %arg7[%swap3A_397, %swap3A_398] {strides = array<i32>} : memref<128x64xf32, #tpu.memory_space<vmem>>, vector<1x16xf32>,
      %swap3A_400 = vector.shape_cast %swap3A_399 : vector<1x16xf32> to vector<16xf32>
      %swap3A_401 = vector.shape_cast %scan3A_395#0 : vector<16xf32> to vector<1x16xf32>
      tpu.vector_store %arg7[%swap3A_397, %swap3A_398], %swap3A_401 {strides = array<i32>} : memref<128x64xf32, #tpu.memory_space<vmem>>, vector<1x16xf32>,
      %swap3A_402 = arith.index_cast %add3A_382 : i32 to index
      %swap3A_403 = arith.constant 16 : index
      %swap3A_404 = tpu.vector_load %arg7[%swap3A_402, %swap3A_403] {strides = array<i32>} : memref<128x64xf32, #tpu.memory_space<vmem>>, vector<1x16xf32>,
      %swap3A_405 = vector.shape_cast %swap3A_404 : vector<1x16xf32> to vector<16xf32>
      %swap3A_406 = vector.shape_cast %scan3A_395#1 : vector<16xf32> to vector<1x16xf32>
      tpu.vector_store %arg7[%swap3A_402, %swap3A_403], %swap3A_406 {strides = array<i32>} : memref<128x64xf32, #tpu.memory_space<vmem>>, vector<1x16xf32>,
      %swap3A_407 = arith.index_cast %add3A_382 : i32 to index
      %swap3A_408 = arith.constant 32 : index
      %swap3A_409 = tpu.vector_load %arg7[%swap3A_407, %swap3A_408] {strides = array<i32>} : memref<128x64xf32, #tpu.memory_space<vmem>>, vector<1x16xf32>,
      %swap3A_410 = vector.shape_cast %swap3A_409 : vector<1x16xf32> to vector<16xf32>
      %swap3A_411 = vector.shape_cast %scan3A_395#2 : vector<16xf32> to vector<1x16xf32>
      tpu.vector_store %arg7[%swap3A_407, %swap3A_408], %swap3A_411 {strides = array<i32>} : memref<128x64xf32, #tpu.memory_space<vmem>>, vector<1x16xf32>,
      %swap3A_412 = arith.index_cast %add3A_382 : i32 to index
      %swap3A_413 = arith.constant 48 : index
      %swap3A_414 = tpu.vector_load %arg7[%swap3A_412, %swap3A_413] {strides = array<i32>} : memref<128x64xf32, #tpu.memory_space<vmem>>, vector<1x16xf32>,
      %swap3A_415 = vector.shape_cast %swap3A_414 : vector<1x16xf32> to vector<16xf32>
      %swap3A_416 = vector.shape_cast %scan3A_395#3 : vector<16xf32> to vector<1x16xf32>
      tpu.vector_store %arg7[%swap3A_412, %swap3A_413], %swap3A_416 {strides = array<i32>} : memref<128x64xf32, #tpu.memory_space<vmem>>, vector<1x16xf32>,
      %add3A_417 = arith.constant 3 : i32
      %add3A_418 = arith.addi %mul3A_115, %add3A_417 : i32
      %add3A_419 = arith.constant 4 : i32
      %add3A_420 = arith.addi %add3A_418, %add3A_419 : i32
      %lt3A_421 = arith.constant 128 : i32
      %lt3A_422 = arith.cmpi slt, %add3A_420, %lt3A_421 : i32
      %convert_element_type3A_423 = arith.extui %lt3A_422 : i1 to i32
      %cond3A_424 = arith.constant 0 : i32
      %cond3A_425 = arith.cmpi ne, %convert_element_type3A_423, %cond3A_424 : i32
      scf.if %cond3A_425 {
        %add3A_426 = arith.constant 3 : i32
        %add3A_427 = arith.addi %mul3A_115, %add3A_426 : i32
        %add3A_428 = arith.constant 4 : i32
        %add3A_429 = arith.addi %add3A_427, %add3A_428 : i32
        %mul3A_430 = arith.constant 2 : i32
        %mul3A_431 = arith.muli %mul3A_430, %add3A_429 : i32
        %add3A_432 = arith.constant 0 : i32
        %add3A_433 = arith.addi %mul3A_431, %add3A_432 : i32
        %dma_start3A_434 = arith.constant 3 : i32
        %dma_start3A_435 = arith.constant 0 : i32
        %dma_start3A_436 = arith.constant 0 : i32
        %dma_start3A_437 = arith.constant 0 : i32
        %dma_start3A_438 = tpu.memref_slice %arg6[%dma_start3A_434, %dma_start3A_435, %dma_start3A_436, %dma_start3A_437] : memref<4x2x100x64xf32, #tpu.memory_space<vmem>> -> memref<1x1x100x64xf32, #tpu.memory_space<vmem>>
        %dma_start3A_439 = tpu.memref_squeeze %dma_start3A_438 : memref<1x1x100x64xf32, #tpu.memory_space<vmem>> -> memref<100x64xf32, #tpu.memory_space<vmem>>
        %dma_start3A_440 = arith.constant 0 : i32
        %dma_start3A_441 = tpu.memref_slice %arg5[%add3A_433, %dma_start3A_440] : memref<256x100xi32, #tpu.memory_space<vmem>> -> memref<1x100xi32, #tpu.memory_space<vmem>>
        %dma_start3A_442 = tpu.memref_squeeze %dma_start3A_441 : memref<1x100xi32, #tpu.memory_space<vmem>> -> memref<100xi32, #tpu.memory_space<vmem>>
        %dma_start3A_443 = arith.constant 0 : i32
        %dma_start3A_444 = arith.constant 0 : i32
        %dma_start3A_445 = tpu.memref_slice %arg3[%dma_start3A_443, %dma_start3A_444] : memref<1000000x64xf32, #tpu.memory_space<hbm>> -> memref<1000000x64xf32, #tpu.memory_space<hbm>>
        tpu.enqueue_indirect_dma source(%dma_start3A_445 : memref<1000000x64xf32, #tpu.memory_space<hbm>>) target(%dma_start3A_439 : memref<100x64xf32, #tpu.memory_space<vmem>>) offsets(%dma_start3A_442 : memref<100xi32, #tpu.memory_space<vmem>>) semaphore(%arg11 : memref<!tpu.dma_semaphore, #tpu.memory_space<semaphore_mem>>)
        %mul3A_446 = arith.constant 2 : i32
        %mul3A_447 = arith.muli %mul3A_446, %add3A_429 : i32
        %add3A_448 = arith.constant 1 : i32
        %add3A_449 = arith.addi %mul3A_447, %add3A_448 : i32
        %dma_start3A_450 = arith.constant 3 : i32
        %dma_start3A_451 = arith.constant 1 : i32
        %dma_start3A_452 = arith.constant 0 : i32
        %dma_start3A_453 = arith.constant 0 : i32
        %dma_start3A_454 = tpu.memref_slice %arg6[%dma_start3A_450, %dma_start3A_451, %dma_start3A_452, %dma_start3A_453] : memref<4x2x100x64xf32, #tpu.memory_space<vmem>> -> memref<1x1x100x64xf32, #tpu.memory_space<vmem>>
        %dma_start3A_455 = tpu.memref_squeeze %dma_start3A_454 : memref<1x1x100x64xf32, #tpu.memory_space<vmem>> -> memref<100x64xf32, #tpu.memory_space<vmem>>
        %dma_start3A_456 = arith.constant 0 : i32
        %dma_start3A_457 = tpu.memref_slice %arg5[%add3A_449, %dma_start3A_456] : memref<256x100xi32, #tpu.memory_space<vmem>> -> memref<1x100xi32, #tpu.memory_space<vmem>>
        %dma_start3A_458 = tpu.memref_squeeze %dma_start3A_457 : memref<1x100xi32, #tpu.memory_space<vmem>> -> memref<100xi32, #tpu.memory_space<vmem>>
        %dma_start3A_459 = arith.constant 0 : i32
        %dma_start3A_460 = arith.constant 0 : i32
        %dma_start3A_461 = tpu.memref_slice %arg3[%dma_start3A_459, %dma_start3A_460] : memref<1000000x64xf32, #tpu.memory_space<hbm>> -> memref<1000000x64xf32, #tpu.memory_space<hbm>>
        tpu.enqueue_indirect_dma source(%dma_start3A_461 : memref<1000000x64xf32, #tpu.memory_space<hbm>>) target(%dma_start3A_455 : memref<100x64xf32, #tpu.memory_space<vmem>>) offsets(%dma_start3A_458 : memref<100xi32, #tpu.memory_space<vmem>>) semaphore(%arg11 : memref<!tpu.dma_semaphore, #tpu.memory_space<semaphore_mem>>)
      } else {
      }
    }
    %scan3A_110 = arith.constant 32 : i32
    %mul3A_111 = arith.constant 128 : i32
    %mul3A_112 = arith.muli %add3A, %mul3A_111 : i32
    "tpu.region"() ({
      %run_scoped3A = tpu.sem_alloc : memref<!tpu.dma_semaphore, #tpu.memory_space<semaphore_mem>>
      %dma_start3A_113 = arith.constant 0 : i32
      %dma_start3A_114 = tpu.memref_slice %arg4[%mul3A_112, %dma_start3A_113] : memref<4096x64xf32, #tpu.memory_space<hbm>> -> memref<128x64xf32, #tpu.memory_space<hbm>>
      %dma_start3A_115 = arith.constant 0 : i32
      %dma_start3A_116 = tpu.memref_slice %arg4[%mul3A_112, %dma_start3A_115] : memref<4096x64xf32, #tpu.memory_space<hbm>> -> memref<128x64xf32, #tpu.memory_space<hbm>>
      tpu.enqueue_dma source(%arg7 : memref<128x64xf32, #tpu.memory_space<vmem>>) target(%dma_start3A_116 : memref<128x64xf32, #tpu.memory_space<hbm>>) target_semaphore(%run_scoped3A : memref<!tpu.dma_semaphore, #tpu.memory_space<semaphore_mem>>)
      %dma_wait3A = arith.constant 0 : i32
      %dma_wait3A_117 = tpu.memref_slice %arg4[%mul3A_112, %dma_wait3A] : memref<4096x64xf32, #tpu.memory_space<hbm>> -> memref<128x64xf32, #tpu.memory_space<hbm>>
      %dma_wait3A_118 = arith.constant 0 : i32
      %dma_wait3A_119 = tpu.memref_slice %arg4[%mul3A_112, %dma_wait3A_118] : memref<4096x64xf32, #tpu.memory_space<hbm>> -> memref<128x64xf32, #tpu.memory_space<hbm>>
      tpu.wait_dma2 semaphore(%run_scoped3A : memref<!tpu.dma_semaphore, #tpu.memory_space<semaphore_mem>>) src(%arg7 : memref<128x64xf32, #tpu.memory_space<vmem>>) dst(%dma_wait3A_119 : memref<128x64xf32, #tpu.memory_space<hbm>>)
      tpu.yield
    }) : () -> ()
    return
  }
}

module attributes {stable_mosaic.version = 14 : i64} {
  func.func @_mlp_body(%arg0: memref<4096x64xf32, #tpu.memory_space<vmem>>, %arg1: memref<64x128xf32, #tpu.memory_space<vmem>>, %arg2: memref<1x128xf32, #tpu.memory_space<vmem>>, %arg3: memref<4096x128xf32, #tpu.memory_space<vmem>>) attributes {dimension_semantics = [], scalar_prefetch = 0 : i64, scratch_operands = 0 : i64, tpu.core_type = #tpu.core_type<tc>} {
    %get3A = arith.constant 0 : index
    %get3A_0 = arith.constant 0 : index
    %get3A_1 = vector.load %arg0[%get3A, %get3A_0] : memref<4096x64xf32, #tpu.memory_space<vmem>>, vector<4096x64xf32>
    %get3A_2 = arith.constant 0 : index
    %get3A_3 = arith.constant 0 : index
    %get3A_4 = vector.load %arg1[%get3A_2, %get3A_3] : memref<64x128xf32, #tpu.memory_space<vmem>>, vector<64x128xf32>
    %dot_general3A = arith.constant dense<0.000000e+00> : vector<4096x128xf32>
    %dot_general3A_5 = tpu.matmul %get3A_1, %get3A_4, %dot_general3A {dimension_numbers = #tpu.dot_dimension_numbers<[1], [0], [0], [1], [0, 0, 1, 1], [], []>, transpose_lhs_hint = false} : vector<4096x64xf32>, vector<64x128xf32>, vector<4096x128xf32> -> vector<4096x128xf32>
    %get3A_6 = arith.constant 0 : index
    %get3A_7 = arith.constant 0 : index
    %get3A_8 = vector.load %arg2[%get3A_6, %get3A_7] : memref<1x128xf32, #tpu.memory_space<vmem>>, vector<1x128xf32>
    %add3A = vector.broadcast %get3A_8 : vector<1x128xf32> to vector<4096x128xf32>
    %add3A_9 = arith.addf %dot_general3A_5, %add3A : vector<4096x128xf32>
    %swap3A = arith.constant 0 : index
    %swap3A_10 = arith.constant 0 : index
    %swap3A_11 = vector.load %arg3[%swap3A, %swap3A_10] : memref<4096x128xf32, #tpu.memory_space<vmem>>, vector<4096x128xf32>
    tpu.vector_store %arg3[%swap3A, %swap3A_10], %add3A_9 {strides = array<i32>} : memref<4096x128xf32, #tpu.memory_space<vmem>>, vector<4096x128xf32>,
    return
  }
}

</mosaic_0001>

<sc_bundles>
// kernel: kernel.4.cloned.1.call-start
scs
__scs_entry_jumppad:
0x0: {  	(pc) =	sbr.rel $0x88, $3  }
0x1: {  	(tag) =	ssettag $0x0;
	lr =	simm.s32 $0x1  }
0x2: {  	[smem:$0x3F9D] =	sst lr;
	_ =	strace $0xD0000000  }
0x3: {  	_ = 	snop  }
0x4: {  	_ = 	snop  }
0x5: {  	_ = 	snop  }
0x6: {  	_ = 	snop  }
0x7: {  	_ = 	snop  }
__scs_overlays_trampoline_lowered:
0x8: {  	[smem:$0x3FAC] =	sst s0  }
0x9: {  	[smem:$0x3FAD] =	sst s1  }
0xa: {  	[smem:$0x3FAE] =	sst s2  }
0xb: {  	[smem:$0x3FAF] =	sst s3  }
0xc: {  	[smem:$0x3FB0] =	sst s4  }
0xd: {  	[smem:$0x3FB1] =	sst s5  }
0xe: {  	[smem:$0x3FB2] =	sst s6  }
0xf: {  	[smem:$0x3FB3] =	sst s7  }
0x10: {  	[smem:$0x3FB4] =	sst s8  }
0x11: {  	[smem:$0x3FB5] =	sst s9;
	s0 =	simm.s32 @!p0 $0x0  }
0x12: {  	s1 =	sld [smem:$0x3F9B];
	s0 =	simm.s32 @p0 $0x1  }
0x13: {  	[smem:$0x3FB6] =	sst s0;
	s0 =	simm.s32 @!p1 $0x0  }
0x14: {  	s2 =	sld [smem:$0x3F9A];
	s0 =	simm.s32 @p1 $0x1  }
0x15: {  	[smem:$0x3FB7] =	sst s0;
	s0 =	simm.s32 @!p2 $0x0  }
0x16: {  	s3 =	sld [smem:$0x3FDB];
	s0 =	simm.s32 @p2 $0x1  }
0x17: {  	s4 =	simm.s32 $0x1BF5;
	[smem:$0x3FB9] =	sst s0  }
0x18: {  	s0 =	sld [smem:$0x3F9C];
	_ =	swait.ge [sflag:s4], $0x0  }
0x19: {  	s7 =	sld [smem:$0x3F9D]  }
0x1a: {  	s8 =	sadd.s32 $0xFFFFE003, lr  }
0x1b: {  	s9 =	sadd.s32 $0xFFFFFEF7, lr;
	s5 =	simm.s32 $0xFFFFFFFF;
	p2 =	slt.u32 s8, $0xFFFFF086  }
0x1c: {  	p1 =	slt.u32 s9, $0xF7A;
	s5 =	simm.s32 @!p2 $0x0  }
0x1d: {  	s5 =	simm.s32 @p1 $0x1;
	p0 =	seq.s32 s7, s2  }
0x1e: {  	s7 =	smul.u32 @!p0 $0xF7A, s2;
	p2 =	seq.s32 @!p0 s5, $0x0  }
0x1f: {  	s9 =	smul.u32 $0xF7A, s1;
	s8 =	simm.s32 @!p0 $0x1BF5;
	p2 =	por !p2, p0  }
0x20: {  	[sflag:s8] =	ssyncset.s32 @!p0 $0xFFFFF086;
	s6 =	sadd.s32 @!p0 s3, s7;
	s7 =	simm.s32 @!p0 $0x108  }
0x21: {  	s3 =	sadd.s32 s3, s9;
	s6 =	sadd.s32 @!p0 $0x88, s6;
	s7 =	simm.s32 @p2 $0x1082  }
0x22: {  	[simem:s7], [sflag:s8] =	dma.local @!p0 [hbm:s6], $0xF7A  }
0x23: {  	s9 =	sor.u32 $0xD0000000, s2;
	s6 =	simm.s32 $0x108;
	_ =	swait.ge @!p0 [sflag:s8], $0x0  }
0x24: {  	s3 =	sadd.s32 $0x88, s3;
	s6 =	simm.s32 @!p1 $0x1082;
	[sflag:s4] =	ssyncset.s32 $0xFFFFF086  }
0x25: {  	[simem:s6], [sflag:s4] =	dma.local [hbm:s3], $0xF7A  }
0x26: {  	[smem:$0x3F9D] =	sst s1;
	(tag) =	ssettag s2;
	_ =	strace s9  }
0x27: {  	s1 =	sld [smem:$0x3FAD]  }
0x28: {  	s2 =	sld [smem:$0x3FAE]  }
0x29: {  	s4 =	sld [smem:$0x3FB0]  }
0x2a: {  	p0 =	seq.s32 s5, $0x0;
	s5 =	sld [smem:$0x3FB1]  }
0x2b: {  	s6 =	sld [smem:$0x3FB2]  }
0x2c: {  	s7 =	sld [smem:$0x3FB3]  }
0x2d: {  	s3 =	simm.s32 $0x108;
	s8 =	sld [smem:$0x3FB4]  }
0x2e: {  	s3 =	simm.s32 @!p0 $0x1082;
	s9 =	sld [smem:$0x3FB5]  }
0x2f: {  	lr =	sadd.s32 s0, s3;
	s0 =	sld [smem:$0x3FAC]  }
0x30: {  	s3 =	sld [smem:$0x3FAF]  }
0x31: {  	[smem:$0x3FB8] =	sst s10  }
0x32: {  	s10 =	sld [smem:$0x3FB6];
	_ =	sdelay $0x3  }
0x33: {  	p0 =	seq.s32 s10, $0x1;
	s10 =	sld [smem:$0x3FB8];
	_ =	sdelay $0x3  }
0x34: {  	[smem:$0x3FB8] =	sst s10  }
0x35: {  	s10 =	sld [smem:$0x3FB7];
	_ =	sdelay $0x3  }
0x36: {  	p1 =	seq.s32 s10, $0x1;
	s10 =	sld [smem:$0x3FB8];
	_ =	sdelay $0x3  }
0x37: {  	[smem:$0x3FB8] =	sst s10  }
0x38: {  	s10 =	sld [smem:$0x3FB9]  }
0x39: {  	_ = 	snop;
	(pc) =	sbr.ind lr, $3  }
0x3a: {  	_ = 	snop  }
0x3b: {  	_ = 	snop  }
0x3c: {  	p2 =	seq.s32 s10, $0x1;
	s10 =	sld [smem:$0x3FB8]  }
0x3d: {  	_ =	shalt  }
0x3e: {  	_ =	shalt  }
0x3f: {  	_ =	shalt  }
0x40: {  	_ =	shalt  }
0x41: {  	_ =	shalt  }
0x42: {  	_ =	shalt  }
0x43: {  	_ =	shalt  }
0x44: {  	_ =	shalt  }
0x45: {  	_ =	shalt  }
0x46: {  	_ =	shalt  }
0x47: {  	_ =	shalt  }
0x48: {  	_ =	shalt  }
0x49: {  	_ =	shalt  }
0x4a: {  	_ =	shalt  }
0x4b: {  	_ =	shalt  }
0x4c: {  	_ =	shalt  }
0x4d: {  	_ =	shalt  }
0x4e: {  	_ =	shalt  }
0x4f: {  	_ =	shalt  }
0x50: {  	_ =	shalt  }
0x51: {  	_ =	shalt  }
0x52: {  	_ =	shalt  }
0x53: {  	_ =	shalt  }
0x54: {  	_ =	shalt  }
0x55: {  	_ =	shalt  }
0x56: {  	_ =	shalt  }
0x57: {  	_ =	shalt  }
0x58: {  	_ =	shalt  }
0x59: {  	_ =	shalt  }
0x5a: {  	_ =	shalt  }
0x5b: {  	_ =	shalt  }
0x5c: {  	_ =	shalt  }
0x5d: {  	_ =	shalt  }
0x5e: {  	_ =	shalt  }
0x5f: {  	_ =	shalt  }
0x60: {  	_ =	shalt  }
0x61: {  	_ =	shalt  }
0x62: {  	_ =	shalt  }
0x63: {  	_ =	shalt  }
0x64: {  	_ =	shalt  }
0x65: {  	_ =	shalt  }
0x66: {  	_ =	shalt  }
0x67: {  	_ =	shalt  }
0x68: {  	_ =	shalt  }
0x69: {  	_ =	shalt  }
0x6a: {  	_ =	shalt  }
0x6b: {  	_ =	shalt  }
0x6c: {  	_ =	shalt  }
0x6d: {  	_ =	shalt  }
0x6e: {  	_ =	shalt  }
0x6f: {  	_ =	shalt  }
0x70: {  	_ =	shalt  }
0x71: {  	_ =	shalt  }
0x72: {  	_ =	shalt  }
0x73: {  	_ =	shalt  }
0x74: {  	_ =	shalt  }
0x75: {  	_ =	shalt  }
0x76: {  	_ =	shalt  }
0x77: {  	_ =	shalt  }
0x78: {  	_ =	shalt  }
0x79: {  	_ =	shalt  }
0x7a: {  	_ =	shalt  }
0x7b: {  	_ =	shalt  }
0x7c: {  	_ =	shalt  }
0x7d: {  	_ =	shalt  }
0x7e: {  	_ =	shalt  }
0x7f: {  	_ =	shalt  }
0x80: {  	_ =	shalt  }
0x81: {  	_ =	shalt  }
0x82: {  	_ =	shalt  }
0x83: {  	_ =	shalt  }
0x84: {  	_ =	shalt  }
0x85: {  	_ =	shalt  }
0x86: {  	_ =	shalt  }
0x87: {  	_ =	shalt  }
.Lfunc_end0:
.L_simem_size_0:
called_computation_lowered:
.L_overlay_start_0:
0x88: {  	s2 =	sld [smem:$0x3FD9]  }
0x89: {  	s3 =	sld [smem:$0x3FFE];
	_ =	sdelay $0x1  }
0x8a: {  	s1 =	srdreg.scid  }
0x8b: {  	s0 =	sand.u32 $0x1, s1  }
0x8c: {  	s17 =	sshll.u32 s0, $0xA;
	s2 =	sadd.s32 s3, s2  }
0x8d: {  	s2 =	sadd.s32 s2, s17  }
0x8e: {  	[smem:$0x3FC4] =	sst s2  }
0x8f: {  	_ = 	snop  }
0x90: {  	s2 =	sld [smem:$0x3FD0];
	(tm) =	ssettm $0x1  }
0x91: {  	s18 =	sld [smem:$0x3FFB];
	_ =	sdelay $0x3  }
0x92: {  	_ =	strace s18  }
0x93: {  	s3 =	sld [smem:$0x3FFC];
	_ =	sdelay $0x3  }
0x94: {  	_ =	strace s3  }
0x95: {  	s3 =	sld [smem:$0x3FFD];
	_ =	sdelay $0x3  }
0x96: {  	_ =	strace s3  }
0x97: {  	_ =	strace $0x8FFFFFFF  }
0x98: {  	s19 =	sld [smem:$0x3FDB];
	_ =	sdelay $0x1  }
0x99: {  	s4 =	simm.s32 $_scs_section_size  }
0x9a: {  	s5 =	simm.s32 $_size__tile_overlayer_lowered;
	s6 =	simm.s32 $_tile_overlayer_lowered  }
0x9b: {  	s22 =	simm.s32 $0x1BFF;
	s21 =	sshll.u32 s6, $0x1;
	s3 =	sadd.s32 s4, s19  }
0x9c: {  	s7 =	simm.s32 $0x0;
	s20 =	sshll.u32 s5, $0x1;
	s5 =	sadd.s32 s21, s3  }
0x9d: {  	[timem:s7], [sflag:s22] =	dma.local [hbm:s5], s20  }
0x9e: {  	_ =	swait.ge [sflag:s22], s20  }
0x9f: {  	s4 =	ssub.s32 $0x0, s20;
	[sflag:s22] =	ssyncset.done $0x0  }
0xa0: {  	[sflag:s22] =	ssyncadd.s32 s4;
	_ =	sdelay $0x1  }
0xa1: {  	s23 =	simm.s32 $0x1B8B  }
0xa2: {  	_ =	swait.ge [sflag:s23], $0x1  }
0xa3: {  	[sflag:s23] =	ssyncset.done $0x0  }
0xa4: {  	s25 =	simm.s32 $0x1B8E;
	s24 =	sld [smem:$0x3FFE];
	[sflag:s23] =	ssyncadd.s32 $0xFFFFFFFF  }
0xa5: {  	s26 =	simm.s32 $execute0_lowered;
	[smem:$0x3FD2] =	sst s25  }
0xa6: {  	s5 =	sshll.u32 s26, $0x1;
	_ =	strace $0x80000046;
	[dreg:$0x1] =	wrdreg $0xFFFFFFFF  }
0xa7: {  	s28 =	simm.s32 $_size_execute0_lowered;
	s3 =	sadd.s32 s3, s5;
	[dreg:$0x0] =	wrdreg $0x0  }
0xa8: {  	s5 =	sshll.u32 s28, $0x1;
	[dreg:$0x2] =	wrdreg s3  }
0xa9: {  	[dreg:$0x3] =	wrdreg s5  }
0xaa: {  	[dreg:$0x4] =	wrdreg $0xC0  }
0xab: {  	_ =	task [dreg:s7], $0x5FFFF  }
0xac: {  	[dreg:$0x1] =	wrdreg $0xFFFFFFFF  }
0xad: {  	[dreg:$0x0] =	wrdreg $0x60  }
0xae: {  	[dreg:$0x2] =	wrdreg s24  }
0xaf: {  	[dreg:$0x3] =	wrdreg s2  }
0xb0: {  	[dreg:$0x4] =	wrdreg $0x9  }
0xb1: {  	_ =	task.clear_ibuf [dreg:s7], $0x5FFFF;
	_ =	strace $0x90000046  }
0xb2: {  	s29 =	simm.s32 $0x9;
	_ =	strace $0x80000048  }
0xb3: {  	_ =	swait.ge [sflag:s29], $0x1  }
0xb4: {  	[sflag:s29] =	ssyncadd.s32 $0xFFFFFFFF  }
0xb5: {  	_ =	strace $0x90000048  }
0xb6: {  	_ =	sfence  }
0xb7: {  	s30 =	sld [smem:$0x0];
	_ =	sdelay $0x2  }
0xb8: {  	s31 =	sshll.u32 s1, $0xD;
	s1 =	sshrl.u32 s1, $0x2  }
0xb9: {  	s3 =	sand.u32 $0x4000, s31;
	s1 =	sadd.s32 s1, s30  }
0xba: {  	s0 =	sor.u32 s3, s0;
	s1 =	sshll.u32 s1, $0x11  }
0xbb: {  	s0 =	sor.u32 s1, s0  }
0xbc: {  	s0 =	sadd.s32 $0x8F2B, s0  }
0xbd: {  	[sflag:s0] =	ssyncadd.remote.s32 $0x1  }
0xbe: {  	_ =	sfence.sel $0xFFFF  }
0xbf: {  	[dreg:$0x0] =	wrdreg $0xFFFFFFFF;
	(pc) =	sbr.abs _section_cstart, $3  }
0xc0: {  	[dreg:$0x1] =	wrdreg $0xFFFFFFFF  }
0xc1: {  	_ =	task.clear_ibuf [dreg:s7], $0x2FFFF;
	_ =	strace $0x9FFFFFFF  }
0xc2: {  	(tm) =	ssettm $0x7FFFFFFF  }
0xc3: {  	_ =	shalt  }
tec
execute0_lowered:
.L_overlay_start_1:
0x0: {  	(tag) =	ssettag $0x1  }
0x1: {  	s0 =	srdreg.scid;
	s1 =	rddreg [dreg:$0x0]  }
0x2: {  	s2 =	stileid.u32;
	s5 =	rddreg [dreg:$0x1];
	s8 =	simm.s32 $0x64  }
0x3: {  	s12 =	simm.s32 $0xD0;
	s13 =	simm.s32 $0x9A00;
	s14 =	simm.s32 $0x138  }
0x4: {  	s15 =	simm.s32 $0xB300;
	s16 =	simm.s32 $0x1A0;
	s17 =	simm.s32 $0xCC00  }
0x5: {  	s18 =	simm.s32 $0x208;
	s19 =	simm.s32 $0xE500;
	s20 =	simm.s32 $0x270  }
0x6: {  	s21 =	simm.s32 $0xFE00;
	s22 =	simm.s32 $0x2D8;
	s23 =	simm.s32 $0x11700  }
0x7: {  	s24 =	simm.s32 $0x1;
	s25 =	simm.s32 $0x2;
	s26 =	simm.s32 $0x3  }
0x8: {  	s28 =	simm.s32 $0x4;
	s0 =	sand.u32 $0x1, s0;
	s2 =	sshll.u32 s2, $0x1  }
0x9: {  	s29 =	simm.s32 $0x13000;
	s30 =	simm.s32 $0x0;
	s4 =	sor.u32 s0, s2  }
.Ltmp0:
0xa: {  	s2 =	simm.s32 $0x0;
	s0 =	ssub.s32 $0x2, s0;
	(pc) =	sbr.rel .LBB2_1-.Ltmp0, $4  }
0xb: {  	s3 =	smul.u32 $0xD00, s4;
	[smem:$0x7FF] =	sst s2;
	s31 =	sshrl.u32 s0, $0x1  }
0xc: {  	s7 =	sshll.u32 s4, $0xA;
	_ =	strace $0x80000047;
	s0 =	ssub.s32 s0, s31  }
0xd: {  	s5 =	sadd.s32 s5, s7;
	s7 =	simm.s32 $0x5;
	s6 =	sadd.s32 s3, s1  }
0xe: {  	s3 =	sadd.s32 $0xF42E00, s1;
	s4 =	sadd.s32 $0xA00, s6;
	s6 =	smax.u32 s0, $0x1  }
.LBB2_12:
0xf: {  	s30 =	sadd.s32 $0x1, s30  }
0x10: {  	p0 =	sne.s32 s30, s6  }
.Ltmp1:
0x11: {  	_ = 	snop;
	(pc) =	sbr.rel @!p0 .LBB2_13-.Ltmp1, $4  }
0x12: {  	[hbm4b:s5+s2] =	stream.linear.scatter [tilespmem:s29], [sflag:$0x5], $0x2000, $0x38;
	[tilespmem:$0x15000] =	vst v63  }
0x13: {  	_ =	swait.ge [sflag:s7], $0x2000  }
0x14: {  	[sflag:s7] =	ssyncset.done $0x0  }
0x15: {  	[sflag:s7] =	ssyncadd.s32 $0xFFFFE000  }
.LBB2_1:
0x16: {  	[tilespmem:s2], [sflag:$0x5] =	stream.linear.gather [hbm4b:s4+s2], $0x6800, $0x38;
	[tilespmem:$0x15000] =	vst v63  }
0x17: {  	_ =	swait.ge [sflag:s7], $0x6800  }
0x18: {  	[sflag:s7] =	ssyncset.done $0x0  }
0x19: {  	s0 =	simm.s32 $0x6800;
	[sflag:s7] =	ssyncadd.s32 $0xFFFF9800  }
0x1a: {  	[tilespmem:s0], [sflag:$0x1] =	stream.indirect.gather [hbm4b:s3+s8], $0x40, s2, s8, $0xb8;
	[tilespmem:$0x15000] =	vst v63  }
0x1b: {  	s11 =	simm.s32 $0x68;
	s1 =	simm.s32 $0x8100  }
0x1c: {  	[tilespmem:s1], [sflag:$0x1] =	stream.indirect.gather [hbm4b:s3+s8], $0x40, s11, s8, $0xb8;
	[tilespmem:$0x15000] =	vst v63  }
0x1d: {  	_ = 	snop  }
0x1e: {  	[tilespmem:s13], [sflag:$0x2] =	stream.indirect.gather [hbm4b:s3+s8], $0x40, s12, s8, $0xb8;
	[tilespmem:$0x15000] =	vst v63  }
0x1f: {  	_ = 	snop  }
0x20: {  	[tilespmem:s15], [sflag:$0x2] =	stream.indirect.gather [hbm4b:s3+s8], $0x40, s14, s8, $0xb8;
	[tilespmem:$0x15000] =	vst v63  }
0x21: {  	_ = 	snop  }
0x22: {  	[tilespmem:s17], [sflag:$0x3] =	stream.indirect.gather [hbm4b:s3+s8], $0x40, s16, s8, $0xb8;
	[tilespmem:$0x15000] =	vst v63  }
0x23: {  	_ = 	snop  }
0x24: {  	[tilespmem:s19], [sflag:$0x3] =	stream.indirect.gather [hbm4b:s3+s8], $0x40, s18, s8, $0xb8;
	[tilespmem:$0x15000] =	vst v63  }
0x25: {  	_ = 	snop  }
0x26: {  	[tilespmem:s21], [sflag:$0x4] =	stream.indirect.gather [hbm4b:s3+s8], $0x40, s20, s8, $0xb8;
	[tilespmem:$0x15000] =	vst v63  }
0x27: {  	s31 =	simm.s32 $0x0  }
0x28: {  	[tilespmem:s23], [sflag:$0x4] =	stream.indirect.gather [hbm4b:s3+s8], $0x40, s22, s8, $0xb8;
	[tilespmem:$0x15000] =	vst v63  }
.LBB2_2:
0x29: {  	_ =	swait.ge [sflag:s24], $0x1900  }
0x2a: {  	[sflag:s24] =	ssyncset.done $0x0  }
0x2b: {  	[sflag:s24] =	ssyncadd.s32 $0xFFFFE700  }
0x2c: {  	_ =	swait.ge [sflag:s24], $0x1900  }
0x2d: {  	[sflag:s24] =	ssyncset.done $0x0  }
0x2e: {  	s0 =	simm.s32 $0x80;
	[sflag:s24] =	ssyncadd.s32 $0xFFFFE700  }
0x2f: {  	v6 =	vld [tilespmem:s0+$0x8140]  }
0x30: {  	v1 =	vld [tilespmem:s0+$0x8150]  }
0x31: {  	v0 =	vld [tilespmem:s0+$0x8160]  }
0x32: {  	v9 =	vld [tilespmem:s0+$0x6840]  }
0x33: {  	v2 =	vld [tilespmem:s0+$0x6850]  }
0x34: {  	v3 =	vld [tilespmem:s0+$0x6860]  }
0x35: {  	v13 =	vld [tilespmem:s0+$0x8100]  }
0x36: {  	v4 =	vld [tilespmem:s0+$0x8110]  }
0x37: {  	v5 =	vld [tilespmem:s0+$0x8120]  }
0x38: {  	v18 =	vld [tilespmem:s0+$0x6800]  }
0x39: {  	v7 =	vld [tilespmem:s0+$0x6810]  }
0x3a: {  	v8 =	vld [tilespmem:s0+$0x6820]  }
0x3b: {  	v21 =	vld [tilespmem:s0+$0x80C0]  }
0x3c: {  	v11 =	vld [tilespmem:s0+$0x80D0]  }
0x3d: {  	v10 =	vld [tilespmem:s0+$0x80E0]  }
0x3e: {  	v14 =	vld [tilespmem:s0+$0x67C0]  }
0x3f: {  	v15 =	vld [tilespmem:s0+$0x6780]  }
0x40: {  	v22 =	vld [tilespmem:s0+$0x8080]  }
0x41: {  	v17 =	vld [tilespmem:s0+$0x67D0]  }
0x42: {  	v16 =	vld [tilespmem:s0+$0x67E0]  }
0x43: {  	v12 =	vimm.f32 $-Inf;
	v19 =	vld [tilespmem:s0+$0x8090]  }
0x44: {  	v20 =	vld [tilespmem:s0+$0x80A0];
	v15 =	vmax.f32 v12, v15  }
0x45: {  	v23 =	vld [tilespmem:s0+$0x6790];
	v15 =	vmax.f32 v15, v22  }
0x46: {  	s1 =	simm.s32 $0x600;
	v22 =	vld [tilespmem:s0+$0x67A0];
	v24 =	vmax.f32 v15, v14;
	v15 =	vimm.f32 $-Inf;
	v14 =	vimm.f32 $-Inf  }
.LBB2_3:
0x47: {  	p0 =	sne.s32 s1, $0x6200;
	v25 =	vld [tilespmem:s0+$0x67B0];
	v21 =	vmax.f32 v24, v21  }
0x48: {  	v24 =	vld [tilespmem:s0+$0x80B0];
	v18 =	vmax.f32 v21, v18  }
0x49: {  	v21 =	vld [tilespmem:s0+$0x67F0];
	v13 =	vmax.f32 v18, v13  }
0x4a: {  	v18 =	vld [tilespmem:s0+$0x80F0];
	v9 =	vmax.f32 v13, v9  }
0x4b: {  	v13 =	vld [tilespmem:s0+$0x6830];
	v26 =	vmax.f32 v9, v6  }
0x4c: {  	v6 =	vmax.f32 v12, v23;
	v9 =	vmax.f32 v15, v22;
	v12 =	vmax.f32 v14, v25;
	v14 =	vld [tilespmem:s0+$0x8130]  }
0x4d: {  	v6 =	vmax.f32 v6, v19;
	v9 =	vmax.f32 v9, v20;
	v12 =	vmax.f32 v12, v24;
	v15 =	vld [tilespmem:s0+$0x6870]  }
0x4e: {  	v17 =	vmax.f32 v6, v17;
	v9 =	vmax.f32 v9, v16;
	v12 =	vmax.f32 v12, v21;
	v16 =	vld [tilespmem:s0+$0x8170];
	s0 =	sshra.s32 s1, $0x2  }
0x4f: {  	v11 =	vmax.f32 v17, v11;
	v9 =	vmax.f32 v9, v10;
	v6 =	vld [tilespmem:s0+$0x8140];
	v10 =	vmax.f32 v12, v18  }
0x50: {  	v7 =	vmax.f32 v11, v7;
	v8 =	vmax.f32 v9, v8;
	v17 =	vld [tilespmem:s0+$0x8150];
	v9 =	vmax.f32 v10, v13  }
0x51: {  	v4 =	vmax.f32 v7, v4;
	v5 =	vmax.f32 v8, v5;
	v10 =	vld [tilespmem:s0+$0x8160];
	v7 =	vmax.f32 v9, v14  }
0x52: {  	v4 =	vmax.f32 v4, v2;
	v3 =	vmax.f32 v5, v3;
	v9 =	vld [tilespmem:s0+$0x6840];
	v5 =	vmax.f32 v7, v15  }
0x53: {  	v12 =	vmax.f32 v4, v1;
	v15 =	vmax.f32 v3, v0;
	v2 =	vld [tilespmem:s0+$0x6850];
	v14 =	vmax.f32 v5, v16  }
0x54: {  	v3 =	vld [tilespmem:s0+$0x6860]  }
0x55: {  	v13 =	vld [tilespmem:s0+$0x8100];
	v1 =	vmov v17  }
0x56: {  	v4 =	vld [tilespmem:s0+$0x8110];
	v0 =	vmov v10  }
0x57: {  	v5 =	vld [tilespmem:s0+$0x8120]  }
0x58: {  	v18 =	vld [tilespmem:s0+$0x6800]  }
0x59: {  	v7 =	vld [tilespmem:s0+$0x6810]  }
0x5a: {  	v8 =	vld [tilespmem:s0+$0x6820]  }
0x5b: {  	v21 =	vld [tilespmem:s0+$0x80C0]  }
0x5c: {  	v11 =	vld [tilespmem:s0+$0x80D0]  }
0x5d: {  	v10 =	vld [tilespmem:s0+$0x80E0]  }
0x5e: {  	v24 =	vld [tilespmem:s0+$0x67C0]  }
0x5f: {  	v20 =	vld [tilespmem:s0+$0x6780]  }
0x60: {  	v22 =	vld [tilespmem:s0+$0x8080]  }
0x61: {  	v17 =	vld [tilespmem:s0+$0x67D0]  }
.Ltmp2:
0x62: {  	v16 =	vld [tilespmem:s0+$0x67E0];
	(pc) =	sbr.rel @p0 .LBB2_3-.Ltmp2, $4  }
0x63: {  	v19 =	vld [tilespmem:s0+$0x8090]  }
0x64: {  	v23 =	vmax.f32 v26, v20;
	v20 =	vld [tilespmem:s0+$0x80A0]  }
0x65: {  	v25 =	vmax.f32 v23, v22;
	v23 =	vld [tilespmem:s0+$0x6790]  }
0x66: {  	s1 =	sadd.s32 $0x400, s1;
	v22 =	vld [tilespmem:s0+$0x67A0];
	v24 =	vmax.f32 v25, v24  }
0x67: {  	v25 =	vld [tilespmem:s0+$0x67B0];
	v21 =	vmax.f32 v24, v21  }
0x68: {  	v24 =	vld [tilespmem:s0+$0x80B0];
	v18 =	vmax.f32 v21, v18  }
0x69: {  	v21 =	vld [tilespmem:s0+$0x67F0];
	v13 =	vmax.f32 v18, v13  }
0x6a: {  	v18 =	vld [tilespmem:s0+$0x80F0];
	v9 =	vmax.f32 v13, v9;
	v12 =	vmax.f32 v12, v23  }
0x6b: {  	v13 =	vld [tilespmem:s0+$0x6830];
	v6 =	vmax.f32 v9, v6;
	v9 =	vmax.f32 v15, v22;
	v12 =	vmax.f32 v12, v19  }
0x6c: {  	v15 =	vld [tilespmem:s0+$0x8130];
	v14 =	vmax.f32 v14, v25;
	v9 =	vmax.f32 v9, v20;
	v12 =	vmax.f32 v12, v17  }
0x6d: {  	v17 =	vld [tilespmem:s0+$0x6870];
	v14 =	vmax.f32 v14, v24;
	v9 =	vmax.f32 v9, v16;
	v11 =	vmax.f32 v12, v11  }
0x6e: {  	v12 =	vmax.f32 v14, v21;
	v14 =	vld [tilespmem:s0+$0x8170];
	v9 =	vmax.f32 v9, v10;
	v7 =	vmax.f32 v11, v7  }
0x6f: {  	s11 =	sshll.u32 s31, $0x8;
	v10 =	vmax.f32 v12, v18;
	v8 =	vmax.f32 v9, v8;
	v4 =	vmax.f32 v7, v4  }
0x70: {  	p0 =	seq.s32 s31, $0x1F;
	s1 =	sand.u32 $0x3FFFFF00, s11;
	v7 =	vmax.f32 v10, v13;
	v5 =	vmax.f32 v8, v5;
	v2 =	vmax.f32 v4, v2  }
0x71: {  	[tilespmem:s1+$0x13000] =	vst v6;
	s0 =	smul.u32 @!p0 $0xD00, s31;
	v4 =	vmax.f32 v7, v15;
	v3 =	vmax.f32 v5, v3;
	v1 =	vmax.f32 v2, v1  }
0x72: {  	v2 =	vmax.f32 v4, v17;
	v0 =	vmax.f32 v3, v0;
	[tilespmem:s1+$0x13010] =	vst v1  }
0x73: {  	s0 =	sshra.s32 @!p0 s0, $0x2;
	v1 =	vmax.f32 v2, v14;
	[tilespmem:s1+$0x13020] =	vst v0  }
0x74: {  	s10 =	simm.s32 @!p0 $0x64;
	s11 =	simm.s32 @!p0 $0x6800;
	s9 =	sadd.s32 @!p0 $0x340, s0;
	[tilespmem:s1+$0x13030] =	vst v1  }
0x75: {  	[tilespmem:s11], [sflag:$0x1] =	stream.indirect.gather @!p0 [hbm4b:s3+s10], $0x40, s9, s10, $0xb8;
	[tilespmem:$0x15000] =	vst v63  }
0x76: {  	s9 =	sadd.s32 @!p0 $0x3A8, s0;
	s11 =	simm.s32 @!p0 $0x8100  }
0x77: {  	[tilespmem:s11], [sflag:$0x1] =	stream.indirect.gather @!p0 [hbm4b:s3+s10], $0x40, s9, s10, $0xb8;
	[tilespmem:$0x15000] =	vst v63  }
0x78: {  	_ =	swait.ge [sflag:s25], $0x1900  }
0x79: {  	[sflag:s25] =	ssyncset.done $0x0  }
0x7a: {  	[sflag:s25] =	ssyncadd.s32 $0xFFFFE700  }
0x7b: {  	_ =	swait.ge [sflag:s25], $0x1900  }
0x7c: {  	[sflag:s25] =	ssyncset.done $0x0  }
0x7d: {  	s9 =	simm.s32 $0x0;
	[sflag:s25] =	ssyncadd.s32 $0xFFFFE700  }
0x7e: {  	v6 =	vld [tilespmem:s9+$0xB3C0]  }
0x7f: {  	v0 =	vld [tilespmem:s9+$0xB3D0]  }
0x80: {  	v1 =	vld [tilespmem:s9+$0xB3E0]  }
0x81: {  	v9 =	vld [tilespmem:s9+$0x9AC0]  }
0x82: {  	v2 =	vld [tilespmem:s9+$0x9AD0]  }
0x83: {  	v3 =	vld [tilespmem:s9+$0x9AE0]  }
0x84: {  	v13 =	vld [tilespmem:s9+$0xB380]  }
0x85: {  	v4 =	vld [tilespmem:s9+$0xB390]  }
0x86: {  	v5 =	vld [tilespmem:s9+$0xB3A0]  }
0x87: {  	v18 =	vld [tilespmem:s9+$0x9A80]  }
0x88: {  	v7 =	vld [tilespmem:s9+$0x9A90]  }
0x89: {  	v8 =	vld [tilespmem:s9+$0x9AA0]  }
0x8a: {  	v21 =	vld [tilespmem:s9+$0xB340]  }
0x8b: {  	v11 =	vld [tilespmem:s9+$0xB350]  }
0x8c: {  	v10 =	vld [tilespmem:s9+$0xB360]  }
0x8d: {  	v14 =	vld [tilespmem:s9+$0x9A40]  }
0x8e: {  	v15 =	vld [tilespmem:s9+$0x9A00]  }
0x8f: {  	v22 =	vld [tilespmem:s9+$0xB300]  }
0x90: {  	v17 =	vld [tilespmem:s9+$0x9A50]  }
0x91: {  	v16 =	vld [tilespmem:s9+$0x9A60]  }
0x92: {  	v12 =	vimm.f32 $-Inf;
	v19 =	vld [tilespmem:s9+$0xB310]  }
0x93: {  	v20 =	vld [tilespmem:s9+$0xB320];
	v15 =	vmax.f32 v12, v15  }
0x94: {  	v23 =	vld [tilespmem:s9+$0x9A10];
	v15 =	vmax.f32 v15, v22  }
0x95: {  	s10 =	simm.s32 $0x400;
	v22 =	vld [tilespmem:s9+$0x9A20];
	v24 =	vmax.f32 v15, v14;
	v15 =	vimm.f32 $-Inf;
	v14 =	vimm.f32 $-Inf  }
.LBB2_5:
0x96: {  	p1 =	sne.s32 s10, $0x6000;
	v25 =	vld [tilespmem:s9+$0x9A30];
	v21 =	vmax.f32 v24, v21  }
0x97: {  	v24 =	vld [tilespmem:s9+$0xB330];
	v18 =	vmax.f32 v21, v18  }
0x98: {  	v21 =	vld [tilespmem:s9+$0x9A70];
	v13 =	vmax.f32 v18, v13  }
0x99: {  	v18 =	vld [tilespmem:s9+$0xB370];
	v9 =	vmax.f32 v13, v9  }
0x9a: {  	v13 =	vld [tilespmem:s9+$0x9AB0];
	v26 =	vmax.f32 v9, v6  }
0x9b: {  	v6 =	vmax.f32 v12, v23;
	v9 =	vmax.f32 v15, v22;
	v12 =	vmax.f32 v14, v25;
	v14 =	vld [tilespmem:s9+$0xB3B0]  }
0x9c: {  	v6 =	vmax.f32 v6, v19;
	v9 =	vmax.f32 v9, v20;
	v12 =	vmax.f32 v12, v24;
	v15 =	vld [tilespmem:s9+$0x9AF0]  }
0x9d: {  	v17 =	vmax.f32 v6, v17;
	v9 =	vmax.f32 v9, v16;
	v12 =	vmax.f32 v12, v21;
	v16 =	vld [tilespmem:s9+$0xB3F0];
	s9 =	sshra.s32 s10, $0x2  }
0x9e: {  	v11 =	vmax.f32 v17, v11;
	v9 =	vmax.f32 v9, v10;
	v6 =	vld [tilespmem:s9+$0xB3C0];
	v10 =	vmax.f32 v12, v18  }
0x9f: {  	v7 =	vmax.f32 v11, v7;
	v8 =	vmax.f32 v9, v8;
	v17 =	vld [tilespmem:s9+$0xB3D0];
	v9 =	vmax.f32 v10, v13  }
0xa0: {  	v4 =	vmax.f32 v7, v4;
	v5 =	vmax.f32 v8, v5;
	v10 =	vld [tilespmem:s9+$0xB3E0];
	v7 =	vmax.f32 v9, v14  }
0xa1: {  	v4 =	vmax.f32 v4, v2;
	v3 =	vmax.f32 v5, v3;
	v9 =	vld [tilespmem:s9+$0x9AC0];
	v5 =	vmax.f32 v7, v15  }
0xa2: {  	v12 =	vmax.f32 v4, v0;
	v15 =	vmax.f32 v3, v1;
	v2 =	vld [tilespmem:s9+$0x9AD0];
	v14 =	vmax.f32 v5, v16  }
0xa3: {  	v3 =	vld [tilespmem:s9+$0x9AE0]  }
0xa4: {  	v13 =	vld [tilespmem:s9+$0xB380];
	v0 =	vmov v17  }
0xa5: {  	v4 =	vld [tilespmem:s9+$0xB390];
	v1 =	vmov v10  }
0xa6: {  	v5 =	vld [tilespmem:s9+$0xB3A0]  }
0xa7: {  	v18 =	vld [tilespmem:s9+$0x9A80]  }
0xa8: {  	v7 =	vld [tilespmem:s9+$0x9A90]  }
0xa9: {  	v8 =	vld [tilespmem:s9+$0x9AA0]  }
0xaa: {  	v21 =	vld [tilespmem:s9+$0xB340]  }
0xab: {  	v11 =	vld [tilespmem:s9+$0xB350]  }
0xac: {  	v10 =	vld [tilespmem:s9+$0xB360]  }
0xad: {  	v24 =	vld [tilespmem:s9+$0x9A40]  }
0xae: {  	v20 =	vld [tilespmem:s9+$0x9A00]  }
0xaf: {  	v22 =	vld [tilespmem:s9+$0xB300]  }
0xb0: {  	v17 =	vld [tilespmem:s9+$0x9A50]  }
.Ltmp3:
0xb1: {  	v16 =	vld [tilespmem:s9+$0x9A60];
	(pc) =	sbr.rel @p1 .LBB2_5-.Ltmp3, $4  }
0xb2: {  	v19 =	vld [tilespmem:s9+$0xB310]  }
0xb3: {  	v23 =	vmax.f32 v26, v20;
	v20 =	vld [tilespmem:s9+$0xB320]  }
0xb4: {  	v25 =	vmax.f32 v23, v22;
	v23 =	vld [tilespmem:s9+$0x9A10]  }
0xb5: {  	s10 =	sadd.s32 $0x400, s10;
	v22 =	vld [tilespmem:s9+$0x9A20];
	v24 =	vmax.f32 v25, v24  }
0xb6: {  	v25 =	vld [tilespmem:s9+$0x9A30];
	v21 =	vmax.f32 v24, v21  }
0xb7: {  	v24 =	vld [tilespmem:s9+$0xB330];
	v18 =	vmax.f32 v21, v18  }
0xb8: {  	v21 =	vld [tilespmem:s9+$0x9A70];
	v13 =	vmax.f32 v18, v13  }
0xb9: {  	v18 =	vld [tilespmem:s9+$0xB370];
	v9 =	vmax.f32 v13, v9;
	v12 =	vmax.f32 v12, v23  }
0xba: {  	v13 =	vld [tilespmem:s9+$0x9AB0];
	v6 =	vmax.f32 v9, v6;
	v9 =	vmax.f32 v15, v22;
	v12 =	vmax.f32 v12, v19  }
0xbb: {  	v15 =	vld [tilespmem:s9+$0xB3B0];
	v14 =	vmax.f32 v14, v25;
	v9 =	vmax.f32 v9, v20;
	v12 =	vmax.f32 v12, v17  }
0xbc: {  	v17 =	vld [tilespmem:s9+$0x9AF0];
	v14 =	vmax.f32 v14, v24;
	v9 =	vmax.f32 v9, v16;
	v11 =	vmax.f32 v12, v11  }
0xbd: {  	v12 =	vmax.f32 v14, v21;
	v14 =	vld [tilespmem:s9+$0xB3F0];
	v9 =	vmax.f32 v9, v10;
	v7 =	vmax.f32 v11, v7  }
0xbe: {  	v10 =	vmax.f32 v12, v18;
	v8 =	vmax.f32 v9, v8;
	v4 =	vmax.f32 v7, v4  }
0xbf: {  	v7 =	vmax.f32 v10, v13;
	v5 =	vmax.f32 v8, v5;
	v2 =	vmax.f32 v4, v2  }
0xc0: {  	[tilespmem:s1+$0x13040] =	vst v6;
	v4 =	vmax.f32 v7, v15;
	v3 =	vmax.f32 v5, v3;
	v0 =	vmax.f32 v2, v0  }
0xc1: {  	v2 =	vmax.f32 v4, v17;
	v1 =	vmax.f32 v3, v1;
	[tilespmem:s1+$0x13050] =	vst v0  }
0xc2: {  	v0 =	vmax.f32 v2, v14;
	[tilespmem:s1+$0x13060] =	vst v1  }
0xc3: {  	s10 =	simm.s32 @!p0 $0x64;
	s11 =	simm.s32 @!p0 $0x9A00;
	s9 =	sadd.s32 @!p0 $0x410, s0;
	[tilespmem:s1+$0x13070] =	vst v0  }
0xc4: {  	[tilespmem:s11], [sflag:$0x2] =	stream.indirect.gather @!p0 [hbm4b:s3+s10], $0x40, s9, s10, $0xb8;
	[tilespmem:$0x15000] =	vst v63  }
0xc5: {  	s9 =	sadd.s32 @!p0 $0x478, s0;
	s11 =	simm.s32 @!p0 $0xB300  }
0xc6: {  	[tilespmem:s11], [sflag:$0x2] =	stream.indirect.gather @!p0 [hbm4b:s3+s10], $0x40, s9, s10, $0xb8;
	[tilespmem:$0x15000] =	vst v63  }
0xc7: {  	_ =	swait.ge [sflag:s26], $0x1900  }
0xc8: {  	[sflag:s26] =	ssyncset.done $0x0  }
0xc9: {  	[sflag:s26] =	ssyncadd.s32 $0xFFFFE700  }
0xca: {  	_ =	swait.ge [sflag:s26], $0x1900  }
0xcb: {  	[sflag:s26] =	ssyncset.done $0x0  }
0xcc: {  	s9 =	simm.s32 $0x0;
	[sflag:s26] =	ssyncadd.s32 $0xFFFFE700  }
0xcd: {  	v6 =	vld [tilespmem:s9+$0xE5C0]  }
0xce: {  	v0 =	vld [tilespmem:s9+$0xE5D0]  }
0xcf: {  	v1 =	vld [tilespmem:s9+$0xE5E0]  }
0xd0: {  	v9 =	vld [tilespmem:s9+$0xCCC0]  }
0xd1: {  	v2 =	vld [tilespmem:s9+$0xCCD0]  }
0xd2: {  	v3 =	vld [tilespmem:s9+$0xCCE0]  }
0xd3: {  	v13 =	vld [tilespmem:s9+$0xE580]  }
0xd4: {  	v4 =	vld [tilespmem:s9+$0xE590]  }
0xd5: {  	v5 =	vld [tilespmem:s9+$0xE5A0]  }
0xd6: {  	v18 =	vld [tilespmem:s9+$0xCC80]  }
0xd7: {  	v7 =	vld [tilespmem:s9+$0xCC90]  }
0xd8: {  	v8 =	vld [tilespmem:s9+$0xCCA0]  }
0xd9: {  	v21 =	vld [tilespmem:s9+$0xE540]  }
0xda: {  	v11 =	vld [tilespmem:s9+$0xE550]  }
0xdb: {  	v10 =	vld [tilespmem:s9+$0xE560]  }
0xdc: {  	v14 =	vld [tilespmem:s9+$0xCC40]  }
0xdd: {  	v15 =	vld [tilespmem:s9+$0xCC00]  }
0xde: {  	v22 =	vld [tilespmem:s9+$0xE500]  }
0xdf: {  	v17 =	vld [tilespmem:s9+$0xCC50]  }
0xe0: {  	v16 =	vld [tilespmem:s9+$0xCC60]  }
0xe1: {  	v12 =	vimm.f32 $-Inf;
	v19 =	vld [tilespmem:s9+$0xE510]  }
0xe2: {  	v20 =	vld [tilespmem:s9+$0xE520];
	v15 =	vmax.f32 v12, v15  }
0xe3: {  	v23 =	vld [tilespmem:s9+$0xCC10];
	v15 =	vmax.f32 v15, v22  }
0xe4: {  	s10 =	simm.s32 $0x400;
	v22 =	vld [tilespmem:s9+$0xCC20];
	v24 =	vmax.f32 v15, v14;
	v15 =	vimm.f32 $-Inf;
	v14 =	vimm.f32 $-Inf  }
.LBB2_7:
0xe5: {  	p1 =	sne.s32 s10, $0x6000;
	v25 =	vld [tilespmem:s9+$0xCC30];
	v21 =	vmax.f32 v24, v21  }
0xe6: {  	v24 =	vld [tilespmem:s9+$0xE530];
	v18 =	vmax.f32 v21, v18  }
0xe7: {  	v21 =	vld [tilespmem:s9+$0xCC70];
	v13 =	vmax.f32 v18, v13  }
0xe8: {  	v18 =	vld [tilespmem:s9+$0xE570];
	v9 =	vmax.f32 v13, v9  }
0xe9: {  	v13 =	vld [tilespmem:s9+$0xCCB0];
	v26 =	vmax.f32 v9, v6  }
0xea: {  	v6 =	vmax.f32 v12, v23;
	v9 =	vmax.f32 v15, v22;
	v12 =	vmax.f32 v14, v25;
	v14 =	vld [tilespmem:s9+$0xE5B0]  }
0xeb: {  	v6 =	vmax.f32 v6, v19;
	v9 =	vmax.f32 v9, v20;
	v12 =	vmax.f32 v12, v24;
	v15 =	vld [tilespmem:s9+$0xCCF0]  }
0xec: {  	v17 =	vmax.f32 v6, v17;
	v9 =	vmax.f32 v9, v16;
	v12 =	vmax.f32 v12, v21;
	v16 =	vld [tilespmem:s9+$0xE5F0];
	s9 =	sshra.s32 s10, $0x2  }
0xed: {  	v11 =	vmax.f32 v17, v11;
	v9 =	vmax.f32 v9, v10;
	v6 =	vld [tilespmem:s9+$0xE5C0];
	v10 =	vmax.f32 v12, v18  }
0xee: {  	v7 =	vmax.f32 v11, v7;
	v8 =	vmax.f32 v9, v8;
	v17 =	vld [tilespmem:s9+$0xE5D0];
	v9 =	vmax.f32 v10, v13  }
0xef: {  	v4 =	vmax.f32 v7, v4;
	v5 =	vmax.f32 v8, v5;
	v10 =	vld [tilespmem:s9+$0xE5E0];
	v7 =	vmax.f32 v9, v14  }
0xf0: {  	v4 =	vmax.f32 v4, v2;
	v3 =	vmax.f32 v5, v3;
	v9 =	vld [tilespmem:s9+$0xCCC0];
	v5 =	vmax.f32 v7, v15  }
0xf1: {  	v12 =	vmax.f32 v4, v0;
	v15 =	vmax.f32 v3, v1;
	v2 =	vld [tilespmem:s9+$0xCCD0];
	v14 =	vmax.f32 v5, v16  }
0xf2: {  	v3 =	vld [tilespmem:s9+$0xCCE0]  }
0xf3: {  	v13 =	vld [tilespmem:s9+$0xE580];
	v0 =	vmov v17  }
0xf4: {  	v4 =	vld [tilespmem:s9+$0xE590];
	v1 =	vmov v10  }
0xf5: {  	v5 =	vld [tilespmem:s9+$0xE5A0]  }
0xf6: {  	v18 =	vld [tilespmem:s9+$0xCC80]  }
0xf7: {  	v7 =	vld [tilespmem:s9+$0xCC90]  }
0xf8: {  	v8 =	vld [tilespmem:s9+$0xCCA0]  }
0xf9: {  	v21 =	vld [tilespmem:s9+$0xE540]  }
0xfa: {  	v11 =	vld [tilespmem:s9+$0xE550]  }
0xfb: {  	v10 =	vld [tilespmem:s9+$0xE560]  }
0xfc: {  	v24 =	vld [tilespmem:s9+$0xCC40]  }
0xfd: {  	v20 =	vld [tilespmem:s9+$0xCC00]  }
0xfe: {  	v22 =	vld [tilespmem:s9+$0xE500]  }
0xff: {  	v17 =	vld [tilespmem:s9+$0xCC50]  }
.Ltmp4:
0x100: {  	v16 =	vld [tilespmem:s9+$0xCC60];
	(pc) =	sbr.rel @p1 .LBB2_7-.Ltmp4, $4  }
0x101: {  	v19 =	vld [tilespmem:s9+$0xE510]  }
0x102: {  	v23 =	vmax.f32 v26, v20;
	v20 =	vld [tilespmem:s9+$0xE520]  }
0x103: {  	v25 =	vmax.f32 v23, v22;
	v23 =	vld [tilespmem:s9+$0xCC10]  }
0x104: {  	s10 =	sadd.s32 $0x400, s10;
	v22 =	vld [tilespmem:s9+$0xCC20];
	v24 =	vmax.f32 v25, v24  }
0x105: {  	v25 =	vld [tilespmem:s9+$0xCC30];
	v21 =	vmax.f32 v24, v21  }
0x106: {  	v24 =	vld [tilespmem:s9+$0xE530];
	v18 =	vmax.f32 v21, v18  }
0x107: {  	v21 =	vld [tilespmem:s9+$0xCC70];
	v13 =	vmax.f32 v18, v13  }
0x108: {  	v18 =	vld [tilespmem:s9+$0xE570];
	v9 =	vmax.f32 v13, v9;
	v12 =	vmax.f32 v12, v23  }
0x109: {  	v13 =	vld [tilespmem:s9+$0xCCB0];
	v6 =	vmax.f32 v9, v6;
	v9 =	vmax.f32 v15, v22;
	v12 =	vmax.f32 v12, v19  }
0x10a: {  	v15 =	vld [tilespmem:s9+$0xE5B0];
	v14 =	vmax.f32 v14, v25;
	v9 =	vmax.f32 v9, v20;
	v12 =	vmax.f32 v12, v17  }
0x10b: {  	v17 =	vld [tilespmem:s9+$0xCCF0];
	v14 =	vmax.f32 v14, v24;
	v9 =	vmax.f32 v9, v16;
	v11 =	vmax.f32 v12, v11  }
0x10c: {  	v12 =	vmax.f32 v14, v21;
	v14 =	vld [tilespmem:s9+$0xE5F0];
	v9 =	vmax.f32 v9, v10;
	v7 =	vmax.f32 v11, v7  }
0x10d: {  	v10 =	vmax.f32 v12, v18;
	v8 =	vmax.f32 v9, v8;
	v4 =	vmax.f32 v7, v4  }
0x10e: {  	v7 =	vmax.f32 v10, v13;
	v5 =	vmax.f32 v8, v5;
	v2 =	vmax.f32 v4, v2  }
0x10f: {  	[tilespmem:s1+$0x13080] =	vst v6;
	v4 =	vmax.f32 v7, v15;
	v3 =	vmax.f32 v5, v3;
	v0 =	vmax.f32 v2, v0  }
0x110: {  	v2 =	vmax.f32 v4, v17;
	v1 =	vmax.f32 v3, v1;
	[tilespmem:s1+$0x13090] =	vst v0  }
0x111: {  	v0 =	vmax.f32 v2, v14;
	[tilespmem:s1+$0x130A0] =	vst v1  }
0x112: {  	s10 =	simm.s32 @!p0 $0x64;
	s11 =	simm.s32 @!p0 $0xCC00;
	s9 =	sadd.s32 @!p0 $0x4E0, s0;
	[tilespmem:s1+$0x130B0] =	vst v0  }
0x113: {  	[tilespmem:s11], [sflag:$0x3] =	stream.indirect.gather @!p0 [hbm4b:s3+s10], $0x40, s9, s10, $0xb8;
	[tilespmem:$0x15000] =	vst v63  }
0x114: {  	s0 =	sadd.s32 @!p0 $0x548, s0;
	s9 =	simm.s32 @!p0 $0xE500  }
0x115: {  	[tilespmem:s9], [sflag:$0x3] =	stream.indirect.gather @!p0 [hbm4b:s3+s10], $0x40, s0, s10, $0xb8;
	[tilespmem:$0x15000] =	vst v63  }
0x116: {  	_ =	swait.ge [sflag:s28], $0x1900  }
0x117: {  	[sflag:s28] =	ssyncset.done $0x0  }
0x118: {  	[sflag:s28] =	ssyncadd.s32 $0xFFFFE700  }
0x119: {  	_ =	swait.ge [sflag:s28], $0x1900  }
0x11a: {  	[sflag:s28] =	ssyncset.done $0x0  }
0x11b: {  	s0 =	simm.s32 $0x0;
	[sflag:s28] =	ssyncadd.s32 $0xFFFFE700  }
0x11c: {  	v6 =	vld [tilespmem:s0+$0x117C0]  }
0x11d: {  	v0 =	vld [tilespmem:s0+$0x117D0]  }
0x11e: {  	v1 =	vld [tilespmem:s0+$0x117E0]  }
0x11f: {  	v9 =	vld [tilespmem:s0+$0xFEC0]  }
0x120: {  	v2 =	vld [tilespmem:s0+$0xFED0]  }
0x121: {  	v3 =	vld [tilespmem:s0+$0xFEE0]  }
0x122: {  	v13 =	vld [tilespmem:s0+$0x11780]  }
0x123: {  	v4 =	vld [tilespmem:s0+$0x11790]  }
0x124: {  	v5 =	vld [tilespmem:s0+$0x117A0]  }
0x125: {  	v18 =	vld [tilespmem:s0+$0xFE80]  }
0x126: {  	v7 =	vld [tilespmem:s0+$0xFE90]  }
0x127: {  	v8 =	vld [tilespmem:s0+$0xFEA0]  }
0x128: {  	v21 =	vld [tilespmem:s0+$0x11740]  }
0x129: {  	v11 =	vld [tilespmem:s0+$0x11750]  }
0x12a: {  	v10 =	vld [tilespmem:s0+$0x11760]  }
0x12b: {  	v14 =	vld [tilespmem:s0+$0xFE40]  }
0x12c: {  	v15 =	vld [tilespmem:s0+$0xFE00]  }
0x12d: {  	v22 =	vld [tilespmem:s0+$0x11700]  }
0x12e: {  	v17 =	vld [tilespmem:s0+$0xFE50]  }
0x12f: {  	v16 =	vld [tilespmem:s0+$0xFE60]  }
0x130: {  	v12 =	vimm.f32 $-Inf;
	v19 =	vld [tilespmem:s0+$0x11710]  }
0x131: {  	v20 =	vld [tilespmem:s0+$0x11720];
	v15 =	vmax.f32 v12, v15  }
0x132: {  	v23 =	vld [tilespmem:s0+$0xFE10];
	v15 =	vmax.f32 v15, v22  }
0x133: {  	s9 =	simm.s32 $0x400;
	v22 =	vld [tilespmem:s0+$0xFE20];
	v24 =	vmax.f32 v15, v14;
	v15 =	vimm.f32 $-Inf;
	v14 =	vimm.f32 $-Inf  }
.LBB2_9:
0x134: {  	p1 =	sne.s32 s9, $0x6000;
	v25 =	vld [tilespmem:s0+$0xFE30];
	v21 =	vmax.f32 v24, v21  }
0x135: {  	v24 =	vld [tilespmem:s0+$0x11730];
	v18 =	vmax.f32 v21, v18  }
0x136: {  	v21 =	vld [tilespmem:s0+$0xFE70];
	v13 =	vmax.f32 v18, v13  }
0x137: {  	v18 =	vld [tilespmem:s0+$0x11770];
	v9 =	vmax.f32 v13, v9  }
0x138: {  	v13 =	vld [tilespmem:s0+$0xFEB0];
	v26 =	vmax.f32 v9, v6  }
0x139: {  	v6 =	vmax.f32 v12, v23;
	v9 =	vmax.f32 v15, v22;
	v12 =	vmax.f32 v14, v25;
	v14 =	vld [tilespmem:s0+$0x117B0]  }
0x13a: {  	v6 =	vmax.f32 v6, v19;
	v9 =	vmax.f32 v9, v20;
	v12 =	vmax.f32 v12, v24;
	v15 =	vld [tilespmem:s0+$0xFEF0]  }
0x13b: {  	v17 =	vmax.f32 v6, v17;
	v9 =	vmax.f32 v9, v16;
	v12 =	vmax.f32 v12, v21;
	v16 =	vld [tilespmem:s0+$0x117F0];
	s0 =	sshra.s32 s9, $0x2  }
0x13c: {  	v11 =	vmax.f32 v17, v11;
	v9 =	vmax.f32 v9, v10;
	v6 =	vld [tilespmem:s0+$0x117C0];
	v10 =	vmax.f32 v12, v18  }
0x13d: {  	v7 =	vmax.f32 v11, v7;
	v8 =	vmax.f32 v9, v8;
	v17 =	vld [tilespmem:s0+$0x117D0];
	v9 =	vmax.f32 v10, v13  }
0x13e: {  	v4 =	vmax.f32 v7, v4;
	v5 =	vmax.f32 v8, v5;
	v10 =	vld [tilespmem:s0+$0x117E0];
	v7 =	vmax.f32 v9, v14  }
0x13f: {  	v4 =	vmax.f32 v4, v2;
	v3 =	vmax.f32 v5, v3;
	v9 =	vld [tilespmem:s0+$0xFEC0];
	v5 =	vmax.f32 v7, v15  }
0x140: {  	v12 =	vmax.f32 v4, v0;
	v15 =	vmax.f32 v3, v1;
	v2 =	vld [tilespmem:s0+$0xFED0];
	v14 =	vmax.f32 v5, v16  }
0x141: {  	v3 =	vld [tilespmem:s0+$0xFEE0]  }
0x142: {  	v13 =	vld [tilespmem:s0+$0x11780];
	v0 =	vmov v17  }
0x143: {  	v4 =	vld [tilespmem:s0+$0x11790];
	v1 =	vmov v10  }
0x144: {  	v5 =	vld [tilespmem:s0+$0x117A0]  }
0x145: {  	v18 =	vld [tilespmem:s0+$0xFE80]  }
0x146: {  	v7 =	vld [tilespmem:s0+$0xFE90]  }
0x147: {  	v8 =	vld [tilespmem:s0+$0xFEA0]  }
0x148: {  	v21 =	vld [tilespmem:s0+$0x11740]  }
0x149: {  	v11 =	vld [tilespmem:s0+$0x11750]  }
0x14a: {  	v10 =	vld [tilespmem:s0+$0x11760]  }
0x14b: {  	v24 =	vld [tilespmem:s0+$0xFE40]  }
0x14c: {  	v20 =	vld [tilespmem:s0+$0xFE00]  }
0x14d: {  	v22 =	vld [tilespmem:s0+$0x11700]  }
0x14e: {  	v17 =	vld [tilespmem:s0+$0xFE50]  }
.Ltmp5:
0x14f: {  	v16 =	vld [tilespmem:s0+$0xFE60];
	(pc) =	sbr.rel @p1 .LBB2_9-.Ltmp5, $4  }
0x150: {  	v19 =	vld [tilespmem:s0+$0x11710]  }
0x151: {  	v23 =	vmax.f32 v26, v20;
	v20 =	vld [tilespmem:s0+$0x11720]  }
0x152: {  	v25 =	vmax.f32 v23, v22;
	v23 =	vld [tilespmem:s0+$0xFE10]  }
0x153: {  	s9 =	sadd.s32 $0x400, s9;
	v22 =	vld [tilespmem:s0+$0xFE20];
	v24 =	vmax.f32 v25, v24  }
0x154: {  	v25 =	vld [tilespmem:s0+$0xFE30];
	v21 =	vmax.f32 v24, v21  }
0x155: {  	v50 =	vld [tilespmem:s0+$0x11730];
	v18 =	vmax.f32 v21, v18  }
0x156: {  	v51 =	vld [tilespmem:s0+$0xFE70];
	v13 =	vmax.f32 v18, v13  }
0x157: {  	v52 =	vld [tilespmem:s0+$0x11770];
	v9 =	vmax.f32 v13, v9;
	v12 =	vmax.f32 v12, v23  }
0x158: {  	v53 =	vld [tilespmem:s0+$0xFEB0];
	v6 =	vmax.f32 v9, v6;
	v54 =	vmax.f32 v15, v22;
	v12 =	vmax.f32 v12, v19  }
0x159: {  	v55 =	vld [tilespmem:s0+$0x117B0];
	v14 =	vmax.f32 v14, v25;
	v9 =	vmax.f32 v54, v20;
	v12 =	vmax.f32 v12, v17  }
0x15a: {  	v56 =	vld [tilespmem:s0+$0xFEF0];
	v14 =	vmax.f32 v14, v50;
	v9 =	vmax.f32 v9, v16;
	v11 =	vmax.f32 v12, v11  }
0x15b: {  	v58 =	vld [tilespmem:s0+$0x117F0];
	v57 =	vmax.f32 v14, v51;
	v9 =	vmax.f32 v9, v10;
	v7 =	vmax.f32 v11, v7  }
0x15c: {  	v59 =	vmax.f32 v57, v52;
	v8 =	vmax.f32 v9, v8;
	v4 =	vmax.f32 v7, v4  }
.Ltmp6:
0x15d: {  	v60 =	vmax.f32 v59, v53;
	v5 =	vmax.f32 v8, v5;
	v2 =	vmax.f32 v4, v2;
	(pc) =	sbr.rel @p0 .LBB2_12-.Ltmp6, $4  }
0x15e: {  	[tilespmem:s1+$0x130C0] =	vst v6;
	v61 =	vmax.f32 v60, v55;
	v3 =	vmax.f32 v5, v3;
	v0 =	vmax.f32 v2, v0  }
0x15f: {  	v62 =	vmax.f32 v61, v56;
	v1 =	vmax.f32 v3, v1;
	[tilespmem:s1+$0x130D0] =	vst v0  }
0x160: {  	v63 =	vmax.f32 v62, v58;
	[tilespmem:s1+$0x130E0] =	vst v1  }
0x161: {  	[tilespmem:s1+$0x130F0] =	vst v63  }
0x162: {  	s0 =	smul.u32 $0xD00, s31;
	_ =	sdelay $0x1  }
.Ltmp7:
0x163: {  	s0 =	sshra.s32 s0, $0x2;
	(pc) =	sbr.rel .LBB2_2-.Ltmp7, $4  }
0x164: {  	s1 =	sadd.s32 $0x5B0, s0  }
0x165: {  	[tilespmem:s21], [sflag:$0x4] =	stream.indirect.gather [hbm4b:s3+s8], $0x40, s1, s8, $0xb8;
	[tilespmem:$0x15000] =	vst v63  }
0x166: {  	s31 =	sadd.s32 $0x1, s31;
	s0 =	sadd.s32 $0x618, s0  }
0x167: {  	[tilespmem:s23], [sflag:$0x4] =	stream.indirect.gather [hbm4b:s3+s8], $0x40, s0, s8, $0xb8;
	[tilespmem:$0x15000] =	vst v63  }
.LBB2_13:
0x168: {  	_ =	sfence.sel $0x180000  }
0x169: {  	[bflag:$0x0] =	sbarrier.arrive $0xFFFF  }
0x16a: {  	_ =	strace $0x90000047  }
0x16b: {  	s0 =	stileid.u32;
	[bflag:$0x2] =	sbarrier.arrive $0xFFFF  }
0x16c: {  	p0 =	sne.s32 s0, $0x0;
	s0 =	rddreg [dreg:$0x2]  }
0x16d: {  	s0 =	sadd.s32 @!p0 $0x100000, s0  }
0x16e: {  	[sflag:s0] =	ssyncadd.tile.s32 @!p0 $0x1;
	_ =	shalt  }
.Lfunc_end2:
_tile_overlayer_lowered:
.L_overlay_start_2:
0x16f: {  	(tag) =	ssettag $0x2  }
0x170: {  	s0 =	rddreg [dreg:$0x0];
	s2 =	stileid.u32  }
0x171: {  	s1 =	rddreg [dreg:$0x1];
	p0 =	sne.s32 s2, $0x0  }
0x172: {  	s3 =	rddreg [dreg:$0x2];
	[bflag:$0x3] =	sbarrier.arrive $0xFFFF;
	s2 =	simm.s32 @!p0 $0x1C05  }
0x173: {  	[timem:s3], [sflag:s2] =	dma.local @!p0 [hbm:s0], s1  }
0x174: {  	s0 =	simm.s32 @!p0 $0x5  }
0x175: {  	_ =	swait.ge @!p0 [sflag:s0], s1  }
0x176: {  	s1 =	ssub.s32 @!p0 $0x0, s1;
	[sflag:s0] =	ssyncset.done @!p0 $0x0  }
0x177: {  	[sflag:s0] =	ssyncadd.s32 @!p0 s1  }
0x178: {  	[bflag:$0x3] =	sbarrier.arrive $0xFFFF  }
0x179: {  	_ =	shalt  }

</sc_bundles>
